<compile_context>
chip_gen: v7x
topology: tpu7x:2x2x1
jax: 0.10.2.dev20260603
libtpu: 0.0.44.dev20260713+nightly
codegen_flags: <defaults>
</compile_context>

<pallas_src>
import dataclasses
import functools

import jax
import jax.numpy as jnp
import numpy as np
from jax.experimental import pallas as pl
from jax.experimental.pallas import tpu as pltpu
from jax.experimental.pallas import tpu_sc as plsc

BN_EPS = 1e-5
D = 128
N_NODES = 10000
GATHER_WIN = 128
NW = 32
SNODE = 320
SACC = 336
CWIN = 2048


def _uv_body(x_ref, wd_ref, wb_ref, u_ref, v_ref):
    xb = x_ref[...]
    u_ref[...] = jnp.dot(xb, wd_ref[...], preferred_element_type=jnp.float32)
    v_ref[...] = jnp.dot(xb, wb_ref[...], preferred_element_type=jnp.float32)


def _uv_project(x, WdT, WbT):
    n = x.shape[0]
    blk = 2000
    return pl.pallas_call(
        _uv_body,
        grid=(n // blk,),
        in_specs=[
            pl.BlockSpec((blk, D), lambda i: (i, 0)),
            pl.BlockSpec((D, D), lambda i: (0, 0)),
            pl.BlockSpec((D, D), lambda i: (0, 0)),
        ],
        out_specs=[
            pl.BlockSpec((blk, D), lambda i: (i, 0)),
            pl.BlockSpec((blk, D), lambda i: (i, 0)),
        ],
        out_shape=[
            jax.ShapeDtypeStruct((n, D), jnp.float32),
            jax.ShapeDtypeStruct((n, D), jnp.float32),
        ],
    )(x, WdT, WbT)


def _sc_gather(U, V, dst_e, src_e, e_pad):
    mesh = plsc.VectorSubcoreMesh(core_axis_name="c", subcore_axis_name="s")

    @functools.partial(
        pl.kernel,
        out_type=[
            jax.ShapeDtypeStruct((e_pad, D), jnp.float32),
            jax.ShapeDtypeStruct((e_pad, D), jnp.float32),
        ],
        mesh=mesh,
    )
    def gather_kernel(u_hbm, v_hbm, di_hbm, si_hbm, gu_hbm, gv_hbm):
        def body(di_v, si_v, gu_v, gv_v):
            def run(sem_u, sem_v):
                cu = pltpu.async_copy(u_hbm.at[di_v.at[0]], gu_v, sem_u)
                cv = pltpu.async_copy(v_hbm.at[si_v.at[0]], gv_v, sem_v)
                cu.wait()
                cv.wait()

            pl.run_scoped(run, pltpu.SemaphoreType.DMA, pltpu.SemaphoreType.DMA)

        pltpu.emit_pipeline(
            body,
            grid=(e_pad // GATHER_WIN,),
            in_specs=[
                pl.BlockSpec((1, GATHER_WIN), index_map=lambda i: (0, i)),
                pl.BlockSpec((1, GATHER_WIN), index_map=lambda i: (0, i)),
            ],
            out_specs=[
                pl.BlockSpec((GATHER_WIN, D), index_map=lambda i: (i, 0)),
                pl.BlockSpec((GATHER_WIN, D), index_map=lambda i: (i, 0)),
            ],
            core_axis_name=("c", "s"),
            dimension_semantics=(pltpu.PARALLEL,),
        )(di_hbm, si_hbm, gu_hbm, gv_hbm)

    return gather_kernel(U, V, dst_e.reshape(1, e_pad), src_e.reshape(1, e_pad))


FLUSH = 2048
BATCH = 256


def _sc_compiler_params():
    cp = pltpu.CompilerParams()
    if "needs_layout_passes" in pltpu.CompilerParams.__dataclass_fields__:
        cp = dataclasses.replace(cp, needs_layout_passes=False)
    return cp


def _sc_compact(dst_e, e_pad):
    mesh = plsc.VectorSubcoreMesh(core_axis_name="c", subcore_axis_name="s")
    nwin = e_pad // CWIN
    cap = e_pad + FLUSH + BATCH

    @functools.partial(
        pl.kernel,
        out_type=[
            jax.ShapeDtypeStruct((NW, cap), jnp.int32),
            jax.ShapeDtypeStruct((NW, 128), jnp.int32),
        ],
        mesh=mesh,
        scratch_types=[
            pltpu.VMEM((CWIN,), jnp.int32),
            pltpu.VMEM((2 * FLUSH + BATCH,), jnp.int32),
            pltpu.VMEM((16,), jnp.int32),
        ],
        compiler_params=_sc_compiler_params(),
    )
    def compact_kernel(dst_hbm, ids_hbm, counts_hbm, dwin, libuf, cntv):
        w = jax.lax.axis_index("s") * 2 + jax.lax.axis_index("c")
        lo = w * SNODE
        hi = lo + SNODE
        iota = jax.lax.iota(jnp.int32, 16)

        def flush(nflush, n_words):
            off = nflush * FLUSH
            pltpu.sync_copy(libuf.at[pl.ds(0, FLUSH)],
                            ids_hbm.at[w].at[pl.ds(off, FLUSH)])
            def mv(k, _):
                libuf[pl.ds(k * 16, 16)] = libuf[pl.ds(FLUSH + k * 16, 16)]
                return 0

            jax.lax.fori_loop(0, jnp.maximum(n_words - FLUSH + 15, 0) // 16,
                              mv, 0)

        def window(win, carry):
            cnt, nflush = carry
            pltpu.sync_copy(dst_hbm.at[pl.ds(win * CWIN, CWIN)], dwin)

            def vec(k, cnt):
                dv = dwin[pl.ds(k * 16, 16)]
                m = (dv >= lo) & (dv < hi)
                ids = iota + (win * CWIN + k * 16)
                plsc.store_compressed(libuf.at[pl.ds(cnt, 16)], ids, mask=m)
                return cnt + plsc.all_reduce_population_count(m)[0]

            cnt = jax.lax.fori_loop(0, CWIN // 16, vec, cnt)

            @pl.when(cnt >= FLUSH)
            def do_flush():
                flush(nflush, cnt)
            return (jnp.where(cnt >= FLUSH, cnt - FLUSH, cnt),
                    jnp.where(cnt >= FLUSH, nflush + 1, nflush))

        cnt, nflush = jax.lax.fori_loop(0, nwin, window,
                                        (jnp.int32(0), jnp.int32(0)))
        for p in range(BATCH // 16):
            libuf[pl.ds(cnt + p * 16, 16)] = iota * 8 + p
        cnt128 = (cnt + BATCH - 1) & ~(BATCH - 1)
        total = nflush * FLUSH + cnt128
        flush(nflush, cnt128)
        cntv[...] = jnp.zeros((16,), jnp.int32) + total
        pltpu.sync_copy(cntv, counts_hbm.at[w].at[pl.ds(0, 16)])

    return compact_kernel(dst_e)


def _sc_segmax(ids, dst_e, counts, m2, e_pad):
    mesh = plsc.VectorSubcoreMesh(core_axis_name="c", subcore_axis_name="s")

    @functools.partial(
        pl.kernel,
        out_type=jax.ShapeDtypeStruct((NW * SNODE, D), jnp.float32),
        mesh=mesh,
        scratch_types=[
            pltpu.VMEM((SACC, D), jnp.float32),
            pltpu.VMEM((BATCH,), jnp.int32),
            pltpu.VMEM((BATCH,), jnp.int32),
            pltpu.VMEM((BATCH + 16,), jnp.int32),
            pltpu.VMEM((BATCH, D), jnp.float32),
            pltpu.VMEM((16,), jnp.int32),
            pltpu.SemaphoreType.DMA,
            pltpu.SemaphoreType.DMA,
        ],
        compiler_params=_sc_compiler_params(),
    )
    def segmax_kernel(ids_hbm, dst_hbm, counts_hbm, m2_hbm, agg_hbm,
                      acc, idbuf, dstbuf, ldbuf, rowbuf, cntv, sem, sem2):
        w = jax.lax.axis_index("s") * 2 + jax.lax.axis_index("c")
        lo = w * SNODE
        hi = lo + SNODE
        neg = jnp.full((16,), -jnp.inf, jnp.float32)

        def initrow(i, _):
            def initchunk(c, _):
                acc[i, pl.ds(c * 16, 16)] = neg
                return 0

            return jax.lax.fori_loop(0, D // 16, initchunk, 0)

        jax.lax.fori_loop(0, SACC, initrow, 0)

        pltpu.sync_copy(counts_hbm.at[w].at[pl.ds(0, 16)], cntv)
        nb = cntv[...][0] // BATCH

        def batch(b, _):
            pltpu.sync_copy(ids_hbm.at[w].at[pl.ds(b * BATCH, BATCH)], idbuf)
            cr = pltpu.async_copy(m2_hbm.at[idbuf], rowbuf, sem)
            cd = pltpu.async_copy(dst_hbm.at[idbuf], dstbuf, sem2)
            cd.wait()
            def mkld(k, _):
                dv = dstbuf[pl.ds(k * 16, 16)]
                inr = (dv >= lo) & (dv < hi)
                ldbuf[pl.ds(k * 16, 16)] = jnp.where(inr, dv - lo, SNODE)
                return 0

            jax.lax.fori_loop(0, BATCH // 16, mkld, 0)
            cr.wait()

            def edge(j, _):
                ld = ldbuf[pl.ds(j, 16)][0]
                for c in range(D // 16):
                    sl = pl.ds(c * 16, 16)
                    acc[ld, sl] = jnp.maximum(acc[ld, sl], rowbuf[j, sl])
                return 0

            return jax.lax.fori_loop(0, BATCH, edge, 0)

        jax.lax.fori_loop(0, nb, batch, 0)
        pltpu.sync_copy(acc.at[pl.ds(0, SNODE)],
                        agg_hbm.at[pl.ds(w * SNODE, SNODE)])

    return segmax_kernel(ids, dst_e, counts, m2)


def _edge_mlp_body(gu_ref, gv_ref, b1_ref, w2_ref, b2_ref, s2_ref, be2_ref,
                   m2_ref):
    z1 = gu_ref[...] + gv_ref[...] + b1_ref[...]
    h = jnp.maximum(z1, 0.0)
    z2 = jnp.dot(h, w2_ref[...], preferred_element_type=jnp.float32)
    z2 = z2 + b2_ref[...]
    m2_ref[...] = jnp.maximum(z2, 0.0) * s2_ref[...] + be2_ref[...]


def _edge_mlp(gU, gV, b1, W2p, b2p, s2, be2):
    e_pad = gU.shape[0]
    blk = 2048
    row = lambda a: a.reshape(1, D)
    return pl.pallas_call(
        _edge_mlp_body,
        grid=(e_pad // blk,),
        in_specs=[
            pl.BlockSpec((blk, D), lambda i: (i, 0)),
            pl.BlockSpec((blk, D), lambda i: (i, 0)),
            pl.BlockSpec((1, D), lambda i: (0, 0)),
            pl.BlockSpec((D, D), lambda i: (0, 0)),
            pl.BlockSpec((1, D), lambda i: (0, 0)),
            pl.BlockSpec((1, D), lambda i: (0, 0)),
            pl.BlockSpec((1, D), lambda i: (0, 0)),
        ],
        out_specs=pl.BlockSpec((blk, D), lambda i: (i, 0)),
        out_shape=jax.ShapeDtypeStruct((e_pad, D), jnp.float32),
    )(gU, gV, row(b1), W2p, row(b2p), row(s2), row(be2))


def _final_mlp_body(a_ref, w_ref, b_ref, s_ref, be_ref, o_ref):
    z = jnp.dot(a_ref[...], w_ref[...], preferred_element_type=jnp.float32)
    z = z + b_ref[...]
    h = jnp.maximum(z, 0.0)
    o_ref[...] = h * s_ref[...] + be_ref[...]


def _final_mlp(agg, W3T, b3, s3, be3):
    n = agg.shape[0]
    blk = 2000
    row = lambda a: a.reshape(1, D)
    return pl.pallas_call(
        _final_mlp_body,
        grid=(n // blk,),
        in_specs=[
            pl.BlockSpec((blk, D), lambda i: (i, 0)),
            pl.BlockSpec((D, D), lambda i: (0, 0)),
            pl.BlockSpec((1, D), lambda i: (0, 0)),
            pl.BlockSpec((1, D), lambda i: (0, 0)),
            pl.BlockSpec((1, D), lambda i: (0, 0)),
        ],
        out_specs=pl.BlockSpec((blk, D), lambda i: (i, 0)),
        out_shape=jax.ShapeDtypeStruct((n, D), jnp.float32),
    )(agg, W3T, row(b3), row(s3), row(be3))


def kernel(x, tpl_edge_index, W1, b1, g1, be1, W2, b2, g2, be2, W3, b3, g3, be3):
    n = x.shape[0]
    inv = 1.0 / np.sqrt(1.0 + BN_EPS)
    s1 = g1 * inv
    s2 = g2 * inv
    s3 = g3 * inv
    W2p = (W2 * s1[None, :]).T
    b2p = b2 + W2 @ be1

    src = tpl_edge_index[0].astype(jnp.int32)
    dst = tpl_edge_index[1].astype(jnp.int32)
    n_edges = src.shape[0]
    loop = jnp.arange(n, dtype=jnp.int32)
    e_real = n_edges + n
    e_pad = ((e_real + GATHER_WIN * NW - 1) // (GATHER_WIN * NW)) * (GATHER_WIN * NW)
    pad = e_pad - e_real
    pad_idx = jnp.arange(pad, dtype=jnp.int32) % jnp.int32(n)
    src_e = jnp.concatenate([src, loop, pad_idx])
    dst_e = jnp.concatenate([dst, loop, pad_idx])

    W1a = W1[:, :D]
    W1b = W1[:, D:]
    U, V = _uv_project(x, (W1a - W1b).T, W1b.T)

    gU, gV = _sc_gather(U, V, dst_e, src_e, e_pad)
    m2 = _edge_mlp(gU, gV, b1, W2p, b2p, s2, be2)
    ids, counts = _sc_compact(dst_e, e_pad)
    agg = _sc_segmax(ids, dst_e, counts, m2, e_pad)[:n]

    return _final_mlp(agg, W3.T, b3, s3, be3)

# --- scband reference (transcript-rebuilt; emitter-appended) ---
"""Pipeline reference for scband-gcutpl-50173807952233 (READ-ONLY COPY).

The authoritative reference and input builder live on the scoring server;
editing this copy changes nothing except your own understanding.
"""

import jax, jax.numpy as jnp
import numpy as np

N_NODES = 10000
N_EDGES = 320000
D = 128
BN_EPS = 1e-5


def _bn_eval(h, g, b):
    # BatchNorm1d in eval mode with fresh running stats (mean=0, var=1)
    return (h / jnp.sqrt(1.0 + BN_EPS)) * g + b


def _mlp_layer(h, W, b, g, beta):
    h = h @ W.T + b
    h = jnp.maximum(h, 0.0)
    return _bn_eval(h, g, beta)


def setup_inputs(seed: int = 0) -> dict:
    key = jax.random.key(seed)
    ks = jax.random.split(key, 16)
    x = jax.random.normal(ks[0], (N_NODES, D), dtype=jnp.float32)
    edge_index = jax.random.randint(ks[1], (2, N_EDGES), 0, N_NODES)
    # EdgeConv nn = MLP([2*D, D, D])
    W1 = jax.random.normal(ks[2], (D, 2 * D), dtype=jnp.float32) / np.sqrt(2 * D)
    b1 = jnp.zeros((D,), jnp.float32)
    g1 = jnp.ones((D,), jnp.float32)
    be1 = jnp.zeros((D,), jnp.float32)
    W2 = jax.random.normal(ks[3], (D, D), dtype=jnp.float32) / np.sqrt(D)
    b2 = jnp.zeros((D,), jnp.float32)
    g2 = jnp.ones((D,), jnp.float32)
    be2 = jnp.zeros((D,), jnp.float32)
    # outer mlp = MLP([D, D])
    W3 = jax.random.normal(ks[4], (D, D), dtype=jnp.float32) / np.sqrt(D)
    b3 = jnp.zeros((D,), jnp.float32)
    g3 = jnp.ones((D,), jnp.float32)
    be3 = jnp.zeros((D,), jnp.float32)
    return {"x": x, "tpl_edge_index": edge_index,
            "W1": W1, "b1": b1, "g1": g1, "be1": be1,
            "W2": W2, "b2": b2, "g2": g2, "be2": be2,
            "W3": W3, "b3": b3, "g3": g3, "be3": be3}


def reference(x, tpl_edge_index, W1, b1, g1, be1, W2, b2, g2, be2, W3, b3, g3, be3):
    n = x.shape[0]
    src = tpl_edge_index[0]
    dst = tpl_edge_index[1]
    # remove_self_loops (fixed-shape): self-loop edges stay as self-loops; their
    # messages equal the added self-loop messages, so max aggregation is unchanged
    keep = src != dst
    src = jnp.where(keep, src, dst)
    # add_self_loops
    loop = jnp.arange(n, dtype=src.dtype)
    src = jnp.concatenate([src, loop])
    dst = jnp.concatenate([dst, loop])
    # message: nn(cat([x_i, x_j - x_i]))
    x_j = x[src]
    x_i = x[dst]
    m = jnp.concatenate([x_i, x_j - x_i], axis=1)
    m = _mlp_layer(m, W1, b1, g1, be1)
    m = _mlp_layer(m, W2, b2, g2, be2)
    # aggr='max' over destination nodes (every node has a self-loop)
    agg = jax.ops.segment_max(m, dst, num_segments=n)
    # outer MLP
    out = _mlp_layer(agg, W3, b3, g3, be3)
    return out

if __name__ == "__main__":
    import jax
    _d = setup_inputs()
    print(jax.jit(kernel)(*tuple(_d.values())))

</pallas_src>

<mosaic_0001>
#map = affine_map<(d0, d1) -> (0, 0)>
#map1 = affine_map<(d0, d1) -> (0)>
module attributes {stable_mosaic.version = 14 : i64} {
  func.func @segmax_kernel(%arg0: i32, %arg1: i32, %arg2: memref<32x334080xi32, #tpu.memory_space<hbm>>, %arg3: memref<331776xi32, #tpu.memory_space<hbm>>, %arg4: memref<32x128xi32, #tpu.memory_space<hbm>>, %arg5: memref<331776x128xf32, #tpu.memory_space<hbm>>, %arg6: memref<10240x128xf32, #tpu.memory_space<hbm>>, %arg7: memref<336x128xf32, #tpu.memory_space<vmem>>, %arg8: memref<256xi32, #tpu.memory_space<vmem>>, %arg9: memref<256xi32, #tpu.memory_space<vmem>>, %arg10: memref<272xi32, #tpu.memory_space<vmem>>, %arg11: memref<256x128xf32, #tpu.memory_space<vmem>>, %arg12: memref<16xi32, #tpu.memory_space<vmem>>, %arg13: memref<!tpu.dma_semaphore, #tpu.memory_space<semaphore_mem>>, %arg14: memref<!tpu.dma_semaphore, #tpu.memory_space<semaphore_mem>>) attributes {dimension_semantics = [#tpu.dimension_semantics<core_parallel>, #tpu.dimension_semantics<subcore_parallel>], iteration_bounds = array<i64: 2, 16>, scalar_prefetch = 0 : i64, scratch_operands = 8 : i64, tpu.core_type = #tpu.core_type<sc_vector_subcore>, window_params = [{transform_indices = #map}, {transform_indices = #map1}, {transform_indices = #map}, {transform_indices = #map}, {transform_indices = #map}]} {
    %mul3A = arith.constant 2 : i32
    %mul3A_0 = arith.muli %arg1, %mul3A : i32
    %add3A = arith.addi %mul3A_0, %arg0 : i32
    %mul3A_1 = arith.constant 320 : i32
    %mul3A_2 = arith.muli %add3A, %mul3A_1 : i32
    %add3A_3 = arith.constant 320 : i32
    %add3A_4 = arith.addi %mul3A_2, %add3A_3 : i32
    %broadcast_in_dim3A = arith.constant 0xFF800000 : f32
    %broadcast_in_dim3A_5 = vector.broadcast %broadcast_in_dim3A : f32 to vector<16xf32>
    %scan3A = arith.constant 0 : i32
    %scan3A_6 = arith.constant 0 : i32
    %scan3A_7 = arith.constant 336 : i32
    %scan3A_8 = arith.addi %scan3A_6, %scan3A_7 : i32
    %scan3A_9 = arith.constant 1 : i32
    %scan3A_10 = scf.for %scan3A_42 = %scan3A_6 to %scan3A_8 step %scan3A_9 iter_args(%scan3A_43 = %scan3A) -> (i32)  : i32 {
      %scan3A_44 = arith.constant 0 : i32
      %scan3A_45 = arith.constant 0 : i32
      %scan3A_46 = arith.constant 8 : i32
      %scan3A_47 = arith.addi %scan3A_45, %scan3A_46 : i32
      %scan3A_48 = arith.constant 1 : i32
      %scan3A_49 = scf.for %scan3A_51 = %scan3A_45 to %scan3A_47 step %scan3A_48 iter_args(%scan3A_52 = %scan3A_44) -> (i32)  : i32 {
        %mul3A_53 = arith.constant 16 : i32
        %mul3A_54 = arith.muli %scan3A_51, %mul3A_53 : i32
        %swap3A = arith.index_cast %scan3A_42 : i32 to index
        %swap3A_55 = arith.index_cast %mul3A_54 : i32 to index
        %swap3A_56 = tpu.vector_load %arg7[%swap3A, %swap3A_55] {strides = array<i32>} : memref<336x128xf32, #tpu.memory_space<vmem>>, vector<16xf32>,
        tpu.vector_store %arg7[%swap3A, %swap3A_55], %broadcast_in_dim3A_5 {strides = array<i32>} : memref<336x128xf32, #tpu.memory_space<vmem>>, vector<16xf32>,
        %scan3A_57 = arith.constant 0 : i32
        scf.yield %scan3A_57 : i32
      }
      %scan3A_50 = arith.constant 8 : i32
      scf.yield %scan3A_49 : i32
    }
    %scan3A_11 = arith.constant 336 : i32
    "tpu.region"() ({
      %run_scoped3A = tpu.sem_alloc : memref<!tpu.dma_semaphore, #tpu.memory_space<semaphore_mem>>
      %dma_start3A = arith.constant 0 : i32
      %dma_start3A_42 = tpu.memref_slice %arg4[%add3A, %dma_start3A] : memref<32x128xi32, #tpu.memory_space<hbm>> -> memref<1x128xi32, #tpu.memory_space<hbm>>
      %dma_start3A_43 = tpu.memref_squeeze %dma_start3A_42 : memref<1x128xi32, #tpu.memory_space<hbm>> -> memref<128xi32, #tpu.memory_space<hbm>>
      %dma_start3A_44 = arith.constant 0 : i32
      %dma_start3A_45 = tpu.memref_slice %dma_start3A_43[%dma_start3A_44] : memref<128xi32, #tpu.memory_space<hbm>> -> memref<16xi32, #tpu.memory_space<hbm>>
      %dma_start3A_46 = arith.constant 0 : i32
      %dma_start3A_47 = tpu.memref_slice %arg4[%add3A, %dma_start3A_46] : memref<32x128xi32, #tpu.memory_space<hbm>> -> memref<1x128xi32, #tpu.memory_space<hbm>>
      %dma_start3A_48 = tpu.memref_squeeze %dma_start3A_47 : memref<1x128xi32, #tpu.memory_space<hbm>> -> memref<128xi32, #tpu.memory_space<hbm>>
      %dma_start3A_49 = arith.constant 0 : i32
      %dma_start3A_50 = tpu.memref_slice %dma_start3A_48[%dma_start3A_49] : memref<128xi32, #tpu.memory_space<hbm>> -> memref<16xi32, #tpu.memory_space<hbm>>
      tpu.enqueue_dma source(%dma_start3A_50 : memref<16xi32, #tpu.memory_space<hbm>>) target(%arg12 : memref<16xi32, #tpu.memory_space<vmem>>) target_semaphore(%run_scoped3A : memref<!tpu.dma_semaphore, #tpu.memory_space<semaphore_mem>>)
      %dma_wait3A = arith.constant 0 : i32
      %dma_wait3A_51 = tpu.memref_slice %arg4[%add3A, %dma_wait3A] : memref<32x128xi32, #tpu.memory_space<hbm>> -> memref<1x128xi32, #tpu.memory_space<hbm>>
      %dma_wait3A_52 = tpu.memref_squeeze %dma_wait3A_51 : memref<1x128xi32, #tpu.memory_space<hbm>> -> memref<128xi32, #tpu.memory_space<hbm>>
      %dma_wait3A_53 = arith.constant 0 : i32
      %dma_wait3A_54 = tpu.memref_slice %dma_wait3A_52[%dma_wait3A_53] : memref<128xi32, #tpu.memory_space<hbm>> -> memref<16xi32, #tpu.memory_space<hbm>>
      %dma_wait3A_55 = arith.constant 0 : i32
      %dma_wait3A_56 = tpu.memref_slice %arg4[%add3A, %dma_wait3A_55] : memref<32x128xi32, #tpu.memory_space<hbm>> -> memref<1x128xi32, #tpu.memory_space<hbm>>
      %dma_wait3A_57 = tpu.memref_squeeze %dma_wait3A_56 : memref<1x128xi32, #tpu.memory_space<hbm>> -> memref<128xi32, #tpu.memory_space<hbm>>
      %dma_wait3A_58 = arith.constant 0 : i32
      %dma_wait3A_59 = tpu.memref_slice %dma_wait3A_57[%dma_wait3A_58] : memref<128xi32, #tpu.memory_space<hbm>> -> memref<16xi32, #tpu.memory_space<hbm>>
      tpu.wait_dma2 semaphore(%run_scoped3A : memref<!tpu.dma_semaphore, #tpu.memory_space<semaphore_mem>>) src(%dma_wait3A_59 : memref<16xi32, #tpu.memory_space<hbm>>) dst(%arg12 : memref<16xi32, #tpu.memory_space<vmem>>)
      tpu.yield
    }) : () -> ()
    %get3A = arith.constant 0 : index
    %get3A_12 = tpu.vector_load %arg12[%get3A] {strides = array<i32>} : memref<16xi32, #tpu.memory_space<vmem>>, vector<16xi32>,
    %slice3A = vector.extract_strided_slice %get3A_12 {offsets = [0], sizes = [1], strides = [1]} : vector<16xi32> to vector<1xi32>
    %squeeze3A = vector.extract %slice3A[0] : i32 from vector<1xi32>
    %jit3A = arith.constant 256 : i32
    %div3A = arith.divsi %squeeze3A, %jit3A : i32
    %sign3A = arith.constant 0 : i32
    %sign3A_13 = arith.cmpi sgt, %squeeze3A, %sign3A : i32
    %sign3A_14 = arith.extui %sign3A_13 : i1 to i32
    %sign3A_15 = arith.constant 0 : i32
    %sign3A_16 = arith.cmpi slt, %squeeze3A, %sign3A_15 : i32
    %sign3A_17 = arith.extui %sign3A_16 : i1 to i32
    %sign3A_18 = arith.subi %sign3A_14, %sign3A_17 : i32
    %sign3A_19 = arith.constant 0 : i32
    %sign3A_20 = arith.cmpi sgt, %jit3A, %sign3A_19 : i32
    %sign3A_21 = arith.extui %sign3A_20 : i1 to i32
    %sign3A_22 = arith.constant 0 : i32
    %sign3A_23 = arith.cmpi slt, %jit3A, %sign3A_22 : i32
    %sign3A_24 = arith.extui %sign3A_23 : i1 to i32
    %sign3A_25 = arith.subi %sign3A_21, %sign3A_24 : i32
    %ne3A = arith.cmpi ne, %sign3A_18, %sign3A_25 : i32
    %rem3A = arith.remsi %squeeze3A, %jit3A : i32
    %ne3A_26 = arith.constant 0 : i32
    %ne3A_27 = arith.cmpi ne, %rem3A, %ne3A_26 : i32
    %and3A = arith.andi %ne3A, %ne3A_27 : i1
    %sub3A = arith.constant 1 : i32
    %sub3A_28 = arith.subi %div3A, %sub3A : i32
    %select_n3A = arith.select %and3A, %sub3A_28, %div3A : i32
    %while3A = arith.constant 0 : i32
    %while3A_29 = arith.constant 0 : i32
    %while3A_30 = arith.subi %select_n3A, %while3A : i32
    %while3A_31 = arith.addi %while3A, %while3A_30 : i32
    %while3A_32 = arith.constant 1 : i32
    %while3A_33 = arith.divsi %while3A_30, %while3A_32 : i32
    %while3A_34 = arith.muli %while3A_33, %while3A_32 : i32
    %while3A_35 = arith.addi %while3A, %while3A_34 : i32
    %while3A_36 = arith.constant 1 : i32
    %while3A_37 = scf.for %while3A_42 = %while3A to %while3A_35 step %while3A_36 iter_args(%while3A_43 = %while3A_29) -> (i32)  : i32 {
      %mul3A_44 = arith.constant 256 : i32
      %mul3A_45 = arith.muli %while3A_42, %mul3A_44 : i32
      "tpu.region"() ({
        %run_scoped3A = tpu.sem_alloc : memref<!tpu.dma_semaphore, #tpu.memory_space<semaphore_mem>>
        %dma_start3A_68 = arith.constant 0 : i32
        %dma_start3A_69 = tpu.memref_slice %arg2[%add3A, %dma_start3A_68] : memref<32x334080xi32, #tpu.memory_space<hbm>> -> memref<1x334080xi32, #tpu.memory_space<hbm>>
        %dma_start3A_70 = tpu.memref_squeeze %dma_start3A_69 : memref<1x334080xi32, #tpu.memory_space<hbm>> -> memref<334080xi32, #tpu.memory_space<hbm>>
        %dma_start3A_71 = tpu.memref_slice %dma_start3A_70[%mul3A_45] : memref<334080xi32, #tpu.memory_space<hbm>> -> memref<256xi32, #tpu.memory_space<hbm>>
        %dma_start3A_72 = arith.constant 0 : i32
        %dma_start3A_73 = tpu.memref_slice %arg2[%add3A, %dma_start3A_72] : memref<32x334080xi32, #tpu.memory_space<hbm>> -> memref<1x334080xi32, #tpu.memory_space<hbm>>
        %dma_start3A_74 = tpu.memref_squeeze %dma_start3A_73 : memref<1x334080xi32, #tpu.memory_space<hbm>> -> memref<334080xi32, #tpu.memory_space<hbm>>
        %dma_start3A_75 = tpu.memref_slice %dma_start3A_74[%mul3A_45] : memref<334080xi32, #tpu.memory_space<hbm>> -> memref<256xi32, #tpu.memory_space<hbm>>
        tpu.enqueue_dma source(%dma_start3A_75 : memref<256xi32, #tpu.memory_space<hbm>>) target(%arg8 : memref<256xi32, #tpu.memory_space<vmem>>) target_semaphore(%run_scoped3A : memref<!tpu.dma_semaphore, #tpu.memory_space<semaphore_mem>>)
        %dma_wait3A_76 = arith.constant 0 : i32
        %dma_wait3A_77 = tpu.memref_slice %arg2[%add3A, %dma_wait3A_76] : memref<32x334080xi32, #tpu.memory_space<hbm>> -> memref<1x334080xi32, #tpu.memory_space<hbm>>
        %dma_wait3A_78 = tpu.memref_squeeze %dma_wait3A_77 : memref<1x334080xi32, #tpu.memory_space<hbm>> -> memref<334080xi32, #tpu.memory_space<hbm>>
        %dma_wait3A_79 = tpu.memref_slice %dma_wait3A_78[%mul3A_45] : memref<334080xi32, #tpu.memory_space<hbm>> -> memref<256xi32, #tpu.memory_space<hbm>>
        %dma_wait3A_80 = arith.constant 0 : i32
        %dma_wait3A_81 = tpu.memref_slice %arg2[%add3A, %dma_wait3A_80] : memref<32x334080xi32, #tpu.memory_space<hbm>> -> memref<1x334080xi32, #tpu.memory_space<hbm>>
        %dma_wait3A_82 = tpu.memref_squeeze %dma_wait3A_81 : memref<1x334080xi32, #tpu.memory_space<hbm>> -> memref<334080xi32, #tpu.memory_space<hbm>>
        %dma_wait3A_83 = tpu.memref_slice %dma_wait3A_82[%mul3A_45] : memref<334080xi32, #tpu.memory_space<hbm>> -> memref<256xi32, #tpu.memory_space<hbm>>
        tpu.wait_dma2 semaphore(%run_scoped3A : memref<!tpu.dma_semaphore, #tpu.memory_space<semaphore_mem>>) src(%dma_wait3A_83 : memref<256xi32, #tpu.memory_space<hbm>>) dst(%arg8 : memref<256xi32, #tpu.memory_space<vmem>>)
        tpu.yield
      }) : () -> ()
      %dma_start3A = arith.constant 0 : i32
      %dma_start3A_46 = arith.constant 0 : i32
      %dma_start3A_47 = tpu.memref_slice %arg5[%dma_start3A, %dma_start3A_46] : memref<331776x128xf32, #tpu.memory_space<hbm>> -> memref<331776x128xf32, #tpu.memory_space<hbm>>
      tpu.enqueue_indirect_dma source(%dma_start3A_47 : memref<331776x128xf32, #tpu.memory_space<hbm>>) target(%arg11 : memref<256x128xf32, #tpu.memory_space<vmem>>) offsets(%arg8 : memref<256xi32, #tpu.memory_space<vmem>>) semaphore(%arg13 : memref<!tpu.dma_semaphore, #tpu.memory_space<semaphore_mem>>)
      %dma_start3A_48 = arith.constant 0 : i32
      %dma_start3A_49 = tpu.memref_slice %arg3[%dma_start3A_48] : memref<331776xi32, #tpu.memory_space<hbm>> -> memref<331776xi32, #tpu.memory_space<hbm>>
      tpu.enqueue_indirect_dma source(%dma_start3A_49 : memref<331776xi32, #tpu.memory_space<hbm>>) target(%arg9 : memref<256xi32, #tpu.memory_space<vmem>>) offsets(%arg8 : memref<256xi32, #tpu.memory_space<vmem>>) semaphore(%arg14 : memref<!tpu.dma_semaphore, #tpu.memory_space<semaphore_mem>>)
      %dma_wait3A = arith.constant 0 : i32
      %dma_wait3A_50 = tpu.memref_slice %arg3[%dma_wait3A] : memref<331776xi32, #tpu.memory_space<hbm>> -> memref<331776xi32, #tpu.memory_space<hbm>>
      tpu.wait_indirect_dma semaphore(%arg14 : memref<!tpu.dma_semaphore, #tpu.memory_space<semaphore_mem>>) src(%dma_wait3A_50 : memref<331776xi32, #tpu.memory_space<hbm>>) dst(%arg9 : memref<256xi32, #tpu.memory_space<vmem>>)
      %scan3A_51 = arith.constant 0 : i32
      %scan3A_52 = arith.constant 0 : i32
      %scan3A_53 = arith.constant 16 : i32
      %scan3A_54 = arith.addi %scan3A_52, %scan3A_53 : i32
      %scan3A_55 = arith.constant 1 : i32
      %scan3A_56 = scf.for %scan3A_68 = %scan3A_52 to %scan3A_54 step %scan3A_55 iter_args(%scan3A_69 = %scan3A_51) -> (i32)  : i32 {
        %mul3A_70 = arith.constant 16 : i32
        %mul3A_71 = arith.muli %scan3A_68, %mul3A_70 : i32
        %get3A_72 = arith.index_cast %mul3A_71 : i32 to index
        %get3A_73 = tpu.vector_load %arg9[%get3A_72] {strides = array<i32>} : memref<256xi32, #tpu.memory_space<vmem>>, vector<16xi32>,
        %ge3A = vector.broadcast %mul3A_2 : i32 to vector<16xi32>
        %ge3A_74 = arith.cmpi sge, %get3A_73, %ge3A : vector<16xi32>
        %lt3A = vector.broadcast %add3A_4 : i32 to vector<16xi32>
        %lt3A_75 = arith.cmpi slt, %get3A_73, %lt3A : vector<16xi32>
        %and3A_76 = arith.andi %ge3A_74, %lt3A_75 : vector<16xi1>
        %sub3A_77 = vector.broadcast %mul3A_2 : i32 to vector<16xi32>
        %sub3A_78 = arith.subi %get3A_73, %sub3A_77 : vector<16xi32>
        %jit3A_79 = arith.constant 320 : i32
        %broadcast_in_dim3A_80 = vector.broadcast %jit3A_79 : i32 to vector<16xi32>
        %select_n3A_81 = arith.select %and3A_76, %sub3A_78, %broadcast_in_dim3A_80 : vector<16xi1>, vector<16xi32>
        %mul3A_82 = arith.constant 16 : i32
        %mul3A_83 = arith.muli %scan3A_68, %mul3A_82 : i32
        %swap3A = arith.index_cast %mul3A_83 : i32 to index
        %swap3A_84 = tpu.vector_load %arg10[%swap3A] {strides = array<i32>} : memref<272xi32, #tpu.memory_space<vmem>>, vector<16xi32>,
        tpu.vector_store %arg10[%swap3A], %select_n3A_81 {strides = array<i32>} : memref<272xi32, #tpu.memory_space<vmem>>, vector<16xi32>,
        %scan3A_85 = arith.constant 0 : i32
        scf.yield %scan3A_85 : i32
      }
      %scan3A_57 = arith.constant 16 : i32
      %dma_wait3A_58 = arith.constant 0 : i32
      %dma_wait3A_59 = arith.constant 0 : i32
      %dma_wait3A_60 = tpu.memref_slice %arg5[%dma_wait3A_58, %dma_wait3A_59] : memref<331776x128xf32, #tpu.memory_space<hbm>> -> memref<331776x128xf32, #tpu.memory_space<hbm>>
      tpu.wait_indirect_dma semaphore(%arg13 : memref<!tpu.dma_semaphore, #tpu.memory_space<semaphore_mem>>) src(%dma_wait3A_60 : memref<331776x128xf32, #tpu.memory_space<hbm>>) dst(%arg11 : memref<256x128xf32, #tpu.memory_space<vmem>>)
      %scan3A_61 = arith.constant 0 : i32
      %scan3A_62 = arith.constant 0 : i32
      %scan3A_63 = arith.constant 256 : i32
      %scan3A_64 = arith.addi %scan3A_62, %scan3A_63 : i32
      %scan3A_65 = arith.constant 1 : i32
      %scan3A_66 = scf.for %scan3A_68 = %scan3A_62 to %scan3A_64 step %scan3A_65 iter_args(%scan3A_69 = %scan3A_61) -> (i32)  : i32 {
        %get3A_70 = arith.index_cast %scan3A_68 : i32 to index
        %get3A_71 = tpu.vector_load %arg10[%get3A_70] {strides = array<i32>} : memref<272xi32, #tpu.memory_space<vmem>>, vector<16xi32>,
        %slice3A_72 = vector.extract_strided_slice %get3A_71 {offsets = [0], sizes = [1], strides = [1]} : vector<16xi32> to vector<1xi32>
        %squeeze3A_73 = vector.extract %slice3A_72[0] : i32 from vector<1xi32>
        %get3A_74 = arith.index_cast %squeeze3A_73 : i32 to index
        %get3A_75 = arith.constant 0 : index
        %get3A_76 = tpu.vector_load %arg7[%get3A_74, %get3A_75] {strides = array<i32>} : memref<336x128xf32, #tpu.memory_space<vmem>>, vector<16xf32>,
        %get3A_77 = arith.index_cast %scan3A_68 : i32 to index
        %get3A_78 = arith.constant 0 : index
        %get3A_79 = tpu.vector_load %arg11[%get3A_77, %get3A_78] {strides = array<i32>} : memref<256x128xf32, #tpu.memory_space<vmem>>, vector<16xf32>,
        %max3A = arith.maximumf %get3A_76, %get3A_79 : vector<16xf32>
        %swap3A = arith.index_cast %squeeze3A_73 : i32 to index
        %swap3A_80 = arith.constant 0 : index
        %swap3A_81 = tpu.vector_load %arg7[%swap3A, %swap3A_80] {strides = array<i32>} : memref<336x128xf32, #tpu.memory_space<vmem>>, vector<16xf32>,
        tpu.vector_store %arg7[%swap3A, %swap3A_80], %max3A {strides = array<i32>} : memref<336x128xf32, #tpu.memory_space<vmem>>, vector<16xf32>,
        %get3A_82 = arith.index_cast %squeeze3A_73 : i32 to index
        %get3A_83 = arith.constant 16 : index
        %get3A_84 = tpu.vector_load %arg7[%get3A_82, %get3A_83] {strides = array<i32>} : memref<336x128xf32, #tpu.memory_space<vmem>>, vector<16xf32>,
        %get3A_85 = arith.index_cast %scan3A_68 : i32 to index
        %get3A_86 = arith.constant 16 : index
        %get3A_87 = tpu.vector_load %arg11[%get3A_85, %get3A_86] {strides = array<i32>} : memref<256x128xf32, #tpu.memory_space<vmem>>, vector<16xf32>,
        %max3A_88 = arith.maximumf %get3A_84, %get3A_87 : vector<16xf32>
        %swap3A_89 = arith.index_cast %squeeze3A_73 : i32 to index
        %swap3A_90 = arith.constant 16 : index
        %swap3A_91 = tpu.vector_load %arg7[%swap3A_89, %swap3A_90] {strides = array<i32>} : memref<336x128xf32, #tpu.memory_space<vmem>>, vector<16xf32>,
        tpu.vector_store %arg7[%swap3A_89, %swap3A_90], %max3A_88 {strides = array<i32>} : memref<336x128xf32, #tpu.memory_space<vmem>>, vector<16xf32>,
        %get3A_92 = arith.index_cast %squeeze3A_73 : i32 to index
        %get3A_93 = arith.constant 32 : index
        %get3A_94 = tpu.vector_load %arg7[%get3A_92, %get3A_93] {strides = array<i32>} : memref<336x128xf32, #tpu.memory_space<vmem>>, vector<16xf32>,
        %get3A_95 = arith.index_cast %scan3A_68 : i32 to index
        %get3A_96 = arith.constant 32 : index
        %get3A_97 = tpu.vector_load %arg11[%get3A_95, %get3A_96] {strides = array<i32>} : memref<256x128xf32, #tpu.memory_space<vmem>>, vector<16xf32>,
        %max3A_98 = arith.maximumf %get3A_94, %get3A_97 : vector<16xf32>
        %swap3A_99 = arith.index_cast %squeeze3A_73 : i32 to index
        %swap3A_100 = arith.constant 32 : index
        %swap3A_101 = tpu.vector_load %arg7[%swap3A_99, %swap3A_100] {strides = array<i32>} : memref<336x128xf32, #tpu.memory_space<vmem>>, vector<16xf32>,
        tpu.vector_store %arg7[%swap3A_99, %swap3A_100], %max3A_98 {strides = array<i32>} : memref<336x128xf32, #tpu.memory_space<vmem>>, vector<16xf32>,
        %get3A_102 = arith.index_cast %squeeze3A_73 : i32 to index
        %get3A_103 = arith.constant 48 : index
        %get3A_104 = tpu.vector_load %arg7[%get3A_102, %get3A_103] {strides = array<i32>} : memref<336x128xf32, #tpu.memory_space<vmem>>, vector<16xf32>,
        %get3A_105 = arith.index_cast %scan3A_68 : i32 to index
        %get3A_106 = arith.constant 48 : index
        %get3A_107 = tpu.vector_load %arg11[%get3A_105, %get3A_106] {strides = array<i32>} : memref<256x128xf32, #tpu.memory_space<vmem>>, vector<16xf32>,
        %max3A_108 = arith.maximumf %get3A_104, %get3A_107 : vector<16xf32>
        %swap3A_109 = arith.index_cast %squeeze3A_73 : i32 to index
        %swap3A_110 = arith.constant 48 : index
        %swap3A_111 = tpu.vector_load %arg7[%swap3A_109, %swap3A_110] {strides = array<i32>} : memref<336x128xf32, #tpu.memory_space<vmem>>, vector<16xf32>,
        tpu.vector_store %arg7[%swap3A_109, %swap3A_110], %max3A_108 {strides = array<i32>} : memref<336x128xf32, #tpu.memory_space<vmem>>, vector<16xf32>,
        %get3A_112 = arith.index_cast %squeeze3A_73 : i32 to index
        %get3A_113 = arith.constant 64 : index
        %get3A_114 = tpu.vector_load %arg7[%get3A_112, %get3A_113] {strides = array<i32>} : memref<336x128xf32, #tpu.memory_space<vmem>>, vector<16xf32>,
        %get3A_115 = arith.index_cast %scan3A_68 : i32 to index
        %get3A_116 = arith.constant 64 : index
        %get3A_117 = tpu.vector_load %arg11[%get3A_115, %get3A_116] {strides = array<i32>} : memref<256x128xf32, #tpu.memory_space<vmem>>, vector<16xf32>,
        %max3A_118 = arith.maximumf %get3A_114, %get3A_117 : vector<16xf32>
        %swap3A_119 = arith.index_cast %squeeze3A_73 : i32 to index
        %swap3A_120 = arith.constant 64 : index
        %swap3A_121 = tpu.vector_load %arg7[%swap3A_119, %swap3A_120] {strides = array<i32>} : memref<336x128xf32, #tpu.memory_space<vmem>>, vector<16xf32>,
        tpu.vector_store %arg7[%swap3A_119, %swap3A_120], %max3A_118 {strides = array<i32>} : memref<336x128xf32, #tpu.memory_space<vmem>>, vector<16xf32>,
        %get3A_122 = arith.index_cast %squeeze3A_73 : i32 to index
        %get3A_123 = arith.constant 80 : index
        %get3A_124 = tpu.vector_load %arg7[%get3A_122, %get3A_123] {strides = array<i32>} : memref<336x128xf32, #tpu.memory_space<vmem>>, vector<16xf32>,
        %get3A_125 = arith.index_cast %scan3A_68 : i32 to index
        %get3A_126 = arith.constant 80 : index
        %get3A_127 = tpu.vector_load %arg11[%get3A_125, %get3A_126] {strides = array<i32>} : memref<256x128xf32, #tpu.memory_space<vmem>>, vector<16xf32>,
        %max3A_128 = arith.maximumf %get3A_124, %get3A_127 : vector<16xf32>
        %swap3A_129 = arith.index_cast %squeeze3A_73 : i32 to index
        %swap3A_130 = arith.constant 80 : index
        %swap3A_131 = tpu.vector_load %arg7[%swap3A_129, %swap3A_130] {strides = array<i32>} : memref<336x128xf32, #tpu.memory_space<vmem>>, vector<16xf32>,
        tpu.vector_store %arg7[%swap3A_129, %swap3A_130], %max3A_128 {strides = array<i32>} : memref<336x128xf32, #tpu.memory_space<vmem>>, vector<16xf32>,
        %get3A_132 = arith.index_cast %squeeze3A_73 : i32 to index
        %get3A_133 = arith.constant 96 : index
        %get3A_134 = tpu.vector_load %arg7[%get3A_132, %get3A_133] {strides = array<i32>} : memref<336x128xf32, #tpu.memory_space<vmem>>, vector<16xf32>,
        %get3A_135 = arith.index_cast %scan3A_68 : i32 to index
        %get3A_136 = arith.constant 96 : index
        %get3A_137 = tpu.vector_load %arg11[%get3A_135, %get3A_136] {strides = array<i32>} : memref<256x128xf32, #tpu.memory_space<vmem>>, vector<16xf32>,
        %max3A_138 = arith.maximumf %get3A_134, %get3A_137 : vector<16xf32>
        %swap3A_139 = arith.index_cast %squeeze3A_73 : i32 to index
        %swap3A_140 = arith.constant 96 : index
        %swap3A_141 = tpu.vector_load %arg7[%swap3A_139, %swap3A_140] {strides = array<i32>} : memref<336x128xf32, #tpu.memory_space<vmem>>, vector<16xf32>,
        tpu.vector_store %arg7[%swap3A_139, %swap3A_140], %max3A_138 {strides = array<i32>} : memref<336x128xf32, #tpu.memory_space<vmem>>, vector<16xf32>,
        %get3A_142 = arith.index_cast %squeeze3A_73 : i32 to index
        %get3A_143 = arith.constant 112 : index
        %get3A_144 = tpu.vector_load %arg7[%get3A_142, %get3A_143] {strides = array<i32>} : memref<336x128xf32, #tpu.memory_space<vmem>>, vector<16xf32>,
        %get3A_145 = arith.index_cast %scan3A_68 : i32 to index
        %get3A_146 = arith.constant 112 : index
        %get3A_147 = tpu.vector_load %arg11[%get3A_145, %get3A_146] {strides = array<i32>} : memref<256x128xf32, #tpu.memory_space<vmem>>, vector<16xf32>,
        %max3A_148 = arith.maximumf %get3A_144, %get3A_147 : vector<16xf32>
        %swap3A_149 = arith.index_cast %squeeze3A_73 : i32 to index
        %swap3A_150 = arith.constant 112 : index
        %swap3A_151 = tpu.vector_load %arg7[%swap3A_149, %swap3A_150] {strides = array<i32>} : memref<336x128xf32, #tpu.memory_space<vmem>>, vector<16xf32>,
        tpu.vector_store %arg7[%swap3A_149, %swap3A_150], %max3A_148 {strides = array<i32>} : memref<336x128xf32, #tpu.memory_space<vmem>>, vector<16xf32>,
        %scan3A_152 = arith.constant 0 : i32
        scf.yield %scan3A_152 : i32
      }
      %scan3A_67 = arith.constant 256 : i32
      scf.yield %scan3A_66 : i32
    }
    %while3A_38 = arith.constant 1 : i32
    %while3A_39 = scf.for %while3A_42 = %while3A_35 to %while3A_31 step %while3A_38 iter_args(%while3A_43 = %while3A_37) -> (i32)  : i32 {
      %mul3A_44 = arith.constant 256 : i32
      %mul3A_45 = arith.muli %while3A_42, %mul3A_44 : i32
      "tpu.region"() ({
        %run_scoped3A = tpu.sem_alloc : memref<!tpu.dma_semaphore, #tpu.memory_space<semaphore_mem>>
        %dma_start3A_68 = arith.constant 0 : i32
        %dma_start3A_69 = tpu.memref_slice %arg2[%add3A, %dma_start3A_68] : memref<32x334080xi32, #tpu.memory_space<hbm>> -> memref<1x334080xi32, #tpu.memory_space<hbm>>
        %dma_start3A_70 = tpu.memref_squeeze %dma_start3A_69 : memref<1x334080xi32, #tpu.memory_space<hbm>> -> memref<334080xi32, #tpu.memory_space<hbm>>
        %dma_start3A_71 = tpu.memref_slice %dma_start3A_70[%mul3A_45] : memref<334080xi32, #tpu.memory_space<hbm>> -> memref<256xi32, #tpu.memory_space<hbm>>
        %dma_start3A_72 = arith.constant 0 : i32
        %dma_start3A_73 = tpu.memref_slice %arg2[%add3A, %dma_start3A_72] : memref<32x334080xi32, #tpu.memory_space<hbm>> -> memref<1x334080xi32, #tpu.memory_space<hbm>>
        %dma_start3A_74 = tpu.memref_squeeze %dma_start3A_73 : memref<1x334080xi32, #tpu.memory_space<hbm>> -> memref<334080xi32, #tpu.memory_space<hbm>>
        %dma_start3A_75 = tpu.memref_slice %dma_start3A_74[%mul3A_45] : memref<334080xi32, #tpu.memory_space<hbm>> -> memref<256xi32, #tpu.memory_space<hbm>>
        tpu.enqueue_dma source(%dma_start3A_75 : memref<256xi32, #tpu.memory_space<hbm>>) target(%arg8 : memref<256xi32, #tpu.memory_space<vmem>>) target_semaphore(%run_scoped3A : memref<!tpu.dma_semaphore, #tpu.memory_space<semaphore_mem>>)
        %dma_wait3A_76 = arith.constant 0 : i32
        %dma_wait3A_77 = tpu.memref_slice %arg2[%add3A, %dma_wait3A_76] : memref<32x334080xi32, #tpu.memory_space<hbm>> -> memref<1x334080xi32, #tpu.memory_space<hbm>>
        %dma_wait3A_78 = tpu.memref_squeeze %dma_wait3A_77 : memref<1x334080xi32, #tpu.memory_space<hbm>> -> memref<334080xi32, #tpu.memory_space<hbm>>
        %dma_wait3A_79 = tpu.memref_slice %dma_wait3A_78[%mul3A_45] : memref<334080xi32, #tpu.memory_space<hbm>> -> memref<256xi32, #tpu.memory_space<hbm>>
        %dma_wait3A_80 = arith.constant 0 : i32
        %dma_wait3A_81 = tpu.memref_slice %arg2[%add3A, %dma_wait3A_80] : memref<32x334080xi32, #tpu.memory_space<hbm>> -> memref<1x334080xi32, #tpu.memory_space<hbm>>
        %dma_wait3A_82 = tpu.memref_squeeze %dma_wait3A_81 : memref<1x334080xi32, #tpu.memory_space<hbm>> -> memref<334080xi32, #tpu.memory_space<hbm>>
        %dma_wait3A_83 = tpu.memref_slice %dma_wait3A_82[%mul3A_45] : memref<334080xi32, #tpu.memory_space<hbm>> -> memref<256xi32, #tpu.memory_space<hbm>>
        tpu.wait_dma2 semaphore(%run_scoped3A : memref<!tpu.dma_semaphore, #tpu.memory_space<semaphore_mem>>) src(%dma_wait3A_83 : memref<256xi32, #tpu.memory_space<hbm>>) dst(%arg8 : memref<256xi32, #tpu.memory_space<vmem>>)
        tpu.yield
      }) : () -> ()
      %dma_start3A = arith.constant 0 : i32
      %dma_start3A_46 = arith.constant 0 : i32
      %dma_start3A_47 = tpu.memref_slice %arg5[%dma_start3A, %dma_start3A_46] : memref<331776x128xf32, #tpu.memory_space<hbm>> -> memref<331776x128xf32, #tpu.memory_space<hbm>>
      tpu.enqueue_indirect_dma source(%dma_start3A_47 : memref<331776x128xf32, #tpu.memory_space<hbm>>) target(%arg11 : memref<256x128xf32, #tpu.memory_space<vmem>>) offsets(%arg8 : memref<256xi32, #tpu.memory_space<vmem>>) semaphore(%arg13 : memref<!tpu.dma_semaphore, #tpu.memory_space<semaphore_mem>>)
      %dma_start3A_48 = arith.constant 0 : i32
      %dma_start3A_49 = tpu.memref_slice %arg3[%dma_start3A_48] : memref<331776xi32, #tpu.memory_space<hbm>> -> memref<331776xi32, #tpu.memory_space<hbm>>
      tpu.enqueue_indirect_dma source(%dma_start3A_49 : memref<331776xi32, #tpu.memory_space<hbm>>) target(%arg9 : memref<256xi32, #tpu.memory_space<vmem>>) offsets(%arg8 : memref<256xi32, #tpu.memory_space<vmem>>) semaphore(%arg14 : memref<!tpu.dma_semaphore, #tpu.memory_space<semaphore_mem>>)
      %dma_wait3A = arith.constant 0 : i32
      %dma_wait3A_50 = tpu.memref_slice %arg3[%dma_wait3A] : memref<331776xi32, #tpu.memory_space<hbm>> -> memref<331776xi32, #tpu.memory_space<hbm>>
      tpu.wait_indirect_dma semaphore(%arg14 : memref<!tpu.dma_semaphore, #tpu.memory_space<semaphore_mem>>) src(%dma_wait3A_50 : memref<331776xi32, #tpu.memory_space<hbm>>) dst(%arg9 : memref<256xi32, #tpu.memory_space<vmem>>)
      %scan3A_51 = arith.constant 0 : i32
      %scan3A_52 = arith.constant 0 : i32
      %scan3A_53 = arith.constant 16 : i32
      %scan3A_54 = arith.addi %scan3A_52, %scan3A_53 : i32
      %scan3A_55 = arith.constant 1 : i32
      %scan3A_56 = scf.for %scan3A_68 = %scan3A_52 to %scan3A_54 step %scan3A_55 iter_args(%scan3A_69 = %scan3A_51) -> (i32)  : i32 {
        %mul3A_70 = arith.constant 16 : i32
        %mul3A_71 = arith.muli %scan3A_68, %mul3A_70 : i32
        %get3A_72 = arith.index_cast %mul3A_71 : i32 to index
        %get3A_73 = tpu.vector_load %arg9[%get3A_72] {strides = array<i32>} : memref<256xi32, #tpu.memory_space<vmem>>, vector<16xi32>,
        %ge3A = vector.broadcast %mul3A_2 : i32 to vector<16xi32>
        %ge3A_74 = arith.cmpi sge, %get3A_73, %ge3A : vector<16xi32>
        %lt3A = vector.broadcast %add3A_4 : i32 to vector<16xi32>
        %lt3A_75 = arith.cmpi slt, %get3A_73, %lt3A : vector<16xi32>
        %and3A_76 = arith.andi %ge3A_74, %lt3A_75 : vector<16xi1>
        %sub3A_77 = vector.broadcast %mul3A_2 : i32 to vector<16xi32>
        %sub3A_78 = arith.subi %get3A_73, %sub3A_77 : vector<16xi32>
        %jit3A_79 = arith.constant 320 : i32
        %broadcast_in_dim3A_80 = vector.broadcast %jit3A_79 : i32 to vector<16xi32>
        %select_n3A_81 = arith.select %and3A_76, %sub3A_78, %broadcast_in_dim3A_80 : vector<16xi1>, vector<16xi32>
        %mul3A_82 = arith.constant 16 : i32
        %mul3A_83 = arith.muli %scan3A_68, %mul3A_82 : i32
        %swap3A = arith.index_cast %mul3A_83 : i32 to index
        %swap3A_84 = tpu.vector_load %arg10[%swap3A] {strides = array<i32>} : memref<272xi32, #tpu.memory_space<vmem>>, vector<16xi32>,
        tpu.vector_store %arg10[%swap3A], %select_n3A_81 {strides = array<i32>} : memref<272xi32, #tpu.memory_space<vmem>>, vector<16xi32>,
        %scan3A_85 = arith.constant 0 : i32
        scf.yield %scan3A_85 : i32
      }
      %scan3A_57 = arith.constant 16 : i32
      %dma_wait3A_58 = arith.constant 0 : i32
      %dma_wait3A_59 = arith.constant 0 : i32
      %dma_wait3A_60 = tpu.memref_slice %arg5[%dma_wait3A_58, %dma_wait3A_59] : memref<331776x128xf32, #tpu.memory_space<hbm>> -> memref<331776x128xf32, #tpu.memory_space<hbm>>
      tpu.wait_indirect_dma semaphore(%arg13 : memref<!tpu.dma_semaphore, #tpu.memory_space<semaphore_mem>>) src(%dma_wait3A_60 : memref<331776x128xf32, #tpu.memory_space<hbm>>) dst(%arg11 : memref<256x128xf32, #tpu.memory_space<vmem>>)
      %scan3A_61 = arith.constant 0 : i32
      %scan3A_62 = arith.constant 0 : i32
      %scan3A_63 = arith.constant 256 : i32
      %scan3A_64 = arith.addi %scan3A_62, %scan3A_63 : i32
      %scan3A_65 = arith.constant 1 : i32
      %scan3A_66 = scf.for %scan3A_68 = %scan3A_62 to %scan3A_64 step %scan3A_65 iter_args(%scan3A_69 = %scan3A_61) -> (i32)  : i32 {
        %get3A_70 = arith.index_cast %scan3A_68 : i32 to index
        %get3A_71 = tpu.vector_load %arg10[%get3A_70] {strides = array<i32>} : memref<272xi32, #tpu.memory_space<vmem>>, vector<16xi32>,
        %slice3A_72 = vector.extract_strided_slice %get3A_71 {offsets = [0], sizes = [1], strides = [1]} : vector<16xi32> to vector<1xi32>
        %squeeze3A_73 = vector.extract %slice3A_72[0] : i32 from vector<1xi32>
        %get3A_74 = arith.index_cast %squeeze3A_73 : i32 to index
        %get3A_75 = arith.constant 0 : index
        %get3A_76 = tpu.vector_load %arg7[%get3A_74, %get3A_75] {strides = array<i32>} : memref<336x128xf32, #tpu.memory_space<vmem>>, vector<16xf32>,
        %get3A_77 = arith.index_cast %scan3A_68 : i32 to index
        %get3A_78 = arith.constant 0 : index
        %get3A_79 = tpu.vector_load %arg11[%get3A_77, %get3A_78] {strides = array<i32>} : memref<256x128xf32, #tpu.memory_space<vmem>>, vector<16xf32>,
        %max3A = arith.maximumf %get3A_76, %get3A_79 : vector<16xf32>
        %swap3A = arith.index_cast %squeeze3A_73 : i32 to index
        %swap3A_80 = arith.constant 0 : index
        %swap3A_81 = tpu.vector_load %arg7[%swap3A, %swap3A_80] {strides = array<i32>} : memref<336x128xf32, #tpu.memory_space<vmem>>, vector<16xf32>,
        tpu.vector_store %arg7[%swap3A, %swap3A_80], %max3A {strides = array<i32>} : memref<336x128xf32, #tpu.memory_space<vmem>>, vector<16xf32>,
        %get3A_82 = arith.index_cast %squeeze3A_73 : i32 to index
        %get3A_83 = arith.constant 16 : index
        %get3A_84 = tpu.vector_load %arg7[%get3A_82, %get3A_83] {strides = array<i32>} : memref<336x128xf32, #tpu.memory_space<vmem>>, vector<16xf32>,
        %get3A_85 = arith.index_cast %scan3A_68 : i32 to index
        %get3A_86 = arith.constant 16 : index
        %get3A_87 = tpu.vector_load %arg11[%get3A_85, %get3A_86] {strides = array<i32>} : memref<256x128xf32, #tpu.memory_space<vmem>>, vector<16xf32>,
        %max3A_88 = arith.maximumf %get3A_84, %get3A_87 : vector<16xf32>
        %swap3A_89 = arith.index_cast %squeeze3A_73 : i32 to index
        %swap3A_90 = arith.constant 16 : index
        %swap3A_91 = tpu.vector_load %arg7[%swap3A_89, %swap3A_90] {strides = array<i32>} : memref<336x128xf32, #tpu.memory_space<vmem>>, vector<16xf32>,
        tpu.vector_store %arg7[%swap3A_89, %swap3A_90], %max3A_88 {strides = array<i32>} : memref<336x128xf32, #tpu.memory_space<vmem>>, vector<16xf32>,
        %get3A_92 = arith.index_cast %squeeze3A_73 : i32 to index
        %get3A_93 = arith.constant 32 : index
        %get3A_94 = tpu.vector_load %arg7[%get3A_92, %get3A_93] {strides = array<i32>} : memref<336x128xf32, #tpu.memory_space<vmem>>, vector<16xf32>,
        %get3A_95 = arith.index_cast %scan3A_68 : i32 to index
        %get3A_96 = arith.constant 32 : index
        %get3A_97 = tpu.vector_load %arg11[%get3A_95, %get3A_96] {strides = array<i32>} : memref<256x128xf32, #tpu.memory_space<vmem>>, vector<16xf32>,
        %max3A_98 = arith.maximumf %get3A_94, %get3A_97 : vector<16xf32>
        %swap3A_99 = arith.index_cast %squeeze3A_73 : i32 to index
        %swap3A_100 = arith.constant 32 : index
        %swap3A_101 = tpu.vector_load %arg7[%swap3A_99, %swap3A_100] {strides = array<i32>} : memref<336x128xf32, #tpu.memory_space<vmem>>, vector<16xf32>,
        tpu.vector_store %arg7[%swap3A_99, %swap3A_100], %max3A_98 {strides = array<i32>} : memref<336x128xf32, #tpu.memory_space<vmem>>, vector<16xf32>,
        %get3A_102 = arith.index_cast %squeeze3A_73 : i32 to index
        %get3A_103 = arith.constant 48 : index
        %get3A_104 = tpu.vector_load %arg7[%get3A_102, %get3A_103] {strides = array<i32>} : memref<336x128xf32, #tpu.memory_space<vmem>>, vector<16xf32>,
        %get3A_105 = arith.index_cast %scan3A_68 : i32 to index
        %get3A_106 = arith.constant 48 : index
        %get3A_107 = tpu.vector_load %arg11[%get3A_105, %get3A_106] {strides = array<i32>} : memref<256x128xf32, #tpu.memory_space<vmem>>, vector<16xf32>,
        %max3A_108 = arith.maximumf %get3A_104, %get3A_107 : vector<16xf32>
        %swap3A_109 = arith.index_cast %squeeze3A_73 : i32 to index
        %swap3A_110 = arith.constant 48 : index
        %swap3A_111 = tpu.vector_load %arg7[%swap3A_109, %swap3A_110] {strides = array<i32>} : memref<336x128xf32, #tpu.memory_space<vmem>>, vector<16xf32>,
        tpu.vector_store %arg7[%swap3A_109, %swap3A_110], %max3A_108 {strides = array<i32>} : memref<336x128xf32, #tpu.memory_space<vmem>>, vector<16xf32>,
        %get3A_112 = arith.index_cast %squeeze3A_73 : i32 to index
        %get3A_113 = arith.constant 64 : index
        %get3A_114 = tpu.vector_load %arg7[%get3A_112, %get3A_113] {strides = array<i32>} : memref<336x128xf32, #tpu.memory_space<vmem>>, vector<16xf32>,
        %get3A_115 = arith.index_cast %scan3A_68 : i32 to index
        %get3A_116 = arith.constant 64 : index
        %get3A_117 = tpu.vector_load %arg11[%get3A_115, %get3A_116] {strides = array<i32>} : memref<256x128xf32, #tpu.memory_space<vmem>>, vector<16xf32>,
        %max3A_118 = arith.maximumf %get3A_114, %get3A_117 : vector<16xf32>
        %swap3A_119 = arith.index_cast %squeeze3A_73 : i32 to index
        %swap3A_120 = arith.constant 64 : index
        %swap3A_121 = tpu.vector_load %arg7[%swap3A_119, %swap3A_120] {strides = array<i32>} : memref<336x128xf32, #tpu.memory_space<vmem>>, vector<16xf32>,
        tpu.vector_store %arg7[%swap3A_119, %swap3A_120], %max3A_118 {strides = array<i32>} : memref<336x128xf32, #tpu.memory_space<vmem>>, vector<16xf32>,
        %get3A_122 = arith.index_cast %squeeze3A_73 : i32 to index
        %get3A_123 = arith.constant 80 : index
        %get3A_124 = tpu.vector_load %arg7[%get3A_122, %get3A_123] {strides = array<i32>} : memref<336x128xf32, #tpu.memory_space<vmem>>, vector<16xf32>,
        %get3A_125 = arith.index_cast %scan3A_68 : i32 to index
        %get3A_126 = arith.constant 80 : index
        %get3A_127 = tpu.vector_load %arg11[%get3A_125, %get3A_126] {strides = array<i32>} : memref<256x128xf32, #tpu.memory_space<vmem>>, vector<16xf32>,
        %max3A_128 = arith.maximumf %get3A_124, %get3A_127 : vector<16xf32>
        %swap3A_129 = arith.index_cast %squeeze3A_73 : i32 to index
        %swap3A_130 = arith.constant 80 : index
        %swap3A_131 = tpu.vector_load %arg7[%swap3A_129, %swap3A_130] {strides = array<i32>} : memref<336x128xf32, #tpu.memory_space<vmem>>, vector<16xf32>,
        tpu.vector_store %arg7[%swap3A_129, %swap3A_130], %max3A_128 {strides = array<i32>} : memref<336x128xf32, #tpu.memory_space<vmem>>, vector<16xf32>,
        %get3A_132 = arith.index_cast %squeeze3A_73 : i32 to index
        %get3A_133 = arith.constant 96 : index
        %get3A_134 = tpu.vector_load %arg7[%get3A_132, %get3A_133] {strides = array<i32>} : memref<336x128xf32, #tpu.memory_space<vmem>>, vector<16xf32>,
        %get3A_135 = arith.index_cast %scan3A_68 : i32 to index
        %get3A_136 = arith.constant 96 : index
        %get3A_137 = tpu.vector_load %arg11[%get3A_135, %get3A_136] {strides = array<i32>} : memref<256x128xf32, #tpu.memory_space<vmem>>, vector<16xf32>,
        %max3A_138 = arith.maximumf %get3A_134, %get3A_137 : vector<16xf32>
        %swap3A_139 = arith.index_cast %squeeze3A_73 : i32 to index
        %swap3A_140 = arith.constant 96 : index
        %swap3A_141 = tpu.vector_load %arg7[%swap3A_139, %swap3A_140] {strides = array<i32>} : memref<336x128xf32, #tpu.memory_space<vmem>>, vector<16xf32>,
        tpu.vector_store %arg7[%swap3A_139, %swap3A_140], %max3A_138 {strides = array<i32>} : memref<336x128xf32, #tpu.memory_space<vmem>>, vector<16xf32>,
        %get3A_142 = arith.index_cast %squeeze3A_73 : i32 to index
        %get3A_143 = arith.constant 112 : index
        %get3A_144 = tpu.vector_load %arg7[%get3A_142, %get3A_143] {strides = array<i32>} : memref<336x128xf32, #tpu.memory_space<vmem>>, vector<16xf32>,
        %get3A_145 = arith.index_cast %scan3A_68 : i32 to index
        %get3A_146 = arith.constant 112 : index
        %get3A_147 = tpu.vector_load %arg11[%get3A_145, %get3A_146] {strides = array<i32>} : memref<256x128xf32, #tpu.memory_space<vmem>>, vector<16xf32>,
        %max3A_148 = arith.maximumf %get3A_144, %get3A_147 : vector<16xf32>
        %swap3A_149 = arith.index_cast %squeeze3A_73 : i32 to index
        %swap3A_150 = arith.constant 112 : index
        %swap3A_151 = tpu.vector_load %arg7[%swap3A_149, %swap3A_150] {strides = array<i32>} : memref<336x128xf32, #tpu.memory_space<vmem>>, vector<16xf32>,
        tpu.vector_store %arg7[%swap3A_149, %swap3A_150], %max3A_148 {strides = array<i32>} : memref<336x128xf32, #tpu.memory_space<vmem>>, vector<16xf32>,
        %scan3A_152 = arith.constant 0 : i32
        scf.yield %scan3A_152 : i32
      }
      %scan3A_67 = arith.constant 256 : i32
      scf.yield %scan3A_66 : i32
    }
    %mul3A_40 = arith.constant 320 : i32
    %mul3A_41 = arith.muli %add3A, %mul3A_40 : i32
    "tpu.region"() ({
      %run_scoped3A = tpu.sem_alloc : memref<!tpu.dma_semaphore, #tpu.memory_space<semaphore_mem>>
      %dma_start3A = arith.constant 0 : i32
      %dma_start3A_42 = arith.constant 0 : i32
      %dma_start3A_43 = tpu.memref_slice %arg7[%dma_start3A, %dma_start3A_42] : memref<336x128xf32, #tpu.memory_space<vmem>> -> memref<320x128xf32, #tpu.memory_space<vmem>>
      %dma_start3A_44 = arith.constant 0 : i32
      %dma_start3A_45 = tpu.memref_slice %arg6[%mul3A_41, %dma_start3A_44] : memref<10240x128xf32, #tpu.memory_space<hbm>> -> memref<320x128xf32, #tpu.memory_space<hbm>>
      %dma_start3A_46 = arith.constant 0 : i32
      %dma_start3A_47 = tpu.memref_slice %arg6[%mul3A_41, %dma_start3A_46] : memref<10240x128xf32, #tpu.memory_space<hbm>> -> memref<320x128xf32, #tpu.memory_space<hbm>>
      %dma_start3A_48 = arith.constant 0 : i32
      %dma_start3A_49 = arith.constant 0 : i32
      %dma_start3A_50 = tpu.memref_slice %arg7[%dma_start3A_48, %dma_start3A_49] : memref<336x128xf32, #tpu.memory_space<vmem>> -> memref<320x128xf32, #tpu.memory_space<vmem>>
      tpu.enqueue_dma source(%dma_start3A_50 : memref<320x128xf32, #tpu.memory_space<vmem>>) target(%dma_start3A_47 : memref<320x128xf32, #tpu.memory_space<hbm>>) target_semaphore(%run_scoped3A : memref<!tpu.dma_semaphore, #tpu.memory_space<semaphore_mem>>)
      %dma_wait3A = arith.constant 0 : i32
      %dma_wait3A_51 = arith.constant 0 : i32
      %dma_wait3A_52 = tpu.memref_slice %arg7[%dma_wait3A, %dma_wait3A_51] : memref<336x128xf32, #tpu.memory_space<vmem>> -> memref<320x128xf32, #tpu.memory_space<vmem>>
      %dma_wait3A_53 = arith.constant 0 : i32
      %dma_wait3A_54 = tpu.memref_slice %arg6[%mul3A_41, %dma_wait3A_53] : memref<10240x128xf32, #tpu.memory_space<hbm>> -> memref<320x128xf32, #tpu.memory_space<hbm>>
      %dma_wait3A_55 = arith.constant 0 : i32
      %dma_wait3A_56 = tpu.memref_slice %arg6[%mul3A_41, %dma_wait3A_55] : memref<10240x128xf32, #tpu.memory_space<hbm>> -> memref<320x128xf32, #tpu.memory_space<hbm>>
      %dma_wait3A_57 = arith.constant 0 : i32
      %dma_wait3A_58 = arith.constant 0 : i32
      %dma_wait3A_59 = tpu.memref_slice %arg7[%dma_wait3A_57, %dma_wait3A_58] : memref<336x128xf32, #tpu.memory_space<vmem>> -> memref<320x128xf32, #tpu.memory_space<vmem>>
      tpu.wait_dma2 semaphore(%run_scoped3A : memref<!tpu.dma_semaphore, #tpu.memory_space<semaphore_mem>>) src(%dma_wait3A_59 : memref<320x128xf32, #tpu.memory_space<vmem>>) dst(%dma_wait3A_56 : memref<320x128xf32, #tpu.memory_space<hbm>>)
      tpu.yield
    }) : () -> ()
    return
  }
}

#map = affine_map<(d0, d1) -> (0)>
#map1 = affine_map<(d0, d1) -> (0, 0)>
module attributes {stable_mosaic.version = 14 : i64} {
  func.func @compact_kernel(%arg0: i32, %arg1: i32, %arg2: memref<331776xi32, #tpu.memory_space<hbm>>, %arg3: memref<32x334080xi32, #tpu.memory_space<hbm>>, %arg4: memref<32x128xi32, #tpu.memory_space<hbm>>, %arg5: memref<2048xi32, #tpu.memory_space<vmem>>, %arg6: memref<4352xi32, #tpu.memory_space<vmem>>, %arg7: memref<16xi32, #tpu.memory_space<vmem>>) attributes {dimension_semantics = [#tpu.dimension_semantics<core_parallel>, #tpu.dimension_semantics<subcore_parallel>], iteration_bounds = array<i64: 2, 16>, scalar_prefetch = 0 : i64, scratch_operands = 3 : i64, tpu.core_type = #tpu.core_type<sc_vector_subcore>, window_params = [{transform_indices = #map}, {transform_indices = #map1}, {transform_indices = #map1}]} {
    %mul3A = arith.constant 2 : i32
    %mul3A_0 = arith.muli %arg1, %mul3A : i32
    %add3A = arith.addi %mul3A_0, %arg0 : i32
    %mul3A_1 = arith.constant 320 : i32
    %mul3A_2 = arith.muli %add3A, %mul3A_1 : i32
    %add3A_3 = arith.constant 320 : i32
    %add3A_4 = arith.addi %mul3A_2, %add3A_3 : i32
    %iota3A = tpu.iota {dimensions = array<i32: 0>} : vector<16xi32>
    %scan3A = arith.constant 0 : i32
    %scan3A_5 = arith.constant 0 : i32
    %scan3A_6 = arith.constant 0 : i32
    %scan3A_7 = arith.constant 162 : i32
    %scan3A_8 = arith.addi %scan3A_6, %scan3A_7 : i32
    %scan3A_9 = arith.constant 1 : i32
    %scan3A_10:2 = scf.for %scan3A_219 = %scan3A_6 to %scan3A_8 step %scan3A_9 iter_args(%scan3A_220 = %scan3A, %scan3A_221 = %scan3A_5) -> (i32, i32)  : i32 {
      %mul3A_222 = arith.constant 2048 : i32
      %mul3A_223 = arith.muli %scan3A_219, %mul3A_222 : i32
      "tpu.region"() ({
        %run_scoped3A = tpu.sem_alloc : memref<!tpu.dma_semaphore, #tpu.memory_space<semaphore_mem>>
        %dma_start3A = tpu.memref_slice %arg2[%mul3A_223] : memref<331776xi32, #tpu.memory_space<hbm>> -> memref<2048xi32, #tpu.memory_space<hbm>>
        %dma_start3A_242 = tpu.memref_slice %arg2[%mul3A_223] : memref<331776xi32, #tpu.memory_space<hbm>> -> memref<2048xi32, #tpu.memory_space<hbm>>
        tpu.enqueue_dma source(%dma_start3A_242 : memref<2048xi32, #tpu.memory_space<hbm>>) target(%arg5 : memref<2048xi32, #tpu.memory_space<vmem>>) target_semaphore(%run_scoped3A : memref<!tpu.dma_semaphore, #tpu.memory_space<semaphore_mem>>)
        %dma_wait3A = tpu.memref_slice %arg2[%mul3A_223] : memref<331776xi32, #tpu.memory_space<hbm>> -> memref<2048xi32, #tpu.memory_space<hbm>>
        %dma_wait3A_243 = tpu.memref_slice %arg2[%mul3A_223] : memref<331776xi32, #tpu.memory_space<hbm>> -> memref<2048xi32, #tpu.memory_space<hbm>>
        tpu.wait_dma2 semaphore(%run_scoped3A : memref<!tpu.dma_semaphore, #tpu.memory_space<semaphore_mem>>) src(%dma_wait3A_243 : memref<2048xi32, #tpu.memory_space<hbm>>) dst(%arg5 : memref<2048xi32, #tpu.memory_space<vmem>>)
        tpu.yield
      }) : () -> ()
      %scan3A_224 = arith.constant 0 : i32
      %scan3A_225 = arith.constant 128 : i32
      %scan3A_226 = arith.addi %scan3A_224, %scan3A_225 : i32
      %scan3A_227 = arith.constant 1 : i32
      %scan3A_228 = scf.for %scan3A_242 = %scan3A_224 to %scan3A_226 step %scan3A_227 iter_args(%scan3A_243 = %scan3A_220) -> (i32)  : i32 {
        %mul3A_244 = arith.constant 16 : i32
        %mul3A_245 = arith.muli %scan3A_242, %mul3A_244 : i32
        %get3A = arith.index_cast %mul3A_245 : i32 to index
        %get3A_246 = tpu.vector_load %arg5[%get3A] {strides = array<i32>} : memref<2048xi32, #tpu.memory_space<vmem>>, vector<16xi32>,
        %ge3A_247 = vector.broadcast %mul3A_2 : i32 to vector<16xi32>
        %ge3A_248 = arith.cmpi sge, %get3A_246, %ge3A_247 : vector<16xi32>
        %lt3A = vector.broadcast %add3A_4 : i32 to vector<16xi32>
        %lt3A_249 = arith.cmpi slt, %get3A_246, %lt3A : vector<16xi32>
        %and3A_250 = arith.andi %ge3A_248, %lt3A_249 : vector<16xi1>
        %mul3A_251 = arith.constant 2048 : i32
        %mul3A_252 = arith.muli %scan3A_219, %mul3A_251 : i32
        %mul3A_253 = arith.constant 16 : i32
        %mul3A_254 = arith.muli %scan3A_242, %mul3A_253 : i32
        %add3A_255 = arith.addi %mul3A_252, %mul3A_254 : i32
        %add3A_256 = vector.broadcast %add3A_255 : i32 to vector<16xi32>
        %add3A_257 = arith.addi %iota3A, %add3A_256 : vector<16xi32>
        %swap3A_258 = arith.index_cast %scan3A_243 : i32 to index
        %swap3A_259 = tpu.vector_load %arg6[%swap3A_258] masked %and3A_250 {strides = array<i32>} : memref<4352xi32, #tpu.memory_space<vmem>>, vector<16xi32>, vector<16xi1>
        tpu.vector_store %arg6[%swap3A_258], %add3A_257 masked %and3A_250 {strides = array<i32>} : memref<4352xi32, #tpu.memory_space<vmem>>, vector<16xi32>, vector<16xi1>
        %all_reduce_population_count3A = tpu.all_reduce %and3A_250 {dim = 0 : i64, kind = #tpu.reduction_kind<sum>} : vector<16xi1> -> vector<16xi32>
        %slice3A = vector.extract_strided_slice %all_reduce_population_count3A {offsets = [0], sizes = [1], strides = [1]} : vector<16xi32> to vector<1xi32>
        %squeeze3A = vector.extract %slice3A[0] : i32 from vector<1xi32>
        %add3A_260 = arith.addi %scan3A_243, %squeeze3A : i32
        scf.yield %add3A_260 : i32
      }
      %scan3A_229 = arith.constant 128 : i32
      %ge3A = arith.constant 2048 : i32
      %ge3A_230 = arith.cmpi sge, %scan3A_228, %ge3A : i32
      %convert_element_type3A = arith.extui %ge3A_230 : i1 to i32
      %cond3A = arith.constant 0 : i32
      %cond3A_231 = arith.cmpi ne, %convert_element_type3A, %cond3A : i32
      scf.if %cond3A_231 {
        %mul3A_242 = arith.constant 2048 : i32
        %mul3A_243 = arith.muli %scan3A_221, %mul3A_242 : i32
        "tpu.region"() ({
          %run_scoped3A = tpu.sem_alloc : memref<!tpu.dma_semaphore, #tpu.memory_space<semaphore_mem>>
          %dma_start3A = arith.constant 0 : i32
          %dma_start3A_286 = tpu.memref_slice %arg6[%dma_start3A] : memref<4352xi32, #tpu.memory_space<vmem>> -> memref<2048xi32, #tpu.memory_space<vmem>>
          %dma_start3A_287 = arith.constant 0 : i32
          %dma_start3A_288 = tpu.memref_slice %arg3[%add3A, %dma_start3A_287] : memref<32x334080xi32, #tpu.memory_space<hbm>> -> memref<1x334080xi32, #tpu.memory_space<hbm>>
          %dma_start3A_289 = tpu.memref_squeeze %dma_start3A_288 : memref<1x334080xi32, #tpu.memory_space<hbm>> -> memref<334080xi32, #tpu.memory_space<hbm>>
          %dma_start3A_290 = tpu.memref_slice %dma_start3A_289[%mul3A_243] : memref<334080xi32, #tpu.memory_space<hbm>> -> memref<2048xi32, #tpu.memory_space<hbm>>
          %dma_start3A_291 = arith.constant 0 : i32
          %dma_start3A_292 = tpu.memref_slice %arg3[%add3A, %dma_start3A_291] : memref<32x334080xi32, #tpu.memory_space<hbm>> -> memref<1x334080xi32, #tpu.memory_space<hbm>>
          %dma_start3A_293 = tpu.memref_squeeze %dma_start3A_292 : memref<1x334080xi32, #tpu.memory_space<hbm>> -> memref<334080xi32, #tpu.memory_space<hbm>>
          %dma_start3A_294 = tpu.memref_slice %dma_start3A_293[%mul3A_243] : memref<334080xi32, #tpu.memory_space<hbm>> -> memref<2048xi32, #tpu.memory_space<hbm>>
          %dma_start3A_295 = arith.constant 0 : i32
          %dma_start3A_296 = tpu.memref_slice %arg6[%dma_start3A_295] : memref<4352xi32, #tpu.memory_space<vmem>> -> memref<2048xi32, #tpu.memory_space<vmem>>
          tpu.enqueue_dma source(%dma_start3A_296 : memref<2048xi32, #tpu.memory_space<vmem>>) target(%dma_start3A_294 : memref<2048xi32, #tpu.memory_space<hbm>>) target_semaphore(%run_scoped3A : memref<!tpu.dma_semaphore, #tpu.memory_space<semaphore_mem>>)
          %dma_wait3A = arith.constant 0 : i32
          %dma_wait3A_297 = tpu.memref_slice %arg6[%dma_wait3A] : memref<4352xi32, #tpu.memory_space<vmem>> -> memref<2048xi32, #tpu.memory_space<vmem>>
          %dma_wait3A_298 = arith.constant 0 : i32
          %dma_wait3A_299 = tpu.memref_slice %arg3[%add3A, %dma_wait3A_298] : memref<32x334080xi32, #tpu.memory_space<hbm>> -> memref<1x334080xi32, #tpu.memory_space<hbm>>
          %dma_wait3A_300 = tpu.memref_squeeze %dma_wait3A_299 : memref<1x334080xi32, #tpu.memory_space<hbm>> -> memref<334080xi32, #tpu.memory_space<hbm>>
          %dma_wait3A_301 = tpu.memref_slice %dma_wait3A_300[%mul3A_243] : memref<334080xi32, #tpu.memory_space<hbm>> -> memref<2048xi32, #tpu.memory_space<hbm>>
          %dma_wait3A_302 = arith.constant 0 : i32
          %dma_wait3A_303 = tpu.memref_slice %arg3[%add3A, %dma_wait3A_302] : memref<32x334080xi32, #tpu.memory_space<hbm>> -> memref<1x334080xi32, #tpu.memory_space<hbm>>
          %dma_wait3A_304 = tpu.memref_squeeze %dma_wait3A_303 : memref<1x334080xi32, #tpu.memory_space<hbm>> -> memref<334080xi32, #tpu.memory_space<hbm>>
          %dma_wait3A_305 = tpu.memref_slice %dma_wait3A_304[%mul3A_243] : memref<334080xi32, #tpu.memory_space<hbm>> -> memref<2048xi32, #tpu.memory_space<hbm>>
          %dma_wait3A_306 = arith.constant 0 : i32
          %dma_wait3A_307 = tpu.memref_slice %arg6[%dma_wait3A_306] : memref<4352xi32, #tpu.memory_space<vmem>> -> memref<2048xi32, #tpu.memory_space<vmem>>
          tpu.wait_dma2 semaphore(%run_scoped3A : memref<!tpu.dma_semaphore, #tpu.memory_space<semaphore_mem>>) src(%dma_wait3A_307 : memref<2048xi32, #tpu.memory_space<vmem>>) dst(%dma_wait3A_305 : memref<2048xi32, #tpu.memory_space<hbm>>)
          tpu.yield
        }) : () -> ()
        %sub3A_244 = arith.constant 2048 : i32
        %sub3A_245 = arith.subi %scan3A_228, %sub3A_244 : i32
        %add3A_246 = arith.constant 15 : i32
        %add3A_247 = arith.addi %sub3A_245, %add3A_246 : i32
        %max3A_248 = arith.constant 0 : i32
        %max3A_249 = arith.maxsi %add3A_247, %max3A_248 : i32
        %jit3A_250 = arith.constant 16 : i32
        %div3A_251 = arith.divsi %max3A_249, %jit3A_250 : i32
        %sign3A_252 = arith.constant 0 : i32
        %sign3A_253 = arith.cmpi sgt, %max3A_249, %sign3A_252 : i32
        %sign3A_254 = arith.extui %sign3A_253 : i1 to i32
        %sign3A_255 = arith.constant 0 : i32
        %sign3A_256 = arith.cmpi slt, %max3A_249, %sign3A_255 : i32
        %sign3A_257 = arith.extui %sign3A_256 : i1 to i32
        %sign3A_258 = arith.subi %sign3A_254, %sign3A_257 : i32
        %sign3A_259 = arith.constant 0 : i32
        %sign3A_260 = arith.cmpi sgt, %jit3A_250, %sign3A_259 : i32
        %sign3A_261 = arith.extui %sign3A_260 : i1 to i32
        %sign3A_262 = arith.constant 0 : i32
        %sign3A_263 = arith.cmpi slt, %jit3A_250, %sign3A_262 : i32
        %sign3A_264 = arith.extui %sign3A_263 : i1 to i32
        %sign3A_265 = arith.subi %sign3A_261, %sign3A_264 : i32
        %ne3A_266 = arith.cmpi ne, %sign3A_258, %sign3A_265 : i32
        %rem3A_267 = arith.remsi %max3A_249, %jit3A_250 : i32
        %ne3A_268 = arith.constant 0 : i32
        %ne3A_269 = arith.cmpi ne, %rem3A_267, %ne3A_268 : i32
        %and3A_270 = arith.andi %ne3A_266, %ne3A_269 : i1
        %sub3A_271 = arith.constant 1 : i32
        %sub3A_272 = arith.subi %div3A_251, %sub3A_271 : i32
        %select_n3A_273 = arith.select %and3A_270, %sub3A_272, %div3A_251 : i32
        %while3A_274 = arith.constant 0 : i32
        %while3A_275 = arith.constant 0 : i32
        %while3A_276 = arith.subi %select_n3A_273, %while3A_274 : i32
        %while3A_277 = arith.addi %while3A_274, %while3A_276 : i32
        %while3A_278 = arith.constant 1 : i32
        %while3A_279 = arith.divsi %while3A_276, %while3A_278 : i32
        %while3A_280 = arith.muli %while3A_279, %while3A_278 : i32
        %while3A_281 = arith.addi %while3A_274, %while3A_280 : i32
        %while3A_282 = arith.constant 1 : i32
        %while3A_283 = scf.for %while3A_286 = %while3A_274 to %while3A_281 step %while3A_282 iter_args(%while3A_287 = %while3A_275) -> (i32)  : i32 {
          %mul3A_288 = arith.constant 16 : i32
          %mul3A_289 = arith.muli %while3A_286, %mul3A_288 : i32
          %add3A_290 = arith.constant 2048 : i32
          %add3A_291 = arith.addi %add3A_290, %mul3A_289 : i32
          %get3A = arith.index_cast %add3A_291 : i32 to index
          %get3A_292 = tpu.vector_load %arg6[%get3A] {strides = array<i32>} : memref<4352xi32, #tpu.memory_space<vmem>>, vector<16xi32>,
          %mul3A_293 = arith.constant 16 : i32
          %mul3A_294 = arith.muli %while3A_286, %mul3A_293 : i32
          %swap3A_295 = arith.index_cast %mul3A_294 : i32 to index
          %swap3A_296 = tpu.vector_load %arg6[%swap3A_295] {strides = array<i32>} : memref<4352xi32, #tpu.memory_space<vmem>>, vector<16xi32>,
          tpu.vector_store %arg6[%swap3A_295], %get3A_292 {strides = array<i32>} : memref<4352xi32, #tpu.memory_space<vmem>>, vector<16xi32>,
          %while3A_297 = arith.constant 0 : i32
          scf.yield %while3A_297 : i32
        }
        %while3A_284 = arith.constant 1 : i32
        %while3A_285 = scf.for %while3A_286 = %while3A_281 to %while3A_277 step %while3A_284 iter_args(%while3A_287 = %while3A_283) -> (i32)  : i32 {
          %mul3A_288 = arith.constant 16 : i32
          %mul3A_289 = arith.muli %while3A_286, %mul3A_288 : i32
          %add3A_290 = arith.constant 2048 : i32
          %add3A_291 = arith.addi %add3A_290, %mul3A_289 : i32
          %get3A = arith.index_cast %add3A_291 : i32 to index
          %get3A_292 = tpu.vector_load %arg6[%get3A] {strides = array<i32>} : memref<4352xi32, #tpu.memory_space<vmem>>, vector<16xi32>,
          %mul3A_293 = arith.constant 16 : i32
          %mul3A_294 = arith.muli %while3A_286, %mul3A_293 : i32
          %swap3A_295 = arith.index_cast %mul3A_294 : i32 to index
          %swap3A_296 = tpu.vector_load %arg6[%swap3A_295] {strides = array<i32>} : memref<4352xi32, #tpu.memory_space<vmem>>, vector<16xi32>,
          tpu.vector_store %arg6[%swap3A_295], %get3A_292 {strides = array<i32>} : memref<4352xi32, #tpu.memory_space<vmem>>, vector<16xi32>,
          %while3A_297 = arith.constant 0 : i32
          scf.yield %while3A_297 : i32
        }
      } else {
      }
      %ge3A_232 = arith.constant 2048 : i32
      %ge3A_233 = arith.cmpi sge, %scan3A_228, %ge3A_232 : i32
      %sub3A_234 = arith.constant 2048 : i32
      %sub3A_235 = arith.subi %scan3A_228, %sub3A_234 : i32
      %select_n3A_236 = arith.select %ge3A_233, %sub3A_235, %scan3A_228 : i32
      %ge3A_237 = arith.constant 2048 : i32
      %ge3A_238 = arith.cmpi sge, %scan3A_228, %ge3A_237 : i32
      %add3A_239 = arith.constant 1 : i32
      %add3A_240 = arith.addi %scan3A_221, %add3A_239 : i32
      %select_n3A_241 = arith.select %ge3A_238, %add3A_240, %scan3A_221 : i32
      scf.yield %select_n3A_236, %select_n3A_241 : i32, i32
    }
    %scan3A_11 = arith.constant 162 : i32
    %mul3A_12 = arith.constant 8 : i32
    %mul3A_13 = vector.broadcast %mul3A_12 : i32 to vector<16xi32>
    %mul3A_14 = arith.muli %iota3A, %mul3A_13 : vector<16xi32>
    %add3A_15 = arith.constant 0 : i32
    %add3A_16 = vector.broadcast %add3A_15 : i32 to vector<16xi32>
    %add3A_17 = arith.addi %mul3A_14, %add3A_16 : vector<16xi32>
    %add3A_18 = arith.constant 0 : i32
    %add3A_19 = arith.addi %scan3A_10#0, %add3A_18 : i32
    %swap3A = arith.index_cast %add3A_19 : i32 to index
    %swap3A_20 = tpu.vector_load %arg6[%swap3A] {strides = array<i32>} : memref<4352xi32, #tpu.memory_space<vmem>>, vector<16xi32>,
    tpu.vector_store %arg6[%swap3A], %add3A_17 {strides = array<i32>} : memref<4352xi32, #tpu.memory_space<vmem>>, vector<16xi32>,
    %mul3A_21 = arith.constant 8 : i32
    %mul3A_22 = vector.broadcast %mul3A_21 : i32 to vector<16xi32>
    %mul3A_23 = arith.muli %iota3A, %mul3A_22 : vector<16xi32>
    %add3A_24 = arith.constant 1 : i32
    %add3A_25 = vector.broadcast %add3A_24 : i32 to vector<16xi32>
    %add3A_26 = arith.addi %mul3A_23, %add3A_25 : vector<16xi32>
    %add3A_27 = arith.constant 16 : i32
    %add3A_28 = arith.addi %scan3A_10#0, %add3A_27 : i32
    %swap3A_29 = arith.index_cast %add3A_28 : i32 to index
    %swap3A_30 = tpu.vector_load %arg6[%swap3A_29] {strides = array<i32>} : memref<4352xi32, #tpu.memory_space<vmem>>, vector<16xi32>,
    tpu.vector_store %arg6[%swap3A_29], %add3A_26 {strides = array<i32>} : memref<4352xi32, #tpu.memory_space<vmem>>, vector<16xi32>,
    %mul3A_31 = arith.constant 8 : i32
    %mul3A_32 = vector.broadcast %mul3A_31 : i32 to vector<16xi32>
    %mul3A_33 = arith.muli %iota3A, %mul3A_32 : vector<16xi32>
    %add3A_34 = arith.constant 2 : i32
    %add3A_35 = vector.broadcast %add3A_34 : i32 to vector<16xi32>
    %add3A_36 = arith.addi %mul3A_33, %add3A_35 : vector<16xi32>
    %add3A_37 = arith.constant 32 : i32
    %add3A_38 = arith.addi %scan3A_10#0, %add3A_37 : i32
    %swap3A_39 = arith.index_cast %add3A_38 : i32 to index
    %swap3A_40 = tpu.vector_load %arg6[%swap3A_39] {strides = array<i32>} : memref<4352xi32, #tpu.memory_space<vmem>>, vector<16xi32>,
    tpu.vector_store %arg6[%swap3A_39], %add3A_36 {strides = array<i32>} : memref<4352xi32, #tpu.memory_space<vmem>>, vector<16xi32>,
    %mul3A_41 = arith.constant 8 : i32
    %mul3A_42 = vector.broadcast %mul3A_41 : i32 to vector<16xi32>
    %mul3A_43 = arith.muli %iota3A, %mul3A_42 : vector<16xi32>
    %add3A_44 = arith.constant 3 : i32
    %add3A_45 = vector.broadcast %add3A_44 : i32 to vector<16xi32>
    %add3A_46 = arith.addi %mul3A_43, %add3A_45 : vector<16xi32>
    %add3A_47 = arith.constant 48 : i32
    %add3A_48 = arith.addi %scan3A_10#0, %add3A_47 : i32
    %swap3A_49 = arith.index_cast %add3A_48 : i32 to index
    %swap3A_50 = tpu.vector_load %arg6[%swap3A_49] {strides = array<i32>} : memref<4352xi32, #tpu.memory_space<vmem>>, vector<16xi32>,
    tpu.vector_store %arg6[%swap3A_49], %add3A_46 {strides = array<i32>} : memref<4352xi32, #tpu.memory_space<vmem>>, vector<16xi32>,
    %mul3A_51 = arith.constant 8 : i32
    %mul3A_52 = vector.broadcast %mul3A_51 : i32 to vector<16xi32>
    %mul3A_53 = arith.muli %iota3A, %mul3A_52 : vector<16xi32>
    %add3A_54 = arith.constant 4 : i32
    %add3A_55 = vector.broadcast %add3A_54 : i32 to vector<16xi32>
    %add3A_56 = arith.addi %mul3A_53, %add3A_55 : vector<16xi32>
    %add3A_57 = arith.constant 64 : i32
    %add3A_58 = arith.addi %scan3A_10#0, %add3A_57 : i32
    %swap3A_59 = arith.index_cast %add3A_58 : i32 to index
    %swap3A_60 = tpu.vector_load %arg6[%swap3A_59] {strides = array<i32>} : memref<4352xi32, #tpu.memory_space<vmem>>, vector<16xi32>,
    tpu.vector_store %arg6[%swap3A_59], %add3A_56 {strides = array<i32>} : memref<4352xi32, #tpu.memory_space<vmem>>, vector<16xi32>,
    %mul3A_61 = arith.constant 8 : i32
    %mul3A_62 = vector.broadcast %mul3A_61 : i32 to vector<16xi32>
    %mul3A_63 = arith.muli %iota3A, %mul3A_62 : vector<16xi32>
    %add3A_64 = arith.constant 5 : i32
    %add3A_65 = vector.broadcast %add3A_64 : i32 to vector<16xi32>
    %add3A_66 = arith.addi %mul3A_63, %add3A_65 : vector<16xi32>
    %add3A_67 = arith.constant 80 : i32
    %add3A_68 = arith.addi %scan3A_10#0, %add3A_67 : i32
    %swap3A_69 = arith.index_cast %add3A_68 : i32 to index
    %swap3A_70 = tpu.vector_load %arg6[%swap3A_69] {strides = array<i32>} : memref<4352xi32, #tpu.memory_space<vmem>>, vector<16xi32>,
    tpu.vector_store %arg6[%swap3A_69], %add3A_66 {strides = array<i32>} : memref<4352xi32, #tpu.memory_space<vmem>>, vector<16xi32>,
    %mul3A_71 = arith.constant 8 : i32
    %mul3A_72 = vector.broadcast %mul3A_71 : i32 to vector<16xi32>
    %mul3A_73 = arith.muli %iota3A, %mul3A_72 : vector<16xi32>
    %add3A_74 = arith.constant 6 : i32
    %add3A_75 = vector.broadcast %add3A_74 : i32 to vector<16xi32>
    %add3A_76 = arith.addi %mul3A_73, %add3A_75 : vector<16xi32>
    %add3A_77 = arith.constant 96 : i32
    %add3A_78 = arith.addi %scan3A_10#0, %add3A_77 : i32
    %swap3A_79 = arith.index_cast %add3A_78 : i32 to index
    %swap3A_80 = tpu.vector_load %arg6[%swap3A_79] {strides = array<i32>} : memref<4352xi32, #tpu.memory_space<vmem>>, vector<16xi32>,
    tpu.vector_store %arg6[%swap3A_79], %add3A_76 {strides = array<i32>} : memref<4352xi32, #tpu.memory_space<vmem>>, vector<16xi32>,
    %mul3A_81 = arith.constant 8 : i32
    %mul3A_82 = vector.broadcast %mul3A_81 : i32 to vector<16xi32>
    %mul3A_83 = arith.muli %iota3A, %mul3A_82 : vector<16xi32>
    %add3A_84 = arith.constant 7 : i32
    %add3A_85 = vector.broadcast %add3A_84 : i32 to vector<16xi32>
    %add3A_86 = arith.addi %mul3A_83, %add3A_85 : vector<16xi32>
    %add3A_87 = arith.constant 112 : i32
    %add3A_88 = arith.addi %scan3A_10#0, %add3A_87 : i32
    %swap3A_89 = arith.index_cast %add3A_88 : i32 to index
    %swap3A_90 = tpu.vector_load %arg6[%swap3A_89] {strides = array<i32>} : memref<4352xi32, #tpu.memory_space<vmem>>, vector<16xi32>,
    tpu.vector_store %arg6[%swap3A_89], %add3A_86 {strides = array<i32>} : memref<4352xi32, #tpu.memory_space<vmem>>, vector<16xi32>,
    %mul3A_91 = arith.constant 8 : i32
    %mul3A_92 = vector.broadcast %mul3A_91 : i32 to vector<16xi32>
    %mul3A_93 = arith.muli %iota3A, %mul3A_92 : vector<16xi32>
    %add3A_94 = arith.constant 8 : i32
    %add3A_95 = vector.broadcast %add3A_94 : i32 to vector<16xi32>
    %add3A_96 = arith.addi %mul3A_93, %add3A_95 : vector<16xi32>
    %add3A_97 = arith.constant 128 : i32
    %add3A_98 = arith.addi %scan3A_10#0, %add3A_97 : i32
    %swap3A_99 = arith.index_cast %add3A_98 : i32 to index
    %swap3A_100 = tpu.vector_load %arg6[%swap3A_99] {strides = array<i32>} : memref<4352xi32, #tpu.memory_space<vmem>>, vector<16xi32>,
    tpu.vector_store %arg6[%swap3A_99], %add3A_96 {strides = array<i32>} : memref<4352xi32, #tpu.memory_space<vmem>>, vector<16xi32>,
    %mul3A_101 = arith.constant 8 : i32
    %mul3A_102 = vector.broadcast %mul3A_101 : i32 to vector<16xi32>
    %mul3A_103 = arith.muli %iota3A, %mul3A_102 : vector<16xi32>
    %add3A_104 = arith.constant 9 : i32
    %add3A_105 = vector.broadcast %add3A_104 : i32 to vector<16xi32>
    %add3A_106 = arith.addi %mul3A_103, %add3A_105 : vector<16xi32>
    %add3A_107 = arith.constant 144 : i32
    %add3A_108 = arith.addi %scan3A_10#0, %add3A_107 : i32
    %swap3A_109 = arith.index_cast %add3A_108 : i32 to index
    %swap3A_110 = tpu.vector_load %arg6[%swap3A_109] {strides = array<i32>} : memref<4352xi32, #tpu.memory_space<vmem>>, vector<16xi32>,
    tpu.vector_store %arg6[%swap3A_109], %add3A_106 {strides = array<i32>} : memref<4352xi32, #tpu.memory_space<vmem>>, vector<16xi32>,
    %mul3A_111 = arith.constant 8 : i32
    %mul3A_112 = vector.broadcast %mul3A_111 : i32 to vector<16xi32>
    %mul3A_113 = arith.muli %iota3A, %mul3A_112 : vector<16xi32>
    %add3A_114 = arith.constant 10 : i32
    %add3A_115 = vector.broadcast %add3A_114 : i32 to vector<16xi32>
    %add3A_116 = arith.addi %mul3A_113, %add3A_115 : vector<16xi32>
    %add3A_117 = arith.constant 160 : i32
    %add3A_118 = arith.addi %scan3A_10#0, %add3A_117 : i32
    %swap3A_119 = arith.index_cast %add3A_118 : i32 to index
    %swap3A_120 = tpu.vector_load %arg6[%swap3A_119] {strides = array<i32>} : memref<4352xi32, #tpu.memory_space<vmem>>, vector<16xi32>,
    tpu.vector_store %arg6[%swap3A_119], %add3A_116 {strides = array<i32>} : memref<4352xi32, #tpu.memory_space<vmem>>, vector<16xi32>,
    %mul3A_121 = arith.constant 8 : i32
    %mul3A_122 = vector.broadcast %mul3A_121 : i32 to vector<16xi32>
    %mul3A_123 = arith.muli %iota3A, %mul3A_122 : vector<16xi32>
    %add3A_124 = arith.constant 11 : i32
    %add3A_125 = vector.broadcast %add3A_124 : i32 to vector<16xi32>
    %add3A_126 = arith.addi %mul3A_123, %add3A_125 : vector<16xi32>
    %add3A_127 = arith.constant 176 : i32
    %add3A_128 = arith.addi %scan3A_10#0, %add3A_127 : i32
    %swap3A_129 = arith.index_cast %add3A_128 : i32 to index
    %swap3A_130 = tpu.vector_load %arg6[%swap3A_129] {strides = array<i32>} : memref<4352xi32, #tpu.memory_space<vmem>>, vector<16xi32>,
    tpu.vector_store %arg6[%swap3A_129], %add3A_126 {strides = array<i32>} : memref<4352xi32, #tpu.memory_space<vmem>>, vector<16xi32>,
    %mul3A_131 = arith.constant 8 : i32
    %mul3A_132 = vector.broadcast %mul3A_131 : i32 to vector<16xi32>
    %mul3A_133 = arith.muli %iota3A, %mul3A_132 : vector<16xi32>
    %add3A_134 = arith.constant 12 : i32
    %add3A_135 = vector.broadcast %add3A_134 : i32 to vector<16xi32>
    %add3A_136 = arith.addi %mul3A_133, %add3A_135 : vector<16xi32>
    %add3A_137 = arith.constant 192 : i32
    %add3A_138 = arith.addi %scan3A_10#0, %add3A_137 : i32
    %swap3A_139 = arith.index_cast %add3A_138 : i32 to index
    %swap3A_140 = tpu.vector_load %arg6[%swap3A_139] {strides = array<i32>} : memref<4352xi32, #tpu.memory_space<vmem>>, vector<16xi32>,
    tpu.vector_store %arg6[%swap3A_139], %add3A_136 {strides = array<i32>} : memref<4352xi32, #tpu.memory_space<vmem>>, vector<16xi32>,
    %mul3A_141 = arith.constant 8 : i32
    %mul3A_142 = vector.broadcast %mul3A_141 : i32 to vector<16xi32>
    %mul3A_143 = arith.muli %iota3A, %mul3A_142 : vector<16xi32>
    %add3A_144 = arith.constant 13 : i32
    %add3A_145 = vector.broadcast %add3A_144 : i32 to vector<16xi32>
    %add3A_146 = arith.addi %mul3A_143, %add3A_145 : vector<16xi32>
    %add3A_147 = arith.constant 208 : i32
    %add3A_148 = arith.addi %scan3A_10#0, %add3A_147 : i32
    %swap3A_149 = arith.index_cast %add3A_148 : i32 to index
    %swap3A_150 = tpu.vector_load %arg6[%swap3A_149] {strides = array<i32>} : memref<4352xi32, #tpu.memory_space<vmem>>, vector<16xi32>,
    tpu.vector_store %arg6[%swap3A_149], %add3A_146 {strides = array<i32>} : memref<4352xi32, #tpu.memory_space<vmem>>, vector<16xi32>,
    %mul3A_151 = arith.constant 8 : i32
    %mul3A_152 = vector.broadcast %mul3A_151 : i32 to vector<16xi32>
    %mul3A_153 = arith.muli %iota3A, %mul3A_152 : vector<16xi32>
    %add3A_154 = arith.constant 14 : i32
    %add3A_155 = vector.broadcast %add3A_154 : i32 to vector<16xi32>
    %add3A_156 = arith.addi %mul3A_153, %add3A_155 : vector<16xi32>
    %add3A_157 = arith.constant 224 : i32
    %add3A_158 = arith.addi %scan3A_10#0, %add3A_157 : i32
    %swap3A_159 = arith.index_cast %add3A_158 : i32 to index
    %swap3A_160 = tpu.vector_load %arg6[%swap3A_159] {strides = array<i32>} : memref<4352xi32, #tpu.memory_space<vmem>>, vector<16xi32>,
    tpu.vector_store %arg6[%swap3A_159], %add3A_156 {strides = array<i32>} : memref<4352xi32, #tpu.memory_space<vmem>>, vector<16xi32>,
    %mul3A_161 = arith.constant 8 : i32
    %mul3A_162 = vector.broadcast %mul3A_161 : i32 to vector<16xi32>
    %mul3A_163 = arith.muli %iota3A, %mul3A_162 : vector<16xi32>
    %add3A_164 = arith.constant 15 : i32
    %add3A_165 = vector.broadcast %add3A_164 : i32 to vector<16xi32>
    %add3A_166 = arith.addi %mul3A_163, %add3A_165 : vector<16xi32>
    %add3A_167 = arith.constant 240 : i32
    %add3A_168 = arith.addi %scan3A_10#0, %add3A_167 : i32
    %swap3A_169 = arith.index_cast %add3A_168 : i32 to index
    %swap3A_170 = tpu.vector_load %arg6[%swap3A_169] {strides = array<i32>} : memref<4352xi32, #tpu.memory_space<vmem>>, vector<16xi32>,
    tpu.vector_store %arg6[%swap3A_169], %add3A_166 {strides = array<i32>} : memref<4352xi32, #tpu.memory_space<vmem>>, vector<16xi32>,
    %add3A_171 = arith.constant 256 : i32
    %add3A_172 = arith.addi %scan3A_10#0, %add3A_171 : i32
    %sub3A = arith.constant 1 : i32
    %sub3A_173 = arith.subi %add3A_172, %sub3A : i32
    %and3A = arith.constant -256 : i32
    %and3A_174 = arith.andi %sub3A_173, %and3A : i32
    %mul3A_175 = arith.constant 2048 : i32
    %mul3A_176 = arith.muli %scan3A_10#1, %mul3A_175 : i32
    %add3A_177 = arith.addi %mul3A_176, %and3A_174 : i32
    %mul3A_178 = arith.constant 2048 : i32
    %mul3A_179 = arith.muli %scan3A_10#1, %mul3A_178 : i32
    "tpu.region"() ({
      %run_scoped3A = tpu.sem_alloc : memref<!tpu.dma_semaphore, #tpu.memory_space<semaphore_mem>>
      %dma_start3A = arith.constant 0 : i32
      %dma_start3A_219 = tpu.memref_slice %arg6[%dma_start3A] : memref<4352xi32, #tpu.memory_space<vmem>> -> memref<2048xi32, #tpu.memory_space<vmem>>
      %dma_start3A_220 = arith.constant 0 : i32
      %dma_start3A_221 = tpu.memref_slice %arg3[%add3A, %dma_start3A_220] : memref<32x334080xi32, #tpu.memory_space<hbm>> -> memref<1x334080xi32, #tpu.memory_space<hbm>>
      %dma_start3A_222 = tpu.memref_squeeze %dma_start3A_221 : memref<1x334080xi32, #tpu.memory_space<hbm>> -> memref<334080xi32, #tpu.memory_space<hbm>>
      %dma_start3A_223 = tpu.memref_slice %dma_start3A_222[%mul3A_179] : memref<334080xi32, #tpu.memory_space<hbm>> -> memref<2048xi32, #tpu.memory_space<hbm>>
      %dma_start3A_224 = arith.constant 0 : i32
      %dma_start3A_225 = tpu.memref_slice %arg3[%add3A, %dma_start3A_224] : memref<32x334080xi32, #tpu.memory_space<hbm>> -> memref<1x334080xi32, #tpu.memory_space<hbm>>
      %dma_start3A_226 = tpu.memref_squeeze %dma_start3A_225 : memref<1x334080xi32, #tpu.memory_space<hbm>> -> memref<334080xi32, #tpu.memory_space<hbm>>
      %dma_start3A_227 = tpu.memref_slice %dma_start3A_226[%mul3A_179] : memref<334080xi32, #tpu.memory_space<hbm>> -> memref<2048xi32, #tpu.memory_space<hbm>>
      %dma_start3A_228 = arith.constant 0 : i32
      %dma_start3A_229 = tpu.memref_slice %arg6[%dma_start3A_228] : memref<4352xi32, #tpu.memory_space<vmem>> -> memref<2048xi32, #tpu.memory_space<vmem>>
      tpu.enqueue_dma source(%dma_start3A_229 : memref<2048xi32, #tpu.memory_space<vmem>>) target(%dma_start3A_227 : memref<2048xi32, #tpu.memory_space<hbm>>) target_semaphore(%run_scoped3A : memref<!tpu.dma_semaphore, #tpu.memory_space<semaphore_mem>>)
      %dma_wait3A = arith.constant 0 : i32
      %dma_wait3A_230 = tpu.memref_slice %arg6[%dma_wait3A] : memref<4352xi32, #tpu.memory_space<vmem>> -> memref<2048xi32, #tpu.memory_space<vmem>>
      %dma_wait3A_231 = arith.constant 0 : i32
      %dma_wait3A_232 = tpu.memref_slice %arg3[%add3A, %dma_wait3A_231] : memref<32x334080xi32, #tpu.memory_space<hbm>> -> memref<1x334080xi32, #tpu.memory_space<hbm>>
      %dma_wait3A_233 = tpu.memref_squeeze %dma_wait3A_232 : memref<1x334080xi32, #tpu.memory_space<hbm>> -> memref<334080xi32, #tpu.memory_space<hbm>>
      %dma_wait3A_234 = tpu.memref_slice %dma_wait3A_233[%mul3A_179] : memref<334080xi32, #tpu.memory_space<hbm>> -> memref<2048xi32, #tpu.memory_space<hbm>>
      %dma_wait3A_235 = arith.constant 0 : i32
      %dma_wait3A_236 = tpu.memref_slice %arg3[%add3A, %dma_wait3A_235] : memref<32x334080xi32, #tpu.memory_space<hbm>> -> memref<1x334080xi32, #tpu.memory_space<hbm>>
      %dma_wait3A_237 = tpu.memref_squeeze %dma_wait3A_236 : memref<1x334080xi32, #tpu.memory_space<hbm>> -> memref<334080xi32, #tpu.memory_space<hbm>>
      %dma_wait3A_238 = tpu.memref_slice %dma_wait3A_237[%mul3A_179] : memref<334080xi32, #tpu.memory_space<hbm>> -> memref<2048xi32, #tpu.memory_space<hbm>>
      %dma_wait3A_239 = arith.constant 0 : i32
      %dma_wait3A_240 = tpu.memref_slice %arg6[%dma_wait3A_239] : memref<4352xi32, #tpu.memory_space<vmem>> -> memref<2048xi32, #tpu.memory_space<vmem>>
      tpu.wait_dma2 semaphore(%run_scoped3A : memref<!tpu.dma_semaphore, #tpu.memory_space<semaphore_mem>>) src(%dma_wait3A_240 : memref<2048xi32, #tpu.memory_space<vmem>>) dst(%dma_wait3A_238 : memref<2048xi32, #tpu.memory_space<hbm>>)
      tpu.yield
    }) : () -> ()
    %sub3A_180 = arith.constant 2048 : i32
    %sub3A_181 = arith.subi %and3A_174, %sub3A_180 : i32
    %add3A_182 = arith.constant 15 : i32
    %add3A_183 = arith.addi %sub3A_181, %add3A_182 : i32
    %max3A = arith.constant 0 : i32
    %max3A_184 = arith.maxsi %add3A_183, %max3A : i32
    %jit3A = arith.constant 16 : i32
    %div3A = arith.divsi %max3A_184, %jit3A : i32
    %sign3A = arith.constant 0 : i32
    %sign3A_185 = arith.cmpi sgt, %max3A_184, %sign3A : i32
    %sign3A_186 = arith.extui %sign3A_185 : i1 to i32
    %sign3A_187 = arith.constant 0 : i32
    %sign3A_188 = arith.cmpi slt, %max3A_184, %sign3A_187 : i32
    %sign3A_189 = arith.extui %sign3A_188 : i1 to i32
    %sign3A_190 = arith.subi %sign3A_186, %sign3A_189 : i32
    %sign3A_191 = arith.constant 0 : i32
    %sign3A_192 = arith.cmpi sgt, %jit3A, %sign3A_191 : i32
    %sign3A_193 = arith.extui %sign3A_192 : i1 to i32
    %sign3A_194 = arith.constant 0 : i32
    %sign3A_195 = arith.cmpi slt, %jit3A, %sign3A_194 : i32
    %sign3A_196 = arith.extui %sign3A_195 : i1 to i32
    %sign3A_197 = arith.subi %sign3A_193, %sign3A_196 : i32
    %ne3A = arith.cmpi ne, %sign3A_190, %sign3A_197 : i32
    %rem3A = arith.remsi %max3A_184, %jit3A : i32
    %ne3A_198 = arith.constant 0 : i32
    %ne3A_199 = arith.cmpi ne, %rem3A, %ne3A_198 : i32
    %and3A_200 = arith.andi %ne3A, %ne3A_199 : i1
    %sub3A_201 = arith.constant 1 : i32
    %sub3A_202 = arith.subi %div3A, %sub3A_201 : i32
    %select_n3A = arith.select %and3A_200, %sub3A_202, %div3A : i32
    %while3A = arith.constant 0 : i32
    %while3A_203 = arith.constant 0 : i32
    %while3A_204 = arith.subi %select_n3A, %while3A : i32
    %while3A_205 = arith.addi %while3A, %while3A_204 : i32
    %while3A_206 = arith.constant 1 : i32
    %while3A_207 = arith.divsi %while3A_204, %while3A_206 : i32
    %while3A_208 = arith.muli %while3A_207, %while3A_206 : i32
    %while3A_209 = arith.addi %while3A, %while3A_208 : i32
    %while3A_210 = arith.constant 1 : i32
    %while3A_211 = scf.for %while3A_219 = %while3A to %while3A_209 step %while3A_210 iter_args(%while3A_220 = %while3A_203) -> (i32)  : i32 {
      %mul3A_221 = arith.constant 16 : i32
      %mul3A_222 = arith.muli %while3A_219, %mul3A_221 : i32
      %add3A_223 = arith.constant 2048 : i32
      %add3A_224 = arith.addi %add3A_223, %mul3A_222 : i32
      %get3A = arith.index_cast %add3A_224 : i32 to index
      %get3A_225 = tpu.vector_load %arg6[%get3A] {strides = array<i32>} : memref<4352xi32, #tpu.memory_space<vmem>>, vector<16xi32>,
      %mul3A_226 = arith.constant 16 : i32
      %mul3A_227 = arith.muli %while3A_219, %mul3A_226 : i32
      %swap3A_228 = arith.index_cast %mul3A_227 : i32 to index
      %swap3A_229 = tpu.vector_load %arg6[%swap3A_228] {strides = array<i32>} : memref<4352xi32, #tpu.memory_space<vmem>>, vector<16xi32>,
      tpu.vector_store %arg6[%swap3A_228], %get3A_225 {strides = array<i32>} : memref<4352xi32, #tpu.memory_space<vmem>>, vector<16xi32>,
      %while3A_230 = arith.constant 0 : i32
      scf.yield %while3A_230 : i32
    }
    %while3A_212 = arith.constant 1 : i32
    %while3A_213 = scf.for %while3A_219 = %while3A_209 to %while3A_205 step %while3A_212 iter_args(%while3A_220 = %while3A_211) -> (i32)  : i32 {
      %mul3A_221 = arith.constant 16 : i32
      %mul3A_222 = arith.muli %while3A_219, %mul3A_221 : i32
      %add3A_223 = arith.constant 2048 : i32
      %add3A_224 = arith.addi %add3A_223, %mul3A_222 : i32
      %get3A = arith.index_cast %add3A_224 : i32 to index
      %get3A_225 = tpu.vector_load %arg6[%get3A] {strides = array<i32>} : memref<4352xi32, #tpu.memory_space<vmem>>, vector<16xi32>,
      %mul3A_226 = arith.constant 16 : i32
      %mul3A_227 = arith.muli %while3A_219, %mul3A_226 : i32
      %swap3A_228 = arith.index_cast %mul3A_227 : i32 to index
      %swap3A_229 = tpu.vector_load %arg6[%swap3A_228] {strides = array<i32>} : memref<4352xi32, #tpu.memory_space<vmem>>, vector<16xi32>,
      tpu.vector_store %arg6[%swap3A_228], %get3A_225 {strides = array<i32>} : memref<4352xi32, #tpu.memory_space<vmem>>, vector<16xi32>,
      %while3A_230 = arith.constant 0 : i32
      scf.yield %while3A_230 : i32
    }
    %broadcast_in_dim3A = arith.constant 0 : i32
    %broadcast_in_dim3A_214 = vector.broadcast %broadcast_in_dim3A : i32 to vector<16xi32>
    %add3A_215 = vector.broadcast %add3A_177 : i32 to vector<16xi32>
    %add3A_216 = arith.addi %broadcast_in_dim3A_214, %add3A_215 : vector<16xi32>
    %swap3A_217 = arith.constant 0 : index
    %swap3A_218 = tpu.vector_load %arg7[%swap3A_217] {strides = array<i32>} : memref<16xi32, #tpu.memory_space<vmem>>, vector<16xi32>,
    tpu.vector_store %arg7[%swap3A_217], %add3A_216 {strides = array<i32>} : memref<16xi32, #tpu.memory_space<vmem>>, vector<16xi32>,
    "tpu.region"() ({
      %run_scoped3A = tpu.sem_alloc : memref<!tpu.dma_semaphore, #tpu.memory_space<semaphore_mem>>
      %dma_start3A = arith.constant 0 : i32
      %dma_start3A_219 = tpu.memref_slice %arg4[%add3A, %dma_start3A] : memref<32x128xi32, #tpu.memory_space<hbm>> -> memref<1x128xi32, #tpu.memory_space<hbm>>
      %dma_start3A_220 = tpu.memref_squeeze %dma_start3A_219 : memref<1x128xi32, #tpu.memory_space<hbm>> -> memref<128xi32, #tpu.memory_space<hbm>>
      %dma_start3A_221 = arith.constant 0 : i32
      %dma_start3A_222 = tpu.memref_slice %dma_start3A_220[%dma_start3A_221] : memref<128xi32, #tpu.memory_space<hbm>> -> memref<16xi32, #tpu.memory_space<hbm>>
      %dma_start3A_223 = arith.constant 0 : i32
      %dma_start3A_224 = tpu.memref_slice %arg4[%add3A, %dma_start3A_223] : memref<32x128xi32, #tpu.memory_space<hbm>> -> memref<1x128xi32, #tpu.memory_space<hbm>>
      %dma_start3A_225 = tpu.memref_squeeze %dma_start3A_224 : memref<1x128xi32, #tpu.memory_space<hbm>> -> memref<128xi32, #tpu.memory_space<hbm>>
      %dma_start3A_226 = arith.constant 0 : i32
      %dma_start3A_227 = tpu.memref_slice %dma_start3A_225[%dma_start3A_226] : memref<128xi32, #tpu.memory_space<hbm>> -> memref<16xi32, #tpu.memory_space<hbm>>
      tpu.enqueue_dma source(%arg7 : memref<16xi32, #tpu.memory_space<vmem>>) target(%dma_start3A_227 : memref<16xi32, #tpu.memory_space<hbm>>) target_semaphore(%run_scoped3A : memref<!tpu.dma_semaphore, #tpu.memory_space<semaphore_mem>>)
      %dma_wait3A = arith.constant 0 : i32
      %dma_wait3A_228 = tpu.memref_slice %arg4[%add3A, %dma_wait3A] : memref<32x128xi32, #tpu.memory_space<hbm>> -> memref<1x128xi32, #tpu.memory_space<hbm>>
      %dma_wait3A_229 = tpu.memref_squeeze %dma_wait3A_228 : memref<1x128xi32, #tpu.memory_space<hbm>> -> memref<128xi32, #tpu.memory_space<hbm>>
      %dma_wait3A_230 = arith.constant 0 : i32
      %dma_wait3A_231 = tpu.memref_slice %dma_wait3A_229[%dma_wait3A_230] : memref<128xi32, #tpu.memory_space<hbm>> -> memref<16xi32, #tpu.memory_space<hbm>>
      %dma_wait3A_232 = arith.constant 0 : i32
      %dma_wait3A_233 = tpu.memref_slice %arg4[%add3A, %dma_wait3A_232] : memref<32x128xi32, #tpu.memory_space<hbm>> -> memref<1x128xi32, #tpu.memory_space<hbm>>
      %dma_wait3A_234 = tpu.memref_squeeze %dma_wait3A_233 : memref<1x128xi32, #tpu.memory_space<hbm>> -> memref<128xi32, #tpu.memory_space<hbm>>
      %dma_wait3A_235 = arith.constant 0 : i32
      %dma_wait3A_236 = tpu.memref_slice %dma_wait3A_234[%dma_wait3A_235] : memref<128xi32, #tpu.memory_space<hbm>> -> memref<16xi32, #tpu.memory_space<hbm>>
      tpu.wait_dma2 semaphore(%run_scoped3A : memref<!tpu.dma_semaphore, #tpu.memory_space<semaphore_mem>>) src(%arg7 : memref<16xi32, #tpu.memory_space<vmem>>) dst(%dma_wait3A_236 : memref<16xi32, #tpu.memory_space<hbm>>)
      tpu.yield
    }) : () -> ()
    return
  }
}

#map = affine_map<(d0, d1) -> (0, 0)>
module attributes {stable_mosaic.version = 14 : i64} {
  func.func @gather_kernel(%arg0: i32, %arg1: i32, %arg2: memref<10000x128xf32, #tpu.memory_space<hbm>>, %arg3: memref<10000x128xf32, #tpu.memory_space<hbm>>, %arg4: memref<1x331776xi32, #tpu.memory_space<hbm>>, %arg5: memref<1x331776xi32, #tpu.memory_space<hbm>>, %arg6: memref<331776x128xf32, #tpu.memory_space<hbm>>, %arg7: memref<331776x128xf32, #tpu.memory_space<hbm>>) attributes {dimension_semantics = [#tpu.dimension_semantics<core_parallel>, #tpu.dimension_semantics<subcore_parallel>], iteration_bounds = array<i64: 2, 16>, scalar_prefetch = 0 : i64, scratch_operands = 0 : i64, tpu.core_type = #tpu.core_type<sc_vector_subcore>, window_params = [{transform_indices = #map}, {transform_indices = #map}, {transform_indices = #map}, {transform_indices = #map}, {transform_indices = #map}, {transform_indices = #map}]} {
    %mul3A = arith.constant 1 : i32
    %mul3A_0 = arith.muli %arg1, %mul3A : i32
    %add3A = arith.constant 0 : i32
    %add3A_1 = arith.addi %add3A, %mul3A_0 : i32
    %mul3A_2 = arith.constant 16 : i32
    %mul3A_3 = arith.muli %arg0, %mul3A_2 : i32
    %add3A_4 = arith.addi %add3A_1, %mul3A_3 : i32
    %mul3A_5 = arith.constant 81 : i32
    %mul3A_6 = arith.muli %add3A_4, %mul3A_5 : i32
    "tpu.region"() ({
      %run_scoped3A = memref.alloca() : memref<2x1x128xi32, #tpu.memory_space<vmem>>
      %run_scoped3A_7 = tpu.sem_alloc : memref<2x!tpu.dma_semaphore, #tpu.memory_space<semaphore_mem>>
      %run_scoped3A_8 = memref.alloca() : memref<2x1x128xi32, #tpu.memory_space<vmem>>
      %run_scoped3A_9 = tpu.sem_alloc : memref<2x!tpu.dma_semaphore, #tpu.memory_space<semaphore_mem>>
      %run_scoped3A_10 = memref.alloca() : memref<2x128x128xf32, #tpu.memory_space<vmem>>
      %run_scoped3A_11 = tpu.sem_alloc : memref<2x!tpu.dma_semaphore, #tpu.memory_space<semaphore_mem>>
      %run_scoped3A_12 = memref.alloca() : memref<2x128x128xf32, #tpu.memory_space<vmem>>
      %run_scoped3A_13 = tpu.sem_alloc : memref<2x!tpu.dma_semaphore, #tpu.memory_space<semaphore_mem>>
      %add3A_14 = arith.constant 0 : i32
      %add3A_15 = arith.addi %add3A_14, %mul3A_6 : i32
      %select_n3A = arith.constant true
      %select_n3A_16 = arith.constant 0 : i32
      %select_n3A_17 = arith.constant -1 : i32
      %select_n3A_18 = arith.select %select_n3A, %select_n3A_17, %select_n3A_16 : i32
      %eq3A = arith.constant -1 : i32
      %eq3A_19 = arith.cmpi eq, %select_n3A_18, %eq3A : i32
      %select_n3A_20 = arith.constant 80 : i32
      %select_n3A_21 = arith.select %eq3A_19, %select_n3A_20, %select_n3A_18 : i32
      %add3A_22 = arith.addi %select_n3A_21, %mul3A_6 : i32
      %select_n3A_23 = arith.constant true
      %select_n3A_24 = arith.constant 0 : i32
      %select_n3A_25 = arith.constant 1 : i32
      %select_n3A_26 = arith.select %select_n3A_23, %select_n3A_25, %select_n3A_24 : i32
      %eq3A_27 = arith.constant 81 : i32
      %eq3A_28 = arith.cmpi eq, %select_n3A_26, %eq3A_27 : i32
      %select_n3A_29 = arith.constant 0 : i32
      %select_n3A_30 = arith.select %eq3A_28, %select_n3A_29, %select_n3A_26 : i32
      %add3A_31 = arith.addi %select_n3A_30, %mul3A_6 : i32
      %add3A_32 = arith.constant 1 : i32
      %add3A_33 = arith.addi %select_n3A_30, %add3A_32 : i32
      %select_n3A_34 = arith.constant true
      %select_n3A_35 = arith.select %select_n3A_34, %add3A_33, %select_n3A_30 : i32
      %eq3A_36 = arith.constant 81 : i32
      %eq3A_37 = arith.cmpi eq, %select_n3A_35, %eq3A_36 : i32
      %select_n3A_38 = arith.constant 0 : i32
      %select_n3A_39 = arith.select %eq3A_37, %select_n3A_38, %select_n3A_35 : i32
      %add3A_40 = arith.addi %select_n3A_39, %mul3A_6 : i32
      "tpu.trace_start"() <{level = 10 : i32, message = "ep_initialize_0"}> : () -> ()
      %rem3A = arith.constant 0 : i32
      %rem3A_41 = arith.constant 2 : i32
      %rem3A_42 = arith.remui %rem3A, %rem3A_41 : i32
      %mul3A_43 = arith.constant 128 : i32
      %mul3A_44 = arith.muli %mul3A_43, %add3A_15 : i32
      %dma_start3A = arith.constant 0 : i32
      %dma_start3A_45 = arith.constant 0 : i32
      %dma_start3A_46 = tpu.memref_slice %run_scoped3A[%rem3A_42, %dma_start3A, %dma_start3A_45] : memref<2x1x128xi32, #tpu.memory_space<vmem>> -> memref<1x1x128xi32, #tpu.memory_space<vmem>>
      %dma_start3A_47 = tpu.memref_squeeze %dma_start3A_46 : memref<1x1x128xi32, #tpu.memory_space<vmem>> -> memref<1x128xi32, #tpu.memory_space<vmem>>
      %dma_start3A_48 = arith.constant 0 : i32
      %dma_start3A_49 = tpu.memref_slice %arg4[%dma_start3A_48, %mul3A_44] : memref<1x331776xi32, #tpu.memory_space<hbm>> -> memref<1x128xi32, #tpu.memory_space<hbm>>
      %dma_start3A_50 = tpu.memref_slice %run_scoped3A_7[%rem3A_42] : memref<2x!tpu.dma_semaphore, #tpu.memory_space<semaphore_mem>> -> memref<1x!tpu.dma_semaphore, #tpu.memory_space<semaphore_mem>>
      %dma_start3A_51 = tpu.memref_squeeze %dma_start3A_50 : memref<1x!tpu.dma_semaphore, #tpu.memory_space<semaphore_mem>> -> memref<!tpu.dma_semaphore, #tpu.memory_space<semaphore_mem>>
      %dma_start3A_52 = arith.constant 0 : i32
      %dma_start3A_53 = arith.constant 0 : i32
      %dma_start3A_54 = tpu.memref_slice %run_scoped3A[%rem3A_42, %dma_start3A_52, %dma_start3A_53] : memref<2x1x128xi32, #tpu.memory_space<vmem>> -> memref<1x1x128xi32, #tpu.memory_space<vmem>>
      %dma_start3A_55 = tpu.memref_squeeze %dma_start3A_54 : memref<1x1x128xi32, #tpu.memory_space<vmem>> -> memref<1x128xi32, #tpu.memory_space<vmem>>
      %dma_start3A_56 = arith.constant 0 : i32
      %dma_start3A_57 = tpu.memref_slice %arg4[%dma_start3A_56, %mul3A_44] : memref<1x331776xi32, #tpu.memory_space<hbm>> -> memref<1x128xi32, #tpu.memory_space<hbm>>
      tpu.enqueue_dma source(%dma_start3A_57 : memref<1x128xi32, #tpu.memory_space<hbm>>) target(%dma_start3A_55 : memref<1x128xi32, #tpu.memory_space<vmem>>) target_semaphore(%dma_start3A_51 : memref<!tpu.dma_semaphore, #tpu.memory_space<semaphore_mem>>)
      %add3A_58 = arith.constant 0 : i32
      %add3A_59 = arith.constant 1 : i32
      %add3A_60 = arith.addi %add3A_58, %add3A_59 : i32
      %select_n3A_61 = arith.constant true
      %select_n3A_62 = arith.constant 0 : i32
      %select_n3A_63 = arith.select %select_n3A_61, %add3A_60, %select_n3A_62 : i32
      %rem3A_64 = arith.constant 0 : i32
      %rem3A_65 = arith.constant 2 : i32
      %rem3A_66 = arith.remui %rem3A_64, %rem3A_65 : i32
      %mul3A_67 = arith.constant 128 : i32
      %mul3A_68 = arith.muli %mul3A_67, %add3A_15 : i32
      %dma_start3A_69 = arith.constant 0 : i32
      %dma_start3A_70 = arith.constant 0 : i32
      %dma_start3A_71 = tpu.memref_slice %run_scoped3A_8[%rem3A_66, %dma_start3A_69, %dma_start3A_70] : memref<2x1x128xi32, #tpu.memory_space<vmem>> -> memref<1x1x128xi32, #tpu.memory_space<vmem>>
      %dma_start3A_72 = tpu.memref_squeeze %dma_start3A_71 : memref<1x1x128xi32, #tpu.memory_space<vmem>> -> memref<1x128xi32, #tpu.memory_space<vmem>>
      %dma_start3A_73 = arith.constant 0 : i32
      %dma_start3A_74 = tpu.memref_slice %arg5[%dma_start3A_73, %mul3A_68] : memref<1x331776xi32, #tpu.memory_space<hbm>> -> memref<1x128xi32, #tpu.memory_space<hbm>>
      %dma_start3A_75 = tpu.memref_slice %run_scoped3A_9[%rem3A_66] : memref<2x!tpu.dma_semaphore, #tpu.memory_space<semaphore_mem>> -> memref<1x!tpu.dma_semaphore, #tpu.memory_space<semaphore_mem>>
      %dma_start3A_76 = tpu.memref_squeeze %dma_start3A_75 : memref<1x!tpu.dma_semaphore, #tpu.memory_space<semaphore_mem>> -> memref<!tpu.dma_semaphore, #tpu.memory_space<semaphore_mem>>
      %dma_start3A_77 = arith.constant 0 : i32
      %dma_start3A_78 = arith.constant 0 : i32
      %dma_start3A_79 = tpu.memref_slice %run_scoped3A_8[%rem3A_66, %dma_start3A_77, %dma_start3A_78] : memref<2x1x128xi32, #tpu.memory_space<vmem>> -> memref<1x1x128xi32, #tpu.memory_space<vmem>>
      %dma_start3A_80 = tpu.memref_squeeze %dma_start3A_79 : memref<1x1x128xi32, #tpu.memory_space<vmem>> -> memref<1x128xi32, #tpu.memory_space<vmem>>
      %dma_start3A_81 = arith.constant 0 : i32
      %dma_start3A_82 = tpu.memref_slice %arg5[%dma_start3A_81, %mul3A_68] : memref<1x331776xi32, #tpu.memory_space<hbm>> -> memref<1x128xi32, #tpu.memory_space<hbm>>
      tpu.enqueue_dma source(%dma_start3A_82 : memref<1x128xi32, #tpu.memory_space<hbm>>) target(%dma_start3A_80 : memref<1x128xi32, #tpu.memory_space<vmem>>) target_semaphore(%dma_start3A_76 : memref<!tpu.dma_semaphore, #tpu.memory_space<semaphore_mem>>)
      %add3A_83 = arith.constant 0 : i32
      %add3A_84 = arith.constant 1 : i32
      %add3A_85 = arith.addi %add3A_83, %add3A_84 : i32
      %select_n3A_86 = arith.constant true
      %select_n3A_87 = arith.constant 0 : i32
      %select_n3A_88 = arith.select %select_n3A_86, %add3A_85, %select_n3A_87 : i32
      "tpu.trace_stop"() : () -> ()
      %scan3A = arith.constant 0 : i32
      %scan3A_89 = arith.constant 0 : i32
      %scan3A_90 = arith.constant 0 : i32
      %scan3A_91 = arith.constant 0 : i32
      %scan3A_92 = arith.constant 0 : i32
      %scan3A_93 = arith.constant 0 : i32
      %scan3A_94 = arith.constant 0 : i32
      %scan3A_95 = arith.constant 0 : i32
      %scan3A_96 = arith.constant 81 : i32
      %scan3A_97 = arith.addi %scan3A_95, %scan3A_96 : i32
      %scan3A_98 = arith.constant 1 : i32
      %scan3A_99:9 = scf.for %scan3A_171 = %scan3A_95 to %scan3A_97 step %scan3A_98 iter_args(%scan3A_172 = %select_n3A_63, %scan3A_173 = %scan3A, %scan3A_174 = %select_n3A_88, %scan3A_175 = %scan3A_89, %scan3A_176 = %scan3A_90, %scan3A_177 = %scan3A_91, %scan3A_178 = %scan3A_92, %scan3A_179 = %scan3A_93, %scan3A_180 = %scan3A_94) -> (i32, i32, i32, i32, i32, i32, i32, i32, i32)  : i32 {
        %eq3A_181 = arith.constant 0 : i32
        %eq3A_182 = arith.cmpi eq, %scan3A_171, %eq3A_181 : i32
        %eq3A_183 = arith.constant 80 : i32
        %eq3A_184 = arith.cmpi eq, %scan3A_171, %eq3A_183 : i32
        %add3A_185 = arith.addi %scan3A_180, %mul3A_6 : i32
        %sub3A_186 = arith.constant 1 : i32
        %sub3A_187 = arith.subi %scan3A_180, %sub3A_186 : i32
        %select_n3A_188 = arith.constant true
        %select_n3A_189 = arith.select %select_n3A_188, %sub3A_187, %scan3A_180 : i32
        %eq3A_190 = arith.constant -1 : i32
        %eq3A_191 = arith.cmpi eq, %select_n3A_189, %eq3A_190 : i32
        %select_n3A_192 = arith.constant 80 : i32
        %select_n3A_193 = arith.select %eq3A_191, %select_n3A_192, %select_n3A_189 : i32
        %add3A_194 = arith.addi %select_n3A_193, %mul3A_6 : i32
        %add3A_195 = arith.constant 1 : i32
        %add3A_196 = arith.addi %scan3A_180, %add3A_195 : i32
        %select_n3A_197 = arith.constant true
        %select_n3A_198 = arith.select %select_n3A_197, %add3A_196, %scan3A_180 : i32
        %eq3A_199 = arith.constant 81 : i32
        %eq3A_200 = arith.cmpi eq, %select_n3A_198, %eq3A_199 : i32
        %select_n3A_201 = arith.constant 0 : i32
        %select_n3A_202 = arith.select %eq3A_200, %select_n3A_201, %select_n3A_198 : i32
        %add3A_203 = arith.addi %select_n3A_202, %mul3A_6 : i32
        %add3A_204 = arith.constant 1 : i32
        %add3A_205 = arith.addi %select_n3A_202, %add3A_204 : i32
        %select_n3A_206 = arith.constant true
        %select_n3A_207 = arith.select %select_n3A_206, %add3A_205, %select_n3A_202 : i32
        %eq3A_208 = arith.constant 81 : i32
        %eq3A_209 = arith.cmpi eq, %select_n3A_207, %eq3A_208 : i32
        %select_n3A_210 = arith.constant 0 : i32
        %select_n3A_211 = arith.select %eq3A_209, %select_n3A_210, %select_n3A_207 : i32
        %add3A_212 = arith.addi %select_n3A_211, %mul3A_6 : i32
        %ne3A = arith.cmpi ne, %add3A_185, %add3A_203 : i32
        %or3A = arith.constant false
        %or3A_213 = arith.ori %or3A, %ne3A : i1
        %ge3A = arith.constant 80 : i32
        %ge3A_214 = arith.cmpi sge, %scan3A_171, %ge3A : i32
        %not3A = arith.constant true
        %not3A_215 = arith.xori %ge3A_214, %not3A : i1
        %and3A = arith.andi %or3A_213, %not3A_215 : i1
        %convert_element_type3A = arith.extui %and3A : i1 to i32
        %cond3A = arith.constant 0 : i32
        %cond3A_216 = arith.cmpi ne, %convert_element_type3A, %cond3A : i32
        scf.if %cond3A_216 {
          "tpu.trace_start"() <{level = 10 : i32, message = "ep_copy_in"}> : () -> ()
          %rem3A_420 = arith.constant 2 : i32
          %rem3A_421 = arith.remui %scan3A_172, %rem3A_420 : i32
          %mul3A_422 = arith.constant 128 : i32
          %mul3A_423 = arith.muli %mul3A_422, %add3A_203 : i32
          %dma_start3A_424 = arith.constant 0 : i32
          %dma_start3A_425 = arith.constant 0 : i32
          %dma_start3A_426 = tpu.memref_slice %run_scoped3A[%rem3A_421, %dma_start3A_424, %dma_start3A_425] : memref<2x1x128xi32, #tpu.memory_space<vmem>> -> memref<1x1x128xi32, #tpu.memory_space<vmem>>
          %dma_start3A_427 = tpu.memref_squeeze %dma_start3A_426 : memref<1x1x128xi32, #tpu.memory_space<vmem>> -> memref<1x128xi32, #tpu.memory_space<vmem>>
          %dma_start3A_428 = arith.constant 0 : i32
          %dma_start3A_429 = tpu.memref_slice %arg4[%dma_start3A_428, %mul3A_423] : memref<1x331776xi32, #tpu.memory_space<hbm>> -> memref<1x128xi32, #tpu.memory_space<hbm>>
          %dma_start3A_430 = tpu.memref_slice %run_scoped3A_7[%rem3A_421] : memref<2x!tpu.dma_semaphore, #tpu.memory_space<semaphore_mem>> -> memref<1x!tpu.dma_semaphore, #tpu.memory_space<semaphore_mem>>
          %dma_start3A_431 = tpu.memref_squeeze %dma_start3A_430 : memref<1x!tpu.dma_semaphore, #tpu.memory_space<semaphore_mem>> -> memref<!tpu.dma_semaphore, #tpu.memory_space<semaphore_mem>>
          %dma_start3A_432 = arith.constant 0 : i32
          %dma_start3A_433 = arith.constant 0 : i32
          %dma_start3A_434 = tpu.memref_slice %run_scoped3A[%rem3A_421, %dma_start3A_432, %dma_start3A_433] : memref<2x1x128xi32, #tpu.memory_space<vmem>> -> memref<1x1x128xi32, #tpu.memory_space<vmem>>
          %dma_start3A_435 = tpu.memref_squeeze %dma_start3A_434 : memref<1x1x128xi32, #tpu.memory_space<vmem>> -> memref<1x128xi32, #tpu.memory_space<vmem>>
          %dma_start3A_436 = arith.constant 0 : i32
          %dma_start3A_437 = tpu.memref_slice %arg4[%dma_start3A_436, %mul3A_423] : memref<1x331776xi32, #tpu.memory_space<hbm>> -> memref<1x128xi32, #tpu.memory_space<hbm>>
          tpu.enqueue_dma source(%dma_start3A_437 : memref<1x128xi32, #tpu.memory_space<hbm>>) target(%dma_start3A_435 : memref<1x128xi32, #tpu.memory_space<vmem>>) target_semaphore(%dma_start3A_431 : memref<!tpu.dma_semaphore, #tpu.memory_space<semaphore_mem>>)
          "tpu.trace_stop"() : () -> ()
        } else {
        }
        %and3A_217 = arith.constant true
        %and3A_218 = arith.andi %and3A, %and3A_217 : i1
        %add3A_219 = arith.constant 1 : i32
        %add3A_220 = arith.addi %scan3A_172, %add3A_219 : i32
        %select_n3A_221 = arith.select %and3A_218, %add3A_220, %scan3A_172 : i32
        %ne3A_222 = arith.cmpi ne, %add3A_185, %add3A_203 : i32
        %or3A_223 = arith.constant false
        %or3A_224 = arith.ori %or3A_223, %ne3A_222 : i1
        %ge3A_225 = arith.constant 80 : i32
        %ge3A_226 = arith.cmpi sge, %scan3A_171, %ge3A_225 : i32
        %not3A_227 = arith.constant true
        %not3A_228 = arith.xori %ge3A_226, %not3A_227 : i1
        %and3A_229 = arith.andi %or3A_224, %not3A_228 : i1
        %convert_element_type3A_230 = arith.extui %and3A_229 : i1 to i32
        %cond3A_231 = arith.constant 0 : i32
        %cond3A_232 = arith.cmpi ne, %convert_element_type3A_230, %cond3A_231 : i32
        scf.if %cond3A_232 {
          "tpu.trace_start"() <{level = 10 : i32, message = "ep_copy_in"}> : () -> ()
          %rem3A_420 = arith.constant 2 : i32
          %rem3A_421 = arith.remui %scan3A_174, %rem3A_420 : i32
          %mul3A_422 = arith.constant 128 : i32
          %mul3A_423 = arith.muli %mul3A_422, %add3A_203 : i32
          %dma_start3A_424 = arith.constant 0 : i32
          %dma_start3A_425 = arith.constant 0 : i32
          %dma_start3A_426 = tpu.memref_slice %run_scoped3A_8[%rem3A_421, %dma_start3A_424, %dma_start3A_425] : memref<2x1x128xi32, #tpu.memory_space<vmem>> -> memref<1x1x128xi32, #tpu.memory_space<vmem>>
          %dma_start3A_427 = tpu.memref_squeeze %dma_start3A_426 : memref<1x1x128xi32, #tpu.memory_space<vmem>> -> memref<1x128xi32, #tpu.memory_space<vmem>>
          %dma_start3A_428 = arith.constant 0 : i32
          %dma_start3A_429 = tpu.memref_slice %arg5[%dma_start3A_428, %mul3A_423] : memref<1x331776xi32, #tpu.memory_space<hbm>> -> memref<1x128xi32, #tpu.memory_space<hbm>>
          %dma_start3A_430 = tpu.memref_slice %run_scoped3A_9[%rem3A_421] : memref<2x!tpu.dma_semaphore, #tpu.memory_space<semaphore_mem>> -> memref<1x!tpu.dma_semaphore, #tpu.memory_space<semaphore_mem>>
          %dma_start3A_431 = tpu.memref_squeeze %dma_start3A_430 : memref<1x!tpu.dma_semaphore, #tpu.memory_space<semaphore_mem>> -> memref<!tpu.dma_semaphore, #tpu.memory_space<semaphore_mem>>
          %dma_start3A_432 = arith.constant 0 : i32
          %dma_start3A_433 = arith.constant 0 : i32
          %dma_start3A_434 = tpu.memref_slice %run_scoped3A_8[%rem3A_421, %dma_start3A_432, %dma_start3A_433] : memref<2x1x128xi32, #tpu.memory_space<vmem>> -> memref<1x1x128xi32, #tpu.memory_space<vmem>>
          %dma_start3A_435 = tpu.memref_squeeze %dma_start3A_434 : memref<1x1x128xi32, #tpu.memory_space<vmem>> -> memref<1x128xi32, #tpu.memory_space<vmem>>
          %dma_start3A_436 = arith.constant 0 : i32
          %dma_start3A_437 = tpu.memref_slice %arg5[%dma_start3A_436, %mul3A_423] : memref<1x331776xi32, #tpu.memory_space<hbm>> -> memref<1x128xi32, #tpu.memory_space<hbm>>
          tpu.enqueue_dma source(%dma_start3A_437 : memref<1x128xi32, #tpu.memory_space<hbm>>) target(%dma_start3A_435 : memref<1x128xi32, #tpu.memory_space<vmem>>) target_semaphore(%dma_start3A_431 : memref<!tpu.dma_semaphore, #tpu.memory_space<semaphore_mem>>)
          "tpu.trace_stop"() : () -> ()
        } else {
        }
        %and3A_233 = arith.constant true
        %and3A_234 = arith.andi %and3A_229, %and3A_233 : i1
        %add3A_235 = arith.constant 1 : i32
        %add3A_236 = arith.addi %scan3A_174, %add3A_235 : i32
        %select_n3A_237 = arith.select %and3A_234, %add3A_236, %scan3A_174 : i32
        %ne3A_238 = arith.cmpi ne, %add3A_185, %add3A_203 : i32
        %or3A_239 = arith.constant false
        %or3A_240 = arith.ori %or3A_239, %ne3A_238 : i1
        %or3A_241 = arith.constant false
        %or3A_242 = arith.ori %or3A_240, %or3A_241 : i1
        %ge3A_243 = arith.constant 80 : i32
        %ge3A_244 = arith.cmpi sge, %scan3A_171, %ge3A_243 : i32
        %not3A_245 = arith.constant true
        %not3A_246 = arith.xori %ge3A_244, %not3A_245 : i1
        %and3A_247 = arith.andi %or3A_242, %not3A_246 : i1
        %ne3A_248 = arith.cmpi ne, %add3A_185, %add3A_203 : i32
        %or3A_249 = arith.constant false
        %or3A_250 = arith.ori %or3A_249, %ne3A_248 : i1
        %or3A_251 = arith.constant false
        %or3A_252 = arith.ori %or3A_250, %or3A_251 : i1
        %ge3A_253 = arith.constant 80 : i32
        %ge3A_254 = arith.cmpi sge, %scan3A_171, %ge3A_253 : i32
        %not3A_255 = arith.constant true
        %not3A_256 = arith.xori %ge3A_254, %not3A_255 : i1
        %and3A_257 = arith.andi %or3A_252, %not3A_256 : i1
        %ne3A_258 = arith.cmpi ne, %add3A_185, %add3A_194 : i32
        %or3A_259 = arith.constant false
        %or3A_260 = arith.ori %or3A_259, %ne3A_258 : i1
        %or3A_261 = arith.ori %or3A_260, %eq3A_182 : i1
        %convert_element_type3A_262 = arith.extui %or3A_261 : i1 to i32
        %cond3A_263 = arith.constant 0 : i32
        %cond3A_264 = arith.cmpi ne, %convert_element_type3A_262, %cond3A_263 : i32
        scf.if %cond3A_264 {
          "tpu.trace_start"() <{level = 10 : i32, message = "ep_wait_in"}> : () -> ()
          %mul3A_420 = arith.constant 128 : i32
          %mul3A_421 = arith.muli %mul3A_420, %add3A_185 : i32
          %rem3A_422 = arith.constant 2 : i32
          %rem3A_423 = arith.remui %scan3A_173, %rem3A_422 : i32
          %dma_wait3A_424 = arith.constant 0 : i32
          %dma_wait3A_425 = arith.constant 0 : i32
          %dma_wait3A_426 = tpu.memref_slice %run_scoped3A[%rem3A_423, %dma_wait3A_424, %dma_wait3A_425] : memref<2x1x128xi32, #tpu.memory_space<vmem>> -> memref<1x1x128xi32, #tpu.memory_space<vmem>>
          %dma_wait3A_427 = tpu.memref_squeeze %dma_wait3A_426 : memref<1x1x128xi32, #tpu.memory_space<vmem>> -> memref<1x128xi32, #tpu.memory_space<vmem>>
          %dma_wait3A_428 = arith.constant 0 : i32
          %dma_wait3A_429 = tpu.memref_slice %arg4[%dma_wait3A_428, %mul3A_421] : memref<1x331776xi32, #tpu.memory_space<hbm>> -> memref<1x128xi32, #tpu.memory_space<hbm>>
          %dma_wait3A_430 = tpu.memref_slice %run_scoped3A_7[%rem3A_423] : memref<2x!tpu.dma_semaphore, #tpu.memory_space<semaphore_mem>> -> memref<1x!tpu.dma_semaphore, #tpu.memory_space<semaphore_mem>>
          %dma_wait3A_431 = tpu.memref_squeeze %dma_wait3A_430 : memref<1x!tpu.dma_semaphore, #tpu.memory_space<semaphore_mem>> -> memref<!tpu.dma_semaphore, #tpu.memory_space<semaphore_mem>>
          %dma_wait3A_432 = arith.constant 0 : i32
          %dma_wait3A_433 = arith.constant 0 : i32
          %dma_wait3A_434 = tpu.memref_slice %run_scoped3A[%rem3A_423, %dma_wait3A_432, %dma_wait3A_433] : memref<2x1x128xi32, #tpu.memory_space<vmem>> -> memref<1x1x128xi32, #tpu.memory_space<vmem>>
          %dma_wait3A_435 = tpu.memref_squeeze %dma_wait3A_434 : memref<1x1x128xi32, #tpu.memory_space<vmem>> -> memref<1x128xi32, #tpu.memory_space<vmem>>
          %dma_wait3A_436 = arith.constant 0 : i32
          %dma_wait3A_437 = tpu.memref_slice %arg4[%dma_wait3A_436, %mul3A_421] : memref<1x331776xi32, #tpu.memory_space<hbm>> -> memref<1x128xi32, #tpu.memory_space<hbm>>
          tpu.wait_dma2 semaphore(%dma_wait3A_431 : memref<!tpu.dma_semaphore, #tpu.memory_space<semaphore_mem>>) src(%dma_wait3A_437 : memref<1x128xi32, #tpu.memory_space<hbm>>) dst(%dma_wait3A_435 : memref<1x128xi32, #tpu.memory_space<vmem>>)
          "tpu.trace_stop"() : () -> ()
        } else {
        }
        %ne3A_265 = arith.cmpi ne, %add3A_185, %add3A_194 : i32
        %or3A_266 = arith.constant false
        %or3A_267 = arith.ori %or3A_266, %ne3A_265 : i1
        %or3A_268 = arith.ori %or3A_267, %eq3A_182 : i1
        %convert_element_type3A_269 = arith.extui %or3A_268 : i1 to i32
        %cond3A_270 = arith.constant 0 : i32
        %cond3A_271 = arith.cmpi ne, %convert_element_type3A_269, %cond3A_270 : i32
        scf.if %cond3A_271 {
          "tpu.trace_start"() <{level = 10 : i32, message = "ep_wait_in"}> : () -> ()
          %mul3A_420 = arith.constant 128 : i32
          %mul3A_421 = arith.muli %mul3A_420, %add3A_185 : i32
          %rem3A_422 = arith.constant 2 : i32
          %rem3A_423 = arith.remui %scan3A_175, %rem3A_422 : i32
          %dma_wait3A_424 = arith.constant 0 : i32
          %dma_wait3A_425 = arith.constant 0 : i32
          %dma_wait3A_426 = tpu.memref_slice %run_scoped3A_8[%rem3A_423, %dma_wait3A_424, %dma_wait3A_425] : memref<2x1x128xi32, #tpu.memory_space<vmem>> -> memref<1x1x128xi32, #tpu.memory_space<vmem>>
          %dma_wait3A_427 = tpu.memref_squeeze %dma_wait3A_426 : memref<1x1x128xi32, #tpu.memory_space<vmem>> -> memref<1x128xi32, #tpu.memory_space<vmem>>
          %dma_wait3A_428 = arith.constant 0 : i32
          %dma_wait3A_429 = tpu.memref_slice %arg5[%dma_wait3A_428, %mul3A_421] : memref<1x331776xi32, #tpu.memory_space<hbm>> -> memref<1x128xi32, #tpu.memory_space<hbm>>
          %dma_wait3A_430 = tpu.memref_slice %run_scoped3A_9[%rem3A_423] : memref<2x!tpu.dma_semaphore, #tpu.memory_space<semaphore_mem>> -> memref<1x!tpu.dma_semaphore, #tpu.memory_space<semaphore_mem>>
          %dma_wait3A_431 = tpu.memref_squeeze %dma_wait3A_430 : memref<1x!tpu.dma_semaphore, #tpu.memory_space<semaphore_mem>> -> memref<!tpu.dma_semaphore, #tpu.memory_space<semaphore_mem>>
          %dma_wait3A_432 = arith.constant 0 : i32
          %dma_wait3A_433 = arith.constant 0 : i32
          %dma_wait3A_434 = tpu.memref_slice %run_scoped3A_8[%rem3A_423, %dma_wait3A_432, %dma_wait3A_433] : memref<2x1x128xi32, #tpu.memory_space<vmem>> -> memref<1x1x128xi32, #tpu.memory_space<vmem>>
          %dma_wait3A_435 = tpu.memref_squeeze %dma_wait3A_434 : memref<1x1x128xi32, #tpu.memory_space<vmem>> -> memref<1x128xi32, #tpu.memory_space<vmem>>
          %dma_wait3A_436 = arith.constant 0 : i32
          %dma_wait3A_437 = tpu.memref_slice %arg5[%dma_wait3A_436, %mul3A_421] : memref<1x331776xi32, #tpu.memory_space<hbm>> -> memref<1x128xi32, #tpu.memory_space<hbm>>
          tpu.wait_dma2 semaphore(%dma_wait3A_431 : memref<!tpu.dma_semaphore, #tpu.memory_space<semaphore_mem>>) src(%dma_wait3A_437 : memref<1x128xi32, #tpu.memory_space<hbm>>) dst(%dma_wait3A_435 : memref<1x128xi32, #tpu.memory_space<vmem>>)
          "tpu.trace_stop"() : () -> ()
        } else {
        }
        %ne3A_272 = arith.cmpi ne, %add3A_185, %add3A_194 : i32
        %or3A_273 = arith.constant false
        %or3A_274 = arith.ori %or3A_273, %ne3A_272 : i1
        %or3A_275 = arith.constant false
        %or3A_276 = arith.ori %or3A_274, %or3A_275 : i1
        %or3A_277 = arith.ori %or3A_276, %eq3A_182 : i1
        %convert_element_type3A_278 = arith.extui %or3A_277 : i1 to i32
        %cond3A_279 = arith.constant 0 : i32
        %cond3A_280 = arith.cmpi ne, %convert_element_type3A_278, %cond3A_279 : i32
        scf.if %cond3A_280 {
        } else {
        }
        %ne3A_281 = arith.cmpi ne, %add3A_185, %add3A_194 : i32
        %or3A_282 = arith.constant false
        %or3A_283 = arith.ori %or3A_282, %ne3A_281 : i1
        %or3A_284 = arith.constant false
        %or3A_285 = arith.ori %or3A_283, %or3A_284 : i1
        %or3A_286 = arith.ori %or3A_285, %eq3A_182 : i1
        %convert_element_type3A_287 = arith.extui %or3A_286 : i1 to i32
        %cond3A_288 = arith.constant 0 : i32
        %cond3A_289 = arith.cmpi ne, %convert_element_type3A_287, %cond3A_288 : i32
        scf.if %cond3A_289 {
        } else {
        }
        %rem3A_290 = arith.constant 2 : i32
        %rem3A_291 = arith.remui %scan3A_173, %rem3A_290 : i32
        %rem3A_292 = arith.constant 2 : i32
        %rem3A_293 = arith.remui %scan3A_175, %rem3A_292 : i32
        %rem3A_294 = arith.constant 2 : i32
        %rem3A_295 = arith.remui %scan3A_176, %rem3A_294 : i32
        %rem3A_296 = arith.constant 2 : i32
        %rem3A_297 = arith.remui %scan3A_178, %rem3A_296 : i32
        "tpu.trace_start"() <{level = 10 : i32, message = "ep_run_kernel"}> : () -> ()
        "tpu.region"() ({
          %run_scoped3A_420 = tpu.sem_alloc : memref<!tpu.dma_semaphore, #tpu.memory_space<semaphore_mem>>
          %run_scoped3A_421 = tpu.sem_alloc : memref<!tpu.dma_semaphore, #tpu.memory_space<semaphore_mem>>
          %dma_start3A_422 = arith.constant 0 : i32
          %dma_start3A_423 = arith.constant 0 : i32
          %dma_start3A_424 = arith.constant 0 : i32
          %dma_start3A_425 = tpu.memref_slice %run_scoped3A_10[%rem3A_295, %dma_start3A_423, %dma_start3A_424] : memref<2x128x128xf32, #tpu.memory_space<vmem>> -> memref<1x128x128xf32, #tpu.memory_space<vmem>>
          %dma_start3A_426 = tpu.memref_squeeze %dma_start3A_425 : memref<1x128x128xf32, #tpu.memory_space<vmem>> -> memref<128x128xf32, #tpu.memory_space<vmem>>
          %dma_start3A_427 = arith.constant 0 : i32
          %dma_start3A_428 = arith.constant 0 : i32
          %dma_start3A_429 = tpu.memref_slice %run_scoped3A[%rem3A_291, %dma_start3A_427, %dma_start3A_428] : memref<2x1x128xi32, #tpu.memory_space<vmem>> -> memref<1x1x128xi32, #tpu.memory_space<vmem>>
          %dma_start3A_430 = tpu.memref_squeeze %dma_start3A_429 : memref<1x1x128xi32, #tpu.memory_space<vmem>> -> memref<1x128xi32, #tpu.memory_space<vmem>>
          %dma_start3A_431 = arith.constant 0 : i32
          %dma_start3A_432 = tpu.memref_slice %dma_start3A_430[%dma_start3A_422, %dma_start3A_431] : memref<1x128xi32, #tpu.memory_space<vmem>> -> memref<1x128xi32, #tpu.memory_space<vmem>>
          %dma_start3A_433 = tpu.memref_squeeze %dma_start3A_432 : memref<1x128xi32, #tpu.memory_space<vmem>> -> memref<128xi32, #tpu.memory_space<vmem>>
          %dma_start3A_434 = arith.constant 0 : i32
          %dma_start3A_435 = arith.constant 0 : i32
          %dma_start3A_436 = tpu.memref_slice %arg2[%dma_start3A_434, %dma_start3A_435] : memref<10000x128xf32, #tpu.memory_space<hbm>> -> memref<10000x128xf32, #tpu.memory_space<hbm>>
          tpu.enqueue_indirect_dma source(%dma_start3A_436 : memref<10000x128xf32, #tpu.memory_space<hbm>>) target(%dma_start3A_426 : memref<128x128xf32, #tpu.memory_space<vmem>>) offsets(%dma_start3A_433 : memref<128xi32, #tpu.memory_space<vmem>>) semaphore(%run_scoped3A_420 : memref<!tpu.dma_semaphore, #tpu.memory_space<semaphore_mem>>)
          %dma_start3A_437 = arith.constant 0 : i32
          %dma_start3A_438 = arith.constant 0 : i32
          %dma_start3A_439 = arith.constant 0 : i32
          %dma_start3A_440 = tpu.memref_slice %run_scoped3A_12[%rem3A_297, %dma_start3A_438, %dma_start3A_439] : memref<2x128x128xf32, #tpu.memory_space<vmem>> -> memref<1x128x128xf32, #tpu.memory_space<vmem>>
          %dma_start3A_441 = tpu.memref_squeeze %dma_start3A_440 : memref<1x128x128xf32, #tpu.memory_space<vmem>> -> memref<128x128xf32, #tpu.memory_space<vmem>>
          %dma_start3A_442 = arith.constant 0 : i32
          %dma_start3A_443 = arith.constant 0 : i32
          %dma_start3A_444 = tpu.memref_slice %run_scoped3A_8[%rem3A_293, %dma_start3A_442, %dma_start3A_443] : memref<2x1x128xi32, #tpu.memory_space<vmem>> -> memref<1x1x128xi32, #tpu.memory_space<vmem>>
          %dma_start3A_445 = tpu.memref_squeeze %dma_start3A_444 : memref<1x1x128xi32, #tpu.memory_space<vmem>> -> memref<1x128xi32, #tpu.memory_space<vmem>>
          %dma_start3A_446 = arith.constant 0 : i32
          %dma_start3A_447 = tpu.memref_slice %dma_start3A_445[%dma_start3A_437, %dma_start3A_446] : memref<1x128xi32, #tpu.memory_space<vmem>> -> memref<1x128xi32, #tpu.memory_space<vmem>>
          %dma_start3A_448 = tpu.memref_squeeze %dma_start3A_447 : memref<1x128xi32, #tpu.memory_space<vmem>> -> memref<128xi32, #tpu.memory_space<vmem>>
          %dma_start3A_449 = arith.constant 0 : i32
          %dma_start3A_450 = arith.constant 0 : i32
          %dma_start3A_451 = tpu.memref_slice %arg3[%dma_start3A_449, %dma_start3A_450] : memref<10000x128xf32, #tpu.memory_space<hbm>> -> memref<10000x128xf32, #tpu.memory_space<hbm>>
          tpu.enqueue_indirect_dma source(%dma_start3A_451 : memref<10000x128xf32, #tpu.memory_space<hbm>>) target(%dma_start3A_441 : memref<128x128xf32, #tpu.memory_space<vmem>>) offsets(%dma_start3A_448 : memref<128xi32, #tpu.memory_space<vmem>>) semaphore(%run_scoped3A_421 : memref<!tpu.dma_semaphore, #tpu.memory_space<semaphore_mem>>)
          %dma_wait3A_452 = arith.constant 0 : i32
          %dma_wait3A_453 = arith.constant 0 : i32
          %dma_wait3A_454 = arith.constant 0 : i32
          %dma_wait3A_455 = tpu.memref_slice %run_scoped3A_10[%rem3A_295, %dma_wait3A_453, %dma_wait3A_454] : memref<2x128x128xf32, #tpu.memory_space<vmem>> -> memref<1x128x128xf32, #tpu.memory_space<vmem>>
          %dma_wait3A_456 = tpu.memref_squeeze %dma_wait3A_455 : memref<1x128x128xf32, #tpu.memory_space<vmem>> -> memref<128x128xf32, #tpu.memory_space<vmem>>
          %dma_wait3A_457 = arith.constant 0 : i32
          %dma_wait3A_458 = arith.constant 0 : i32
          %dma_wait3A_459 = tpu.memref_slice %run_scoped3A[%rem3A_291, %dma_wait3A_457, %dma_wait3A_458] : memref<2x1x128xi32, #tpu.memory_space<vmem>> -> memref<1x1x128xi32, #tpu.memory_space<vmem>>
          %dma_wait3A_460 = tpu.memref_squeeze %dma_wait3A_459 : memref<1x1x128xi32, #tpu.memory_space<vmem>> -> memref<1x128xi32, #tpu.memory_space<vmem>>
          %dma_wait3A_461 = arith.constant 0 : i32
          %dma_wait3A_462 = tpu.memref_slice %dma_wait3A_460[%dma_wait3A_452, %dma_wait3A_461] : memref<1x128xi32, #tpu.memory_space<vmem>> -> memref<1x128xi32, #tpu.memory_space<vmem>>
          %dma_wait3A_463 = tpu.memref_squeeze %dma_wait3A_462 : memref<1x128xi32, #tpu.memory_space<vmem>> -> memref<128xi32, #tpu.memory_space<vmem>>
          %dma_wait3A_464 = arith.constant 0 : i32
          %dma_wait3A_465 = arith.constant 0 : i32
          %dma_wait3A_466 = tpu.memref_slice %arg2[%dma_wait3A_464, %dma_wait3A_465] : memref<10000x128xf32, #tpu.memory_space<hbm>> -> memref<10000x128xf32, #tpu.memory_space<hbm>>
          tpu.wait_indirect_dma semaphore(%run_scoped3A_420 : memref<!tpu.dma_semaphore, #tpu.memory_space<semaphore_mem>>) src(%dma_wait3A_466 : memref<10000x128xf32, #tpu.memory_space<hbm>>) dst(%dma_wait3A_456 : memref<128x128xf32, #tpu.memory_space<vmem>>)
          %dma_wait3A_467 = arith.constant 0 : i32
          %dma_wait3A_468 = arith.constant 0 : i32
          %dma_wait3A_469 = arith.constant 0 : i32
          %dma_wait3A_470 = tpu.memref_slice %run_scoped3A_12[%rem3A_297, %dma_wait3A_468, %dma_wait3A_469] : memref<2x128x128xf32, #tpu.memory_space<vmem>> -> memref<1x128x128xf32, #tpu.memory_space<vmem>>
          %dma_wait3A_471 = tpu.memref_squeeze %dma_wait3A_470 : memref<1x128x128xf32, #tpu.memory_space<vmem>> -> memref<128x128xf32, #tpu.memory_space<vmem>>
          %dma_wait3A_472 = arith.constant 0 : i32
          %dma_wait3A_473 = arith.constant 0 : i32
          %dma_wait3A_474 = tpu.memref_slice %run_scoped3A_8[%rem3A_293, %dma_wait3A_472, %dma_wait3A_473] : memref<2x1x128xi32, #tpu.memory_space<vmem>> -> memref<1x1x128xi32, #tpu.memory_space<vmem>>
          %dma_wait3A_475 = tpu.memref_squeeze %dma_wait3A_474 : memref<1x1x128xi32, #tpu.memory_space<vmem>> -> memref<1x128xi32, #tpu.memory_space<vmem>>
          %dma_wait3A_476 = arith.constant 0 : i32
          %dma_wait3A_477 = tpu.memref_slice %dma_wait3A_475[%dma_wait3A_467, %dma_wait3A_476] : memref<1x128xi32, #tpu.memory_space<vmem>> -> memref<1x128xi32, #tpu.memory_space<vmem>>
          %dma_wait3A_478 = tpu.memref_squeeze %dma_wait3A_477 : memref<1x128xi32, #tpu.memory_space<vmem>> -> memref<128xi32, #tpu.memory_space<vmem>>
          %dma_wait3A_479 = arith.constant 0 : i32
          %dma_wait3A_480 = arith.constant 0 : i32
          %dma_wait3A_481 = tpu.memref_slice %arg3[%dma_wait3A_479, %dma_wait3A_480] : memref<10000x128xf32, #tpu.memory_space<hbm>> -> memref<10000x128xf32, #tpu.memory_space<hbm>>
          tpu.wait_indirect_dma semaphore(%run_scoped3A_421 : memref<!tpu.dma_semaphore, #tpu.memory_space<semaphore_mem>>) src(%dma_wait3A_481 : memref<10000x128xf32, #tpu.memory_space<hbm>>) dst(%dma_wait3A_471 : memref<128x128xf32, #tpu.memory_space<vmem>>)
          tpu.yield
        }) : () -> ()
        "tpu.trace_stop"() : () -> ()
        %ne3A_298 = arith.cmpi ne, %add3A_185, %add3A_203 : i32
        %or3A_299 = arith.constant false
        %or3A_300 = arith.ori %or3A_299, %ne3A_298 : i1
        %or3A_301 = arith.ori %or3A_300, %eq3A_184 : i1
        %convert_element_type3A_302 = arith.extui %or3A_301 : i1 to i32
        %cond3A_303 = arith.constant 0 : i32
        %cond3A_304 = arith.cmpi ne, %convert_element_type3A_302, %cond3A_303 : i32
        scf.if %cond3A_304 {
        } else {
        }
        %and3A_305 = arith.constant false
        %and3A_306 = arith.andi %or3A_301, %and3A_305 : i1
        %ne3A_307 = arith.cmpi ne, %add3A_185, %add3A_203 : i32
        %or3A_308 = arith.constant false
        %or3A_309 = arith.ori %or3A_308, %ne3A_307 : i1
        %or3A_310 = arith.ori %or3A_309, %eq3A_184 : i1
        %convert_element_type3A_311 = arith.extui %or3A_310 : i1 to i32
        %cond3A_312 = arith.constant 0 : i32
        %cond3A_313 = arith.cmpi ne, %convert_element_type3A_311, %cond3A_312 : i32
        scf.if %cond3A_313 {
        } else {
        }
        %and3A_314 = arith.constant false
        %and3A_315 = arith.andi %or3A_310, %and3A_314 : i1
        %ne3A_316 = arith.cmpi ne, %add3A_185, %add3A_203 : i32
        %or3A_317 = arith.constant false
        %or3A_318 = arith.ori %or3A_317, %ne3A_316 : i1
        %or3A_319 = arith.constant false
        %or3A_320 = arith.ori %or3A_318, %or3A_319 : i1
        %or3A_321 = arith.ori %or3A_320, %eq3A_184 : i1
        %convert_element_type3A_322 = arith.extui %or3A_321 : i1 to i32
        %cond3A_323 = arith.constant 0 : i32
        %cond3A_324 = arith.cmpi ne, %convert_element_type3A_322, %cond3A_323 : i32
        scf.if %cond3A_324 {
          "tpu.trace_start"() <{level = 10 : i32, message = "ep_copy_out"}> : () -> ()
          %rem3A_420 = arith.constant 2 : i32
          %rem3A_421 = arith.remui %scan3A_176, %rem3A_420 : i32
          %mul3A_422 = arith.constant 128 : i32
          %mul3A_423 = arith.muli %mul3A_422, %add3A_185 : i32
          %dma_start3A_424 = arith.constant 0 : i32
          %dma_start3A_425 = arith.constant 0 : i32
          %dma_start3A_426 = tpu.memref_slice %run_scoped3A_10[%rem3A_421, %dma_start3A_424, %dma_start3A_425] : memref<2x128x128xf32, #tpu.memory_space<vmem>> -> memref<1x128x128xf32, #tpu.memory_space<vmem>>
          %dma_start3A_427 = tpu.memref_squeeze %dma_start3A_426 : memref<1x128x128xf32, #tpu.memory_space<vmem>> -> memref<128x128xf32, #tpu.memory_space<vmem>>
          %dma_start3A_428 = arith.constant 0 : i32
          %dma_start3A_429 = tpu.memref_slice %arg6[%mul3A_423, %dma_start3A_428] : memref<331776x128xf32, #tpu.memory_space<hbm>> -> memref<128x128xf32, #tpu.memory_space<hbm>>
          %dma_start3A_430 = tpu.memref_slice %run_scoped3A_11[%rem3A_421] : memref<2x!tpu.dma_semaphore, #tpu.memory_space<semaphore_mem>> -> memref<1x!tpu.dma_semaphore, #tpu.memory_space<semaphore_mem>>
          %dma_start3A_431 = tpu.memref_squeeze %dma_start3A_430 : memref<1x!tpu.dma_semaphore, #tpu.memory_space<semaphore_mem>> -> memref<!tpu.dma_semaphore, #tpu.memory_space<semaphore_mem>>
          %dma_start3A_432 = arith.constant 0 : i32
          %dma_start3A_433 = tpu.memref_slice %arg6[%mul3A_423, %dma_start3A_432] : memref<331776x128xf32, #tpu.memory_space<hbm>> -> memref<128x128xf32, #tpu.memory_space<hbm>>
          %dma_start3A_434 = arith.constant 0 : i32
          %dma_start3A_435 = arith.constant 0 : i32
          %dma_start3A_436 = tpu.memref_slice %run_scoped3A_10[%rem3A_421, %dma_start3A_434, %dma_start3A_435] : memref<2x128x128xf32, #tpu.memory_space<vmem>> -> memref<1x128x128xf32, #tpu.memory_space<vmem>>
          %dma_start3A_437 = tpu.memref_squeeze %dma_start3A_436 : memref<1x128x128xf32, #tpu.memory_space<vmem>> -> memref<128x128xf32, #tpu.memory_space<vmem>>
          tpu.enqueue_dma source(%dma_start3A_437 : memref<128x128xf32, #tpu.memory_space<vmem>>) target(%dma_start3A_433 : memref<128x128xf32, #tpu.memory_space<hbm>>) target_semaphore(%dma_start3A_431 : memref<!tpu.dma_semaphore, #tpu.memory_space<semaphore_mem>>)
          "tpu.trace_stop"() : () -> ()
        } else {
        }
        %and3A_325 = arith.constant true
        %and3A_326 = arith.andi %or3A_321, %and3A_325 : i1
        %add3A_327 = arith.constant 1 : i32
        %add3A_328 = arith.addi %scan3A_176, %add3A_327 : i32
        %select_n3A_329 = arith.select %and3A_326, %add3A_328, %scan3A_176 : i32
        %ne3A_330 = arith.cmpi ne, %add3A_185, %add3A_203 : i32
        %or3A_331 = arith.constant false
        %or3A_332 = arith.ori %or3A_331, %ne3A_330 : i1
        %or3A_333 = arith.constant false
        %or3A_334 = arith.ori %or3A_332, %or3A_333 : i1
        %or3A_335 = arith.ori %or3A_334, %eq3A_184 : i1
        %convert_element_type3A_336 = arith.extui %or3A_335 : i1 to i32
        %cond3A_337 = arith.constant 0 : i32
        %cond3A_338 = arith.cmpi ne, %convert_element_type3A_336, %cond3A_337 : i32
        scf.if %cond3A_338 {
          "tpu.trace_start"() <{level = 10 : i32, message = "ep_copy_out"}> : () -> ()
          %rem3A_420 = arith.constant 2 : i32
          %rem3A_421 = arith.remui %scan3A_178, %rem3A_420 : i32
          %mul3A_422 = arith.constant 128 : i32
          %mul3A_423 = arith.muli %mul3A_422, %add3A_185 : i32
          %dma_start3A_424 = arith.constant 0 : i32
          %dma_start3A_425 = arith.constant 0 : i32
          %dma_start3A_426 = tpu.memref_slice %run_scoped3A_12[%rem3A_421, %dma_start3A_424, %dma_start3A_425] : memref<2x128x128xf32, #tpu.memory_space<vmem>> -> memref<1x128x128xf32, #tpu.memory_space<vmem>>
          %dma_start3A_427 = tpu.memref_squeeze %dma_start3A_426 : memref<1x128x128xf32, #tpu.memory_space<vmem>> -> memref<128x128xf32, #tpu.memory_space<vmem>>
          %dma_start3A_428 = arith.constant 0 : i32
          %dma_start3A_429 = tpu.memref_slice %arg7[%mul3A_423, %dma_start3A_428] : memref<331776x128xf32, #tpu.memory_space<hbm>> -> memref<128x128xf32, #tpu.memory_space<hbm>>
          %dma_start3A_430 = tpu.memref_slice %run_scoped3A_13[%rem3A_421] : memref<2x!tpu.dma_semaphore, #tpu.memory_space<semaphore_mem>> -> memref<1x!tpu.dma_semaphore, #tpu.memory_space<semaphore_mem>>
          %dma_start3A_431 = tpu.memref_squeeze %dma_start3A_430 : memref<1x!tpu.dma_semaphore, #tpu.memory_space<semaphore_mem>> -> memref<!tpu.dma_semaphore, #tpu.memory_space<semaphore_mem>>
          %dma_start3A_432 = arith.constant 0 : i32
          %dma_start3A_433 = tpu.memref_slice %arg7[%mul3A_423, %dma_start3A_432] : memref<331776x128xf32, #tpu.memory_space<hbm>> -> memref<128x128xf32, #tpu.memory_space<hbm>>
          %dma_start3A_434 = arith.constant 0 : i32
          %dma_start3A_435 = arith.constant 0 : i32
          %dma_start3A_436 = tpu.memref_slice %run_scoped3A_12[%rem3A_421, %dma_start3A_434, %dma_start3A_435] : memref<2x128x128xf32, #tpu.memory_space<vmem>> -> memref<1x128x128xf32, #tpu.memory_space<vmem>>
          %dma_start3A_437 = tpu.memref_squeeze %dma_start3A_436 : memref<1x128x128xf32, #tpu.memory_space<vmem>> -> memref<128x128xf32, #tpu.memory_space<vmem>>
          tpu.enqueue_dma source(%dma_start3A_437 : memref<128x128xf32, #tpu.memory_space<vmem>>) target(%dma_start3A_433 : memref<128x128xf32, #tpu.memory_space<hbm>>) target_semaphore(%dma_start3A_431 : memref<!tpu.dma_semaphore, #tpu.memory_space<semaphore_mem>>)
          "tpu.trace_stop"() : () -> ()
        } else {
        }
        %and3A_339 = arith.constant true
        %and3A_340 = arith.andi %or3A_335, %and3A_339 : i1
        %add3A_341 = arith.constant 1 : i32
        %add3A_342 = arith.addi %scan3A_178, %add3A_341 : i32
        %select_n3A_343 = arith.select %and3A_340, %add3A_342, %scan3A_178 : i32
        %ne3A_344 = arith.cmpi ne, %add3A_185, %add3A_194 : i32
        %or3A_345 = arith.constant false
        %or3A_346 = arith.ori %or3A_345, %ne3A_344 : i1
        %not3A_347 = arith.constant true
        %not3A_348 = arith.xori %eq3A_182, %not3A_347 : i1
        %and3A_349 = arith.andi %or3A_346, %not3A_348 : i1
        %convert_element_type3A_350 = arith.extui %and3A_349 : i1 to i32
        %cond3A_351 = arith.constant 0 : i32
        %cond3A_352 = arith.cmpi ne, %convert_element_type3A_350, %cond3A_351 : i32
        scf.if %cond3A_352 {
        } else {
        }
        %and3A_353 = arith.constant false
        %and3A_354 = arith.andi %and3A_349, %and3A_353 : i1
        %ne3A_355 = arith.cmpi ne, %add3A_185, %add3A_194 : i32
        %or3A_356 = arith.constant false
        %or3A_357 = arith.ori %or3A_356, %ne3A_355 : i1
        %not3A_358 = arith.constant true
        %not3A_359 = arith.xori %eq3A_182, %not3A_358 : i1
        %and3A_360 = arith.andi %or3A_357, %not3A_359 : i1
        %convert_element_type3A_361 = arith.extui %and3A_360 : i1 to i32
        %cond3A_362 = arith.constant 0 : i32
        %cond3A_363 = arith.cmpi ne, %convert_element_type3A_361, %cond3A_362 : i32
        scf.if %cond3A_363 {
        } else {
        }
        %and3A_364 = arith.constant false
        %and3A_365 = arith.andi %and3A_360, %and3A_364 : i1
        %ne3A_366 = arith.cmpi ne, %add3A_185, %add3A_194 : i32
        %or3A_367 = arith.constant false
        %or3A_368 = arith.ori %or3A_367, %ne3A_366 : i1
        %or3A_369 = arith.constant false
        %or3A_370 = arith.ori %or3A_368, %or3A_369 : i1
        %not3A_371 = arith.constant true
        %not3A_372 = arith.xori %eq3A_182, %not3A_371 : i1
        %and3A_373 = arith.andi %or3A_370, %not3A_372 : i1
        %convert_element_type3A_374 = arith.extui %and3A_373 : i1 to i32
        %cond3A_375 = arith.constant 0 : i32
        %cond3A_376 = arith.cmpi ne, %convert_element_type3A_374, %cond3A_375 : i32
        scf.if %cond3A_376 {
          "tpu.trace_start"() <{level = 10 : i32, message = "ep_wait_out"}> : () -> ()
          %rem3A_420 = arith.constant 2 : i32
          %rem3A_421 = arith.remui %scan3A_177, %rem3A_420 : i32
          %mul3A_422 = arith.constant 128 : i32
          %mul3A_423 = arith.muli %mul3A_422, %add3A_194 : i32
          %dma_wait3A_424 = arith.constant 0 : i32
          %dma_wait3A_425 = arith.constant 0 : i32
          %dma_wait3A_426 = tpu.memref_slice %run_scoped3A_10[%rem3A_421, %dma_wait3A_424, %dma_wait3A_425] : memref<2x128x128xf32, #tpu.memory_space<vmem>> -> memref<1x128x128xf32, #tpu.memory_space<vmem>>
          %dma_wait3A_427 = tpu.memref_squeeze %dma_wait3A_426 : memref<1x128x128xf32, #tpu.memory_space<vmem>> -> memref<128x128xf32, #tpu.memory_space<vmem>>
          %dma_wait3A_428 = arith.constant 0 : i32
          %dma_wait3A_429 = tpu.memref_slice %arg6[%mul3A_423, %dma_wait3A_428] : memref<331776x128xf32, #tpu.memory_space<hbm>> -> memref<128x128xf32, #tpu.memory_space<hbm>>
          %dma_wait3A_430 = tpu.memref_slice %run_scoped3A_11[%rem3A_421] : memref<2x!tpu.dma_semaphore, #tpu.memory_space<semaphore_mem>> -> memref<1x!tpu.dma_semaphore, #tpu.memory_space<semaphore_mem>>
          %dma_wait3A_431 = tpu.memref_squeeze %dma_wait3A_430 : memref<1x!tpu.dma_semaphore, #tpu.memory_space<semaphore_mem>> -> memref<!tpu.dma_semaphore, #tpu.memory_space<semaphore_mem>>
          %dma_wait3A_432 = arith.constant 0 : i32
          %dma_wait3A_433 = tpu.memref_slice %arg6[%mul3A_423, %dma_wait3A_432] : memref<331776x128xf32, #tpu.memory_space<hbm>> -> memref<128x128xf32, #tpu.memory_space<hbm>>
          %dma_wait3A_434 = arith.constant 0 : i32
          %dma_wait3A_435 = arith.constant 0 : i32
          %dma_wait3A_436 = tpu.memref_slice %run_scoped3A_10[%rem3A_421, %dma_wait3A_434, %dma_wait3A_435] : memref<2x128x128xf32, #tpu.memory_space<vmem>> -> memref<1x128x128xf32, #tpu.memory_space<vmem>>
          %dma_wait3A_437 = tpu.memref_squeeze %dma_wait3A_436 : memref<1x128x128xf32, #tpu.memory_space<vmem>> -> memref<128x128xf32, #tpu.memory_space<vmem>>
          tpu.wait_dma2 semaphore(%dma_wait3A_431 : memref<!tpu.dma_semaphore, #tpu.memory_space<semaphore_mem>>) src(%dma_wait3A_437 : memref<128x128xf32, #tpu.memory_space<vmem>>) dst(%dma_wait3A_433 : memref<128x128xf32, #tpu.memory_space<hbm>>)
          "tpu.trace_stop"() : () -> ()
        } else {
        }
        %and3A_377 = arith.constant true
        %and3A_378 = arith.andi %and3A_373, %and3A_377 : i1
        %add3A_379 = arith.constant 1 : i32
        %add3A_380 = arith.addi %scan3A_177, %add3A_379 : i32
        %select_n3A_381 = arith.select %and3A_378, %add3A_380, %scan3A_177 : i32
        %ne3A_382 = arith.cmpi ne, %add3A_185, %add3A_194 : i32
        %or3A_383 = arith.constant false
        %or3A_384 = arith.ori %or3A_383, %ne3A_382 : i1
        %or3A_385 = arith.constant false
        %or3A_386 = arith.ori %or3A_384, %or3A_385 : i1
        %not3A_387 = arith.constant true
        %not3A_388 = arith.xori %eq3A_182, %not3A_387 : i1
        %and3A_389 = arith.andi %or3A_386, %not3A_388 : i1
        %convert_element_type3A_390 = arith.extui %and3A_389 : i1 to i32
        %cond3A_391 = arith.constant 0 : i32
        %cond3A_392 = arith.cmpi ne, %convert_element_type3A_390, %cond3A_391 : i32
        scf.if %cond3A_392 {
          "tpu.trace_start"() <{level = 10 : i32, message = "ep_wait_out"}> : () -> ()
          %rem3A_420 = arith.constant 2 : i32
          %rem3A_421 = arith.remui %scan3A_179, %rem3A_420 : i32
          %mul3A_422 = arith.constant 128 : i32
          %mul3A_423 = arith.muli %mul3A_422, %add3A_194 : i32
          %dma_wait3A_424 = arith.constant 0 : i32
          %dma_wait3A_425 = arith.constant 0 : i32
          %dma_wait3A_426 = tpu.memref_slice %run_scoped3A_12[%rem3A_421, %dma_wait3A_424, %dma_wait3A_425] : memref<2x128x128xf32, #tpu.memory_space<vmem>> -> memref<1x128x128xf32, #tpu.memory_space<vmem>>
          %dma_wait3A_427 = tpu.memref_squeeze %dma_wait3A_426 : memref<1x128x128xf32, #tpu.memory_space<vmem>> -> memref<128x128xf32, #tpu.memory_space<vmem>>
          %dma_wait3A_428 = arith.constant 0 : i32
          %dma_wait3A_429 = tpu.memref_slice %arg7[%mul3A_423, %dma_wait3A_428] : memref<331776x128xf32, #tpu.memory_space<hbm>> -> memref<128x128xf32, #tpu.memory_space<hbm>>
          %dma_wait3A_430 = tpu.memref_slice %run_scoped3A_13[%rem3A_421] : memref<2x!tpu.dma_semaphore, #tpu.memory_space<semaphore_mem>> -> memref<1x!tpu.dma_semaphore, #tpu.memory_space<semaphore_mem>>
          %dma_wait3A_431 = tpu.memref_squeeze %dma_wait3A_430 : memref<1x!tpu.dma_semaphore, #tpu.memory_space<semaphore_mem>> -> memref<!tpu.dma_semaphore, #tpu.memory_space<semaphore_mem>>
          %dma_wait3A_432 = arith.constant 0 : i32
          %dma_wait3A_433 = tpu.memref_slice %arg7[%mul3A_423, %dma_wait3A_432] : memref<331776x128xf32, #tpu.memory_space<hbm>> -> memref<128x128xf32, #tpu.memory_space<hbm>>
          %dma_wait3A_434 = arith.constant 0 : i32
          %dma_wait3A_435 = arith.constant 0 : i32
          %dma_wait3A_436 = tpu.memref_slice %run_scoped3A_12[%rem3A_421, %dma_wait3A_434, %dma_wait3A_435] : memref<2x128x128xf32, #tpu.memory_space<vmem>> -> memref<1x128x128xf32, #tpu.memory_space<vmem>>
          %dma_wait3A_437 = tpu.memref_squeeze %dma_wait3A_436 : memref<1x128x128xf32, #tpu.memory_space<vmem>> -> memref<128x128xf32, #tpu.memory_space<vmem>>
          tpu.wait_dma2 semaphore(%dma_wait3A_431 : memref<!tpu.dma_semaphore, #tpu.memory_space<semaphore_mem>>) src(%dma_wait3A_437 : memref<128x128xf32, #tpu.memory_space<vmem>>) dst(%dma_wait3A_433 : memref<128x128xf32, #tpu.memory_space<hbm>>)
          "tpu.trace_stop"() : () -> ()
        } else {
        }
        %and3A_393 = arith.constant true
        %and3A_394 = arith.andi %and3A_389, %and3A_393 : i1
        %add3A_395 = arith.constant 1 : i32
        %add3A_396 = arith.addi %scan3A_179, %add3A_395 : i32
        %select_n3A_397 = arith.select %and3A_394, %add3A_396, %scan3A_179 : i32
        %ne3A_398 = arith.cmpi ne, %add3A_185, %add3A_203 : i32
        %or3A_399 = arith.constant false
        %or3A_400 = arith.ori %or3A_399, %ne3A_398 : i1
        %or3A_401 = arith.ori %or3A_400, %eq3A_184 : i1
        %add3A_402 = arith.constant 1 : i32
        %add3A_403 = arith.addi %scan3A_173, %add3A_402 : i32
        %select_n3A_404 = arith.select %or3A_401, %add3A_403, %scan3A_173 : i32
        %ne3A_405 = arith.cmpi ne, %add3A_185, %add3A_203 : i32
        %or3A_406 = arith.constant false
        %or3A_407 = arith.ori %or3A_406, %ne3A_405 : i1
        %or3A_408 = arith.ori %or3A_407, %eq3A_184 : i1
        %add3A_409 = arith.constant 1 : i32
        %add3A_410 = arith.addi %scan3A_175, %add3A_409 : i32
        %select_n3A_411 = arith.select %or3A_408, %add3A_410, %scan3A_175 : i32
        %add3A_412 = arith.constant 1 : i32
        %add3A_413 = arith.addi %scan3A_180, %add3A_412 : i32
        %select_n3A_414 = arith.constant true
        %select_n3A_415 = arith.select %select_n3A_414, %add3A_413, %scan3A_180 : i32
        %eq3A_416 = arith.constant 81 : i32
        %eq3A_417 = arith.cmpi eq, %select_n3A_415, %eq3A_416 : i32
        %select_n3A_418 = arith.constant 0 : i32
        %select_n3A_419 = arith.select %eq3A_417, %select_n3A_418, %select_n3A_415 : i32
        scf.yield %select_n3A_221, %select_n3A_404, %select_n3A_237, %select_n3A_411, %select_n3A_329, %select_n3A_381, %select_n3A_343, %select_n3A_397, %select_n3A_419 : i32, i32, i32, i32, i32, i32, i32, i32, i32
      }
      %scan3A_100 = arith.constant 81 : i32
      %sub3A = arith.constant 1 : i32
      %sub3A_101 = arith.subi %scan3A_99#8, %sub3A : i32
      %select_n3A_102 = arith.constant true
      %select_n3A_103 = arith.select %select_n3A_102, %sub3A_101, %scan3A_99#8 : i32
      %eq3A_104 = arith.constant -1 : i32
      %eq3A_105 = arith.cmpi eq, %select_n3A_103, %eq3A_104 : i32
      %select_n3A_106 = arith.constant 80 : i32
      %select_n3A_107 = arith.select %eq3A_105, %select_n3A_106, %select_n3A_103 : i32
      %add3A_108 = arith.addi %select_n3A_107, %mul3A_6 : i32
      %sub3A_109 = arith.constant 1 : i32
      %sub3A_110 = arith.subi %select_n3A_107, %sub3A_109 : i32
      %select_n3A_111 = arith.constant true
      %select_n3A_112 = arith.select %select_n3A_111, %sub3A_110, %select_n3A_107 : i32
      %eq3A_113 = arith.constant -1 : i32
      %eq3A_114 = arith.cmpi eq, %select_n3A_112, %eq3A_113 : i32
      %select_n3A_115 = arith.constant 80 : i32
      %select_n3A_116 = arith.select %eq3A_114, %select_n3A_115, %select_n3A_112 : i32
      %add3A_117 = arith.addi %select_n3A_116, %mul3A_6 : i32
      %add3A_118 = arith.constant 1 : i32
      %add3A_119 = arith.addi %select_n3A_107, %add3A_118 : i32
      %select_n3A_120 = arith.constant true
      %select_n3A_121 = arith.select %select_n3A_120, %add3A_119, %select_n3A_107 : i32
      %eq3A_122 = arith.constant 81 : i32
      %eq3A_123 = arith.cmpi eq, %select_n3A_121, %eq3A_122 : i32
      %select_n3A_124 = arith.constant 0 : i32
      %select_n3A_125 = arith.select %eq3A_123, %select_n3A_124, %select_n3A_121 : i32
      %add3A_126 = arith.addi %select_n3A_125, %mul3A_6 : i32
      %add3A_127 = arith.constant 1 : i32
      %add3A_128 = arith.addi %select_n3A_125, %add3A_127 : i32
      %select_n3A_129 = arith.constant true
      %select_n3A_130 = arith.select %select_n3A_129, %add3A_128, %select_n3A_125 : i32
      %eq3A_131 = arith.constant 81 : i32
      %eq3A_132 = arith.cmpi eq, %select_n3A_130, %eq3A_131 : i32
      %select_n3A_133 = arith.constant 0 : i32
      %select_n3A_134 = arith.select %eq3A_132, %select_n3A_133, %select_n3A_130 : i32
      %add3A_135 = arith.addi %select_n3A_134, %mul3A_6 : i32
      "tpu.trace_start"() <{level = 10 : i32, message = "ep_finalize"}> : () -> ()
      %rem3A_136 = arith.constant 2 : i32
      %rem3A_137 = arith.remui %scan3A_99#5, %rem3A_136 : i32
      %mul3A_138 = arith.constant 128 : i32
      %mul3A_139 = arith.muli %mul3A_138, %add3A_108 : i32
      %dma_wait3A = arith.constant 0 : i32
      %dma_wait3A_140 = arith.constant 0 : i32
      %dma_wait3A_141 = tpu.memref_slice %run_scoped3A_10[%rem3A_137, %dma_wait3A, %dma_wait3A_140] : memref<2x128x128xf32, #tpu.memory_space<vmem>> -> memref<1x128x128xf32, #tpu.memory_space<vmem>>
      %dma_wait3A_142 = tpu.memref_squeeze %dma_wait3A_141 : memref<1x128x128xf32, #tpu.memory_space<vmem>> -> memref<128x128xf32, #tpu.memory_space<vmem>>
      %dma_wait3A_143 = arith.constant 0 : i32
      %dma_wait3A_144 = tpu.memref_slice %arg6[%mul3A_139, %dma_wait3A_143] : memref<331776x128xf32, #tpu.memory_space<hbm>> -> memref<128x128xf32, #tpu.memory_space<hbm>>
      %dma_wait3A_145 = tpu.memref_slice %run_scoped3A_11[%rem3A_137] : memref<2x!tpu.dma_semaphore, #tpu.memory_space<semaphore_mem>> -> memref<1x!tpu.dma_semaphore, #tpu.memory_space<semaphore_mem>>
      %dma_wait3A_146 = tpu.memref_squeeze %dma_wait3A_145 : memref<1x!tpu.dma_semaphore, #tpu.memory_space<semaphore_mem>> -> memref<!tpu.dma_semaphore, #tpu.memory_space<semaphore_mem>>
      %dma_wait3A_147 = arith.constant 0 : i32
      %dma_wait3A_148 = tpu.memref_slice %arg6[%mul3A_139, %dma_wait3A_147] : memref<331776x128xf32, #tpu.memory_space<hbm>> -> memref<128x128xf32, #tpu.memory_space<hbm>>
      %dma_wait3A_149 = arith.constant 0 : i32
      %dma_wait3A_150 = arith.constant 0 : i32
      %dma_wait3A_151 = tpu.memref_slice %run_scoped3A_10[%rem3A_137, %dma_wait3A_149, %dma_wait3A_150] : memref<2x128x128xf32, #tpu.memory_space<vmem>> -> memref<1x128x128xf32, #tpu.memory_space<vmem>>
      %dma_wait3A_152 = tpu.memref_squeeze %dma_wait3A_151 : memref<1x128x128xf32, #tpu.memory_space<vmem>> -> memref<128x128xf32, #tpu.memory_space<vmem>>
      tpu.wait_dma2 semaphore(%dma_wait3A_146 : memref<!tpu.dma_semaphore, #tpu.memory_space<semaphore_mem>>) src(%dma_wait3A_152 : memref<128x128xf32, #tpu.memory_space<vmem>>) dst(%dma_wait3A_148 : memref<128x128xf32, #tpu.memory_space<hbm>>)
      %rem3A_153 = arith.constant 2 : i32
      %rem3A_154 = arith.remui %scan3A_99#7, %rem3A_153 : i32
      %mul3A_155 = arith.constant 128 : i32
      %mul3A_156 = arith.muli %mul3A_155, %add3A_108 : i32
      %dma_wait3A_157 = arith.constant 0 : i32
      %dma_wait3A_158 = arith.constant 0 : i32
      %dma_wait3A_159 = tpu.memref_slice %run_scoped3A_12[%rem3A_154, %dma_wait3A_157, %dma_wait3A_158] : memref<2x128x128xf32, #tpu.memory_space<vmem>> -> memref<1x128x128xf32, #tpu.memory_space<vmem>>
      %dma_wait3A_160 = tpu.memref_squeeze %dma_wait3A_159 : memref<1x128x128xf32, #tpu.memory_space<vmem>> -> memref<128x128xf32, #tpu.memory_space<vmem>>
      %dma_wait3A_161 = arith.constant 0 : i32
      %dma_wait3A_162 = tpu.memref_slice %arg7[%mul3A_156, %dma_wait3A_161] : memref<331776x128xf32, #tpu.memory_space<hbm>> -> memref<128x128xf32, #tpu.memory_space<hbm>>
      %dma_wait3A_163 = tpu.memref_slice %run_scoped3A_13[%rem3A_154] : memref<2x!tpu.dma_semaphore, #tpu.memory_space<semaphore_mem>> -> memref<1x!tpu.dma_semaphore, #tpu.memory_space<semaphore_mem>>
      %dma_wait3A_164 = tpu.memref_squeeze %dma_wait3A_163 : memref<1x!tpu.dma_semaphore, #tpu.memory_space<semaphore_mem>> -> memref<!tpu.dma_semaphore, #tpu.memory_space<semaphore_mem>>
      %dma_wait3A_165 = arith.constant 0 : i32
      %dma_wait3A_166 = tpu.memref_slice %arg7[%mul3A_156, %dma_wait3A_165] : memref<331776x128xf32, #tpu.memory_space<hbm>> -> memref<128x128xf32, #tpu.memory_space<hbm>>
      %dma_wait3A_167 = arith.constant 0 : i32
      %dma_wait3A_168 = arith.constant 0 : i32
      %dma_wait3A_169 = tpu.memref_slice %run_scoped3A_12[%rem3A_154, %dma_wait3A_167, %dma_wait3A_168] : memref<2x128x128xf32, #tpu.memory_space<vmem>> -> memref<1x128x128xf32, #tpu.memory_space<vmem>>
      %dma_wait3A_170 = tpu.memref_squeeze %dma_wait3A_169 : memref<1x128x128xf32, #tpu.memory_space<vmem>> -> memref<128x128xf32, #tpu.memory_space<vmem>>
      tpu.wait_dma2 semaphore(%dma_wait3A_164 : memref<!tpu.dma_semaphore, #tpu.memory_space<semaphore_mem>>) src(%dma_wait3A_170 : memref<128x128xf32, #tpu.memory_space<vmem>>) dst(%dma_wait3A_166 : memref<128x128xf32, #tpu.memory_space<hbm>>)
      "tpu.trace_stop"() : () -> ()
      tpu.yield
    }) : () -> ()
    return
  }
}

module attributes {stable_mosaic.version = 14 : i64} {
  func.func @_uv_body(%arg0: i32, %arg1: memref<2000x128xf32, #tpu.memory_space<vmem>>, %arg2: memref<128x128xf32, #tpu.memory_space<vmem>>, %arg3: memref<128x128xf32, #tpu.memory_space<vmem>>, %arg4: memref<2000x128xf32, #tpu.memory_space<vmem>>, %arg5: memref<2000x128xf32, #tpu.memory_space<vmem>>) attributes {dimension_semantics = [#tpu.dimension_semantics<arbitrary>], iteration_bounds = array<i64: 5>, scalar_prefetch = 0 : i64, scratch_operands = 0 : i64, tpu.core_type = #tpu.core_type<tc>, window_params = [{transform_indices = @transform_0, window_bounds = array<i64: 2000, 128>}, {pipeline_mode = #tpu.pipeline_mode<synchronous>, transform_indices = @transform_1, window_bounds = array<i64: 128, 128>}, {pipeline_mode = #tpu.pipeline_mode<synchronous>, transform_indices = @transform_2, window_bounds = array<i64: 128, 128>}, {transform_indices = @transform_3, window_bounds = array<i64: 2000, 128>}, {transform_indices = @transform_4, window_bounds = array<i64: 2000, 128>}]} {
    %get3A = arith.constant 0 : index
    %get3A_0 = arith.constant 0 : index
    %get3A_1 = vector.load %arg1[%get3A, %get3A_0] : memref<2000x128xf32, #tpu.memory_space<vmem>>, vector<2000x128xf32>
    %get3A_2 = arith.constant 0 : index
    %get3A_3 = arith.constant 0 : index
    %get3A_4 = vector.load %arg2[%get3A_2, %get3A_3] : memref<128x128xf32, #tpu.memory_space<vmem>>, vector<128x128xf32>
    %dot_general3A = arith.constant dense<0.000000e+00> : vector<2000x128xf32>
    %dot_general3A_5 = tpu.matmul %get3A_1, %get3A_4, %dot_general3A {dimension_numbers = #tpu.dot_dimension_numbers<[1], [0], [0], [1], [0, 0, 1, 1], [], []>, transpose_lhs_hint = false} : vector<2000x128xf32>, vector<128x128xf32>, vector<2000x128xf32> -> vector<2000x128xf32>
    %swap3A = arith.constant 0 : index
    %swap3A_6 = arith.constant 0 : index
    %swap3A_7 = vector.load %arg4[%swap3A, %swap3A_6] : memref<2000x128xf32, #tpu.memory_space<vmem>>, vector<2000x128xf32>
    tpu.vector_store %arg4[%swap3A, %swap3A_6], %dot_general3A_5 {strides = array<i32>} : memref<2000x128xf32, #tpu.memory_space<vmem>>, vector<2000x128xf32>,
    %get3A_8 = arith.constant 0 : index
    %get3A_9 = arith.constant 0 : index
    %get3A_10 = vector.load %arg3[%get3A_8, %get3A_9] : memref<128x128xf32, #tpu.memory_space<vmem>>, vector<128x128xf32>
    %dot_general3A_11 = arith.constant dense<0.000000e+00> : vector<2000x128xf32>
    %dot_general3A_12 = tpu.matmul %get3A_1, %get3A_10, %dot_general3A_11 {dimension_numbers = #tpu.dot_dimension_numbers<[1], [0], [0], [1], [0, 0, 1, 1], [], []>, transpose_lhs_hint = false} : vector<2000x128xf32>, vector<128x128xf32>, vector<2000x128xf32> -> vector<2000x128xf32>
    %swap3A_13 = arith.constant 0 : index
    %swap3A_14 = arith.constant 0 : index
    %swap3A_15 = vector.load %arg5[%swap3A_13, %swap3A_14] : memref<2000x128xf32, #tpu.memory_space<vmem>>, vector<2000x128xf32>
    tpu.vector_store %arg5[%swap3A_13, %swap3A_14], %dot_general3A_12 {strides = array<i32>} : memref<2000x128xf32, #tpu.memory_space<vmem>>, vector<2000x128xf32>,
    return
  }
  func.func @transform_0(%arg0: i32) -> (i32, i32) {
    %c0_i32 = arith.constant 0 : i32
    %c0_i32_0 = arith.constant 0 : i32
    return %arg0, %c0_i32 : i32, i32
  }
  func.func @transform_1(%arg0: i32) -> (i32, i32) {
    %c0_i32 = arith.constant 0 : i32
    %c0_i32_0 = arith.constant 0 : i32
    %c0_i32_1 = arith.constant 0 : i32
    return %c0_i32, %c0_i32_0 : i32, i32
  }
  func.func @transform_2(%arg0: i32) -> (i32, i32) {
    %c0_i32 = arith.constant 0 : i32
    %c0_i32_0 = arith.constant 0 : i32
    %c0_i32_1 = arith.constant 0 : i32
    return %c0_i32, %c0_i32_0 : i32, i32
  }
  func.func @transform_3(%arg0: i32) -> (i32, i32) {
    %c0_i32 = arith.constant 0 : i32
    %c0_i32_0 = arith.constant 0 : i32
    return %arg0, %c0_i32 : i32, i32
  }
  func.func @transform_4(%arg0: i32) -> (i32, i32) {
    %c0_i32 = arith.constant 0 : i32
    %c0_i32_0 = arith.constant 0 : i32
    return %arg0, %c0_i32 : i32, i32
  }
}

module attributes {stable_mosaic.version = 14 : i64} {
  func.func @_edge_mlp_body(%arg0: i32, %arg1: memref<2048x128xf32, #tpu.memory_space<vmem>>, %arg2: memref<2048x128xf32, #tpu.memory_space<vmem>>, %arg3: memref<1x128xf32, #tpu.memory_space<vmem>>, %arg4: memref<128x128xf32, #tpu.memory_space<vmem>>, %arg5: memref<1x128xf32, #tpu.memory_space<vmem>>, %arg6: memref<1x128xf32, #tpu.memory_space<vmem>>, %arg7: memref<1x128xf32, #tpu.memory_space<vmem>>, %arg8: memref<2048x128xf32, #tpu.memory_space<vmem>>) attributes {dimension_semantics = [#tpu.dimension_semantics<arbitrary>], iteration_bounds = array<i64: 162>, scalar_prefetch = 0 : i64, scratch_operands = 0 : i64, tpu.core_type = #tpu.core_type<tc>, window_params = [{transform_indices = @transform_0, window_bounds = array<i64: 2048, 128>}, {transform_indices = @transform_1, window_bounds = array<i64: 2048, 128>}, {pipeline_mode = #tpu.pipeline_mode<synchronous>, transform_indices = @transform_2, window_bounds = array<i64: 1, 128>}, {pipeline_mode = #tpu.pipeline_mode<synchronous>, transform_indices = @transform_3, window_bounds = array<i64: 128, 128>}, {pipeline_mode = #tpu.pipeline_mode<synchronous>, transform_indices = @transform_4, window_bounds = array<i64: 1, 128>}, {pipeline_mode = #tpu.pipeline_mode<synchronous>, transform_indices = @transform_5, window_bounds = array<i64: 1, 128>}, {pipeline_mode = #tpu.pipeline_mode<synchronous>, transform_indices = @transform_6, window_bounds = array<i64: 1, 128>}, {transform_indices = @transform_7, window_bounds = array<i64: 2048, 128>}]} {
    %get3A = arith.constant 0 : index
    %get3A_0 = arith.constant 0 : index
    %get3A_1 = vector.load %arg1[%get3A, %get3A_0] : memref<2048x128xf32, #tpu.memory_space<vmem>>, vector<2048x128xf32>
    %get3A_2 = arith.constant 0 : index
    %get3A_3 = arith.constant 0 : index
    %get3A_4 = vector.load %arg2[%get3A_2, %get3A_3] : memref<2048x128xf32, #tpu.memory_space<vmem>>, vector<2048x128xf32>
    %add3A = arith.addf %get3A_1, %get3A_4 : vector<2048x128xf32>
    %get3A_5 = arith.constant 0 : index
    %get3A_6 = arith.constant 0 : index
    %get3A_7 = vector.load %arg3[%get3A_5, %get3A_6] : memref<1x128xf32, #tpu.memory_space<vmem>>, vector<1x128xf32>
    %add3A_8 = vector.broadcast %get3A_7 : vector<1x128xf32> to vector<2048x128xf32>
    %add3A_9 = arith.addf %add3A, %add3A_8 : vector<2048x128xf32>
    %max3A = arith.constant 0.000000e+00 : f32
    %max3A_10 = vector.broadcast %max3A : f32 to vector<2048x128xf32>
    %max3A_11 = arith.maximumf %add3A_9, %max3A_10 : vector<2048x128xf32>
    %get3A_12 = arith.constant 0 : index
    %get3A_13 = arith.constant 0 : index
    %get3A_14 = vector.load %arg4[%get3A_12, %get3A_13] : memref<128x128xf32, #tpu.memory_space<vmem>>, vector<128x128xf32>
    %dot_general3A = arith.constant dense<0.000000e+00> : vector<2048x128xf32>
    %dot_general3A_15 = tpu.matmul %max3A_11, %get3A_14, %dot_general3A {dimension_numbers = #tpu.dot_dimension_numbers<[1], [0], [0], [1], [0, 0, 1, 1], [], []>, transpose_lhs_hint = false} : vector<2048x128xf32>, vector<128x128xf32>, vector<2048x128xf32> -> vector<2048x128xf32>
    %get3A_16 = arith.constant 0 : index
    %get3A_17 = arith.constant 0 : index
    %get3A_18 = vector.load %arg5[%get3A_16, %get3A_17] : memref<1x128xf32, #tpu.memory_space<vmem>>, vector<1x128xf32>
    %add3A_19 = vector.broadcast %get3A_18 : vector<1x128xf32> to vector<2048x128xf32>
    %add3A_20 = arith.addf %dot_general3A_15, %add3A_19 : vector<2048x128xf32>
    %max3A_21 = arith.constant 0.000000e+00 : f32
    %max3A_22 = vector.broadcast %max3A_21 : f32 to vector<2048x128xf32>
    %max3A_23 = arith.maximumf %add3A_20, %max3A_22 : vector<2048x128xf32>
    %get3A_24 = arith.constant 0 : index
    %get3A_25 = arith.constant 0 : index
    %get3A_26 = vector.load %arg6[%get3A_24, %get3A_25] : memref<1x128xf32, #tpu.memory_space<vmem>>, vector<1x128xf32>
    %mul3A = vector.broadcast %get3A_26 : vector<1x128xf32> to vector<2048x128xf32>
    %mul3A_27 = arith.mulf %max3A_23, %mul3A : vector<2048x128xf32>
    %get3A_28 = arith.constant 0 : index
    %get3A_29 = arith.constant 0 : index
    %get3A_30 = vector.load %arg7[%get3A_28, %get3A_29] : memref<1x128xf32, #tpu.memory_space<vmem>>, vector<1x128xf32>
    %add3A_31 = vector.broadcast %get3A_30 : vector<1x128xf32> to vector<2048x128xf32>
    %add3A_32 = arith.addf %mul3A_27, %add3A_31 : vector<2048x128xf32>
    %swap3A = arith.constant 0 : index
    %swap3A_33 = arith.constant 0 : index
    %swap3A_34 = vector.load %arg8[%swap3A, %swap3A_33] : memref<2048x128xf32, #tpu.memory_space<vmem>>, vector<2048x128xf32>
    tpu.vector_store %arg8[%swap3A, %swap3A_33], %add3A_32 {strides = array<i32>} : memref<2048x128xf32, #tpu.memory_space<vmem>>, vector<2048x128xf32>,
    return
  }
  func.func @transform_0(%arg0: i32) -> (i32, i32) {
    %c0_i32 = arith.constant 0 : i32
    %c0_i32_0 = arith.constant 0 : i32
    return %arg0, %c0_i32 : i32, i32
  }
  func.func @transform_1(%arg0: i32) -> (i32, i32) {
    %c0_i32 = arith.constant 0 : i32
    %c0_i32_0 = arith.constant 0 : i32
    return %arg0, %c0_i32 : i32, i32
  }
  func.func @transform_2(%arg0: i32) -> (i32, i32) {
    %c0_i32 = arith.constant 0 : i32
    %c0_i32_0 = arith.constant 0 : i32
    %c0_i32_1 = arith.constant 0 : i32
    return %c0_i32, %c0_i32_0 : i32, i32
  }
  func.func @transform_3(%arg0: i32) -> (i32, i32) {
    %c0_i32 = arith.constant 0 : i32
    %c0_i32_0 = arith.constant 0 : i32
    %c0_i32_1 = arith.constant 0 : i32
    return %c0_i32, %c0_i32_0 : i32, i32
  }
  func.func @transform_4(%arg0: i32) -> (i32, i32) {
    %c0_i32 = arith.constant 0 : i32
    %c0_i32_0 = arith.constant 0 : i32
    %c0_i32_1 = arith.constant 0 : i32
    return %c0_i32, %c0_i32_0 : i32, i32
  }
  func.func @transform_5(%arg0: i32) -> (i32, i32) {
    %c0_i32 = arith.constant 0 : i32
    %c0_i32_0 = arith.constant 0 : i32
    %c0_i32_1 = arith.constant 0 : i32
    return %c0_i32, %c0_i32_0 : i32, i32
  }
  func.func @transform_6(%arg0: i32) -> (i32, i32) {
    %c0_i32 = arith.constant 0 : i32
    %c0_i32_0 = arith.constant 0 : i32
    %c0_i32_1 = arith.constant 0 : i32
    return %c0_i32, %c0_i32_0 : i32, i32
  }
  func.func @transform_7(%arg0: i32) -> (i32, i32) {
    %c0_i32 = arith.constant 0 : i32
    %c0_i32_0 = arith.constant 0 : i32
    return %arg0, %c0_i32 : i32, i32
  }
}

module attributes {stable_mosaic.version = 14 : i64} {
  func.func @_final_mlp_body(%arg0: i32, %arg1: memref<2000x128xf32, #tpu.memory_space<vmem>>, %arg2: memref<128x128xf32, #tpu.memory_space<vmem>>, %arg3: memref<1x128xf32, #tpu.memory_space<vmem>>, %arg4: memref<1x128xf32, #tpu.memory_space<vmem>>, %arg5: memref<1x128xf32, #tpu.memory_space<vmem>>, %arg6: memref<2000x128xf32, #tpu.memory_space<vmem>>) attributes {dimension_semantics = [#tpu.dimension_semantics<arbitrary>], iteration_bounds = array<i64: 5>, scalar_prefetch = 0 : i64, scratch_operands = 0 : i64, tpu.core_type = #tpu.core_type<tc>, window_params = [{transform_indices = @transform_0, window_bounds = array<i64: 2000, 128>}, {pipeline_mode = #tpu.pipeline_mode<synchronous>, transform_indices = @transform_1, window_bounds = array<i64: 128, 128>}, {pipeline_mode = #tpu.pipeline_mode<synchronous>, transform_indices = @transform_2, window_bounds = array<i64: 1, 128>}, {pipeline_mode = #tpu.pipeline_mode<synchronous>, transform_indices = @transform_3, window_bounds = array<i64: 1, 128>}, {pipeline_mode = #tpu.pipeline_mode<synchronous>, transform_indices = @transform_4, window_bounds = array<i64: 1, 128>}, {transform_indices = @transform_5, window_bounds = array<i64: 2000, 128>}]} {
    %get3A = arith.constant 0 : index
    %get3A_0 = arith.constant 0 : index
    %get3A_1 = vector.load %arg1[%get3A, %get3A_0] : memref<2000x128xf32, #tpu.memory_space<vmem>>, vector<2000x128xf32>
    %get3A_2 = arith.constant 0 : index
    %get3A_3 = arith.constant 0 : index
    %get3A_4 = vector.load %arg2[%get3A_2, %get3A_3] : memref<128x128xf32, #tpu.memory_space<vmem>>, vector<128x128xf32>
    %dot_general3A = arith.constant dense<0.000000e+00> : vector<2000x128xf32>
    %dot_general3A_5 = tpu.matmul %get3A_1, %get3A_4, %dot_general3A {dimension_numbers = #tpu.dot_dimension_numbers<[1], [0], [0], [1], [0, 0, 1, 1], [], []>, transpose_lhs_hint = false} : vector<2000x128xf32>, vector<128x128xf32>, vector<2000x128xf32> -> vector<2000x128xf32>
    %get3A_6 = arith.constant 0 : index
    %get3A_7 = arith.constant 0 : index
    %get3A_8 = vector.load %arg3[%get3A_6, %get3A_7] : memref<1x128xf32, #tpu.memory_space<vmem>>, vector<1x128xf32>
    %add3A = vector.broadcast %get3A_8 : vector<1x128xf32> to vector<2000x128xf32>
    %add3A_9 = arith.addf %dot_general3A_5, %add3A : vector<2000x128xf32>
    %max3A = arith.constant 0.000000e+00 : f32
    %max3A_10 = vector.broadcast %max3A : f32 to vector<2000x128xf32>
    %max3A_11 = arith.maximumf %add3A_9, %max3A_10 : vector<2000x128xf32>
    %get3A_12 = arith.constant 0 : index
    %get3A_13 = arith.constant 0 : index
    %get3A_14 = vector.load %arg4[%get3A_12, %get3A_13] : memref<1x128xf32, #tpu.memory_space<vmem>>, vector<1x128xf32>
    %mul3A = vector.broadcast %get3A_14 : vector<1x128xf32> to vector<2000x128xf32>
    %mul3A_15 = arith.mulf %max3A_11, %mul3A : vector<2000x128xf32>
    %get3A_16 = arith.constant 0 : index
    %get3A_17 = arith.constant 0 : index
    %get3A_18 = vector.load %arg5[%get3A_16, %get3A_17] : memref<1x128xf32, #tpu.memory_space<vmem>>, vector<1x128xf32>
    %add3A_19 = vector.broadcast %get3A_18 : vector<1x128xf32> to vector<2000x128xf32>
    %add3A_20 = arith.addf %mul3A_15, %add3A_19 : vector<2000x128xf32>
    %swap3A = arith.constant 0 : index
    %swap3A_21 = arith.constant 0 : index
    %swap3A_22 = vector.load %arg6[%swap3A, %swap3A_21] : memref<2000x128xf32, #tpu.memory_space<vmem>>, vector<2000x128xf32>
    tpu.vector_store %arg6[%swap3A, %swap3A_21], %add3A_20 {strides = array<i32>} : memref<2000x128xf32, #tpu.memory_space<vmem>>, vector<2000x128xf32>,
    return
  }
  func.func @transform_0(%arg0: i32) -> (i32, i32) {
    %c0_i32 = arith.constant 0 : i32
    %c0_i32_0 = arith.constant 0 : i32
    return %arg0, %c0_i32 : i32, i32
  }
  func.func @transform_1(%arg0: i32) -> (i32, i32) {
    %c0_i32 = arith.constant 0 : i32
    %c0_i32_0 = arith.constant 0 : i32
    %c0_i32_1 = arith.constant 0 : i32
    return %c0_i32, %c0_i32_0 : i32, i32
  }
  func.func @transform_2(%arg0: i32) -> (i32, i32) {
    %c0_i32 = arith.constant 0 : i32
    %c0_i32_0 = arith.constant 0 : i32
    %c0_i32_1 = arith.constant 0 : i32
    return %c0_i32, %c0_i32_0 : i32, i32
  }
  func.func @transform_3(%arg0: i32) -> (i32, i32) {
    %c0_i32 = arith.constant 0 : i32
    %c0_i32_0 = arith.constant 0 : i32
    %c0_i32_1 = arith.constant 0 : i32
    return %c0_i32, %c0_i32_0 : i32, i32
  }
  func.func @transform_4(%arg0: i32) -> (i32, i32) {
    %c0_i32 = arith.constant 0 : i32
    %c0_i32_0 = arith.constant 0 : i32
    %c0_i32_1 = arith.constant 0 : i32
    return %c0_i32, %c0_i32_0 : i32, i32
  }
  func.func @transform_5(%arg0: i32) -> (i32, i32) {
    %c0_i32 = arith.constant 0 : i32
    %c0_i32_0 = arith.constant 0 : i32
    return %arg0, %c0_i32 : i32, i32
  }
}

</mosaic_0001>

<sc_bundles>
// kernel: kernel.11.cloned.1.call-start
scs
__scs_entry_jumppad:
0x0: {  	(pc) =	sbr.rel $0x88, $3  }
0x1: {  	(tag) =	ssettag $0x0;
	lr =	simm.s32 $0x1  }
0x2: {  	[smem:$0x3F93] =	sst lr;
	_ =	strace $0xD0000000  }
0x3: {  	_ = 	snop  }
0x4: {  	_ = 	snop  }
0x5: {  	_ = 	snop  }
0x6: {  	_ = 	snop  }
0x7: {  	_ = 	snop  }
__scs_overlays_trampoline_lowered:
0x8: {  	[smem:$0x3FA2] =	sst s0  }
0x9: {  	[smem:$0x3FA3] =	sst s1  }
0xa: {  	[smem:$0x3FA4] =	sst s2  }
0xb: {  	[smem:$0x3FA5] =	sst s3  }
0xc: {  	[smem:$0x3FA6] =	sst s4  }
0xd: {  	[smem:$0x3FA7] =	sst s5  }
0xe: {  	[smem:$0x3FA8] =	sst s6  }
0xf: {  	[smem:$0x3FA9] =	sst s7  }
0x10: {  	[smem:$0x3FAA] =	sst s8  }
0x11: {  	[smem:$0x3FAB] =	sst s9;
	s0 =	simm.s32 @!p0 $0x0  }
0x12: {  	s1 =	sld [smem:$0x3F91];
	s0 =	simm.s32 @p0 $0x1  }
0x13: {  	[smem:$0x3FAC] =	sst s0;
	s0 =	simm.s32 @!p1 $0x0  }
0x14: {  	s2 =	sld [smem:$0x3F90];
	s0 =	simm.s32 @p1 $0x1  }
0x15: {  	[smem:$0x3FAD] =	sst s0;
	s0 =	simm.s32 @!p2 $0x0  }
0x16: {  	s3 =	sld [smem:$0x3FDB];
	s0 =	simm.s32 @p2 $0x1  }
0x17: {  	s4 =	simm.s32 $0x1BF5;
	[smem:$0x3FAF] =	sst s0  }
0x18: {  	s0 =	sld [smem:$0x3F92];
	_ =	swait.ge [sflag:s4], $0x0  }
0x19: {  	s7 =	sld [smem:$0x3F93]  }
0x1a: {  	s8 =	sadd.s32 $0xFFFFE003, lr  }
0x1b: {  	s9 =	sadd.s32 $0xFFFFFEF7, lr;
	s5 =	simm.s32 $0xFFFFFFFF;
	p2 =	slt.u32 s8, $0xFFFFF086  }
0x1c: {  	p1 =	slt.u32 s9, $0xF7A;
	s5 =	simm.s32 @!p2 $0x0  }
0x1d: {  	s5 =	simm.s32 @p1 $0x1;
	p0 =	seq.s32 s7, s2  }
0x1e: {  	s7 =	smul.u32 @!p0 $0xF7A, s2;
	p2 =	seq.s32 @!p0 s5, $0x0  }
0x1f: {  	s9 =	smul.u32 $0xF7A, s1;
	s8 =	simm.s32 @!p0 $0x1BF5;
	p2 =	por !p2, p0  }
0x20: {  	[sflag:s8] =	ssyncset.s32 @!p0 $0xFFFFF086;
	s6 =	sadd.s32 @!p0 s3, s7;
	s7 =	simm.s32 @!p0 $0x108  }
0x21: {  	s3 =	sadd.s32 s3, s9;
	s6 =	sadd.s32 @!p0 $0x88, s6;
	s7 =	simm.s32 @p2 $0x1082  }
0x22: {  	[simem:s7], [sflag:s8] =	dma.local @!p0 [hbm:s6], $0xF7A  }
0x23: {  	s9 =	sor.u32 $0xD0000000, s2;
	s6 =	simm.s32 $0x108;
	_ =	swait.ge @!p0 [sflag:s8], $0x0  }
0x24: {  	s3 =	sadd.s32 $0x88, s3;
	s6 =	simm.s32 @!p1 $0x1082;
	[sflag:s4] =	ssyncset.s32 $0xFFFFF086  }
0x25: {  	[simem:s6], [sflag:s4] =	dma.local [hbm:s3], $0xF7A  }
0x26: {  	[smem:$0x3F93] =	sst s1;
	(tag) =	ssettag s2;
	_ =	strace s9  }
0x27: {  	s1 =	sld [smem:$0x3FA3]  }
0x28: {  	s2 =	sld [smem:$0x3FA4]  }
0x29: {  	s4 =	sld [smem:$0x3FA6]  }
0x2a: {  	p0 =	seq.s32 s5, $0x0;
	s5 =	sld [smem:$0x3FA7]  }
0x2b: {  	s6 =	sld [smem:$0x3FA8]  }
0x2c: {  	s7 =	sld [smem:$0x3FA9]  }
0x2d: {  	s3 =	simm.s32 $0x108;
	s8 =	sld [smem:$0x3FAA]  }
0x2e: {  	s3 =	simm.s32 @!p0 $0x1082;
	s9 =	sld [smem:$0x3FAB]  }
0x2f: {  	lr =	sadd.s32 s0, s3;
	s0 =	sld [smem:$0x3FA2]  }
0x30: {  	s3 =	sld [smem:$0x3FA5]  }
0x31: {  	[smem:$0x3FAE] =	sst s10  }
0x32: {  	s10 =	sld [smem:$0x3FAC];
	_ =	sdelay $0x3  }
0x33: {  	p0 =	seq.s32 s10, $0x1;
	s10 =	sld [smem:$0x3FAE];
	_ =	sdelay $0x3  }
0x34: {  	[smem:$0x3FAE] =	sst s10  }
0x35: {  	s10 =	sld [smem:$0x3FAD];
	_ =	sdelay $0x3  }
0x36: {  	p1 =	seq.s32 s10, $0x1;
	s10 =	sld [smem:$0x3FAE];
	_ =	sdelay $0x3  }
0x37: {  	[smem:$0x3FAE] =	sst s10  }
0x38: {  	s10 =	sld [smem:$0x3FAF]  }
0x39: {  	_ = 	snop;
	(pc) =	sbr.ind lr, $3  }
0x3a: {  	_ = 	snop  }
0x3b: {  	_ = 	snop  }
0x3c: {  	p2 =	seq.s32 s10, $0x1;
	s10 =	sld [smem:$0x3FAE]  }
0x3d: {  	_ =	shalt  }
0x3e: {  	_ =	shalt  }
0x3f: {  	_ =	shalt  }
0x40: {  	_ =	shalt  }
0x41: {  	_ =	shalt  }
0x42: {  	_ =	shalt  }
0x43: {  	_ =	shalt  }
0x44: {  	_ =	shalt  }
0x45: {  	_ =	shalt  }
0x46: {  	_ =	shalt  }
0x47: {  	_ =	shalt  }
0x48: {  	_ =	shalt  }
0x49: {  	_ =	shalt  }
0x4a: {  	_ =	shalt  }
0x4b: {  	_ =	shalt  }
0x4c: {  	_ =	shalt  }
0x4d: {  	_ =	shalt  }
0x4e: {  	_ =	shalt  }
0x4f: {  	_ =	shalt  }
0x50: {  	_ =	shalt  }
0x51: {  	_ =	shalt  }
0x52: {  	_ =	shalt  }
0x53: {  	_ =	shalt  }
0x54: {  	_ =	shalt  }
0x55: {  	_ =	shalt  }
0x56: {  	_ =	shalt  }
0x57: {  	_ =	shalt  }
0x58: {  	_ =	shalt  }
0x59: {  	_ =	shalt  }
0x5a: {  	_ =	shalt  }
0x5b: {  	_ =	shalt  }
0x5c: {  	_ =	shalt  }
0x5d: {  	_ =	shalt  }
0x5e: {  	_ =	shalt  }
0x5f: {  	_ =	shalt  }
0x60: {  	_ =	shalt  }
0x61: {  	_ =	shalt  }
0x62: {  	_ =	shalt  }
0x63: {  	_ =	shalt  }
0x64: {  	_ =	shalt  }
0x65: {  	_ =	shalt  }
0x66: {  	_ =	shalt  }
0x67: {  	_ =	shalt  }
0x68: {  	_ =	shalt  }
0x69: {  	_ =	shalt  }
0x6a: {  	_ =	shalt  }
0x6b: {  	_ =	shalt  }
0x6c: {  	_ =	shalt  }
0x6d: {  	_ =	shalt  }
0x6e: {  	_ =	shalt  }
0x6f: {  	_ =	shalt  }
0x70: {  	_ =	shalt  }
0x71: {  	_ =	shalt  }
0x72: {  	_ =	shalt  }
0x73: {  	_ =	shalt  }
0x74: {  	_ =	shalt  }
0x75: {  	_ =	shalt  }
0x76: {  	_ =	shalt  }
0x77: {  	_ =	shalt  }
0x78: {  	_ =	shalt  }
0x79: {  	_ =	shalt  }
0x7a: {  	_ =	shalt  }
0x7b: {  	_ =	shalt  }
0x7c: {  	_ =	shalt  }
0x7d: {  	_ =	shalt  }
0x7e: {  	_ =	shalt  }
0x7f: {  	_ =	shalt  }
0x80: {  	_ =	shalt  }
0x81: {  	_ =	shalt  }
0x82: {  	_ =	shalt  }
0x83: {  	_ =	shalt  }
0x84: {  	_ =	shalt  }
0x85: {  	_ =	shalt  }
0x86: {  	_ =	shalt  }
0x87: {  	_ =	shalt  }
.Lfunc_end0:
.L_simem_size_0:
called_computation.1_lowered:
.L_overlay_start_0:
0x88: {  	s2 =	sld [smem:$0x3FD9]  }
0x89: {  	s3 =	sld [smem:$0x3FFE];
	_ =	sdelay $0x1  }
0x8a: {  	s1 =	srdreg.scid  }
0x8b: {  	s0 =	sand.u32 $0x1, s1  }
0x8c: {  	s17 =	sshll.u32 s0, $0xA;
	s2 =	sadd.s32 s3, s2  }
0x8d: {  	s2 =	sadd.s32 s2, s17  }
0x8e: {  	[smem:$0x3FBA] =	sst s2  }
0x8f: {  	_ = 	snop  }
0x90: {  	(tm) =	ssettm $0x1  }
0x91: {  	s18 =	sld [smem:$0x3FFB];
	_ =	sdelay $0x3  }
0x92: {  	_ =	strace s18  }
0x93: {  	s2 =	sld [smem:$0x3FFC];
	_ =	sdelay $0x3  }
0x94: {  	_ =	strace s2  }
0x95: {  	s2 =	sld [smem:$0x3FFD];
	_ =	sdelay $0x3  }
0x96: {  	_ =	strace s2  }
0x97: {  	_ =	strace $0x8FFFFFFF  }
0x98: {  	s19 =	sld [smem:$0x3FDB];
	_ =	sdelay $0x1  }
0x99: {  	s20 =	simm.s32 $_scs_section_size  }
0x9a: {  	s4 =	simm.s32 $_size__tile_overlayer_lowered;
	s5 =	simm.s32 $_tile_overlayer_lowered  }
0x9b: {  	s6 =	simm.s32 $0x1BFF;
	s21 =	sshll.u32 s5, $0x1;
	s3 =	sadd.s32 s20, s19  }
0x9c: {  	s22 =	simm.s32 $0x0;
	s4 =	sshll.u32 s4, $0x1;
	s5 =	sadd.s32 s21, s3  }
0x9d: {  	[timem:s22], [sflag:s6] =	dma.local [hbm:s5], s4  }
0x9e: {  	_ =	swait.ge [sflag:s6], s4  }
0x9f: {  	s4 =	ssub.s32 $0x0, s4;
	[sflag:s6] =	ssyncset.done $0x0  }
0xa0: {  	[sflag:s6] =	ssyncadd.s32 s4;
	_ =	sdelay $0x1  }
0xa1: {  	s23 =	simm.s32 $0x1B8B  }
0xa2: {  	_ =	swait.ge [sflag:s23], $0x1  }
0xa3: {  	[sflag:s23] =	ssyncset.done $0x0  }
0xa4: {  	[sflag:s23] =	ssyncadd.s32 $0xFFFFFFFF  }
0xa5: {  	s4 =	sld [smem:$0x0]  }
0xa6: {  	s5 =	sand.u32 $0xFFFFFFFE, s1  }
0xa7: {  	p0 =	sne.s32 s1, s5  }
0xa8: {  	s5 =	sshll.u32 @p0 s5, $0xE  }
0xa9: {  	s5 =	sadd.s32 @p0 $0x11B8D, s5;
	s6 =	sshll.u32 @p0 s4, $0x11  }
0xaa: {  	s5 =	sor.u32 @p0 s6, s5  }
0xab: {  	[sflag:s5] =	ssyncadd.remote.s32 @p0 $0x1;
	_ =	sdelay $0x1  }
0xac: {  	s5 =	simm.s32 @p0 $0x1B8D  }
0xad: {  	_ =	swait.eq @p0 [sflag:s5], $0x1  }
0xae: {  	[sflag:s5] =	ssyncadd.s32 @p0 $0xFFFFFFFF  }
0xaf: {  	s6 =	sshll.u32 @!p0 s1, $0xE  }
0xb0: {  	s6 =	sor.u32 @!p0 $0x4000, s6;
	s5 =	simm.s32 @!p0 $0x1B8D  }
0xb1: {  	s4 =	sshll.u32 @!p0 s4, $0x11;
	s6 =	sadd.s32 @!p0 $0x11B8D, s6;
	_ =	swait.eq @!p0 [sflag:s5], $0x1  }
0xb2: {  	s4 =	sor.u32 @!p0 s4, s6;
	[sflag:s5] =	ssyncadd.s32 @!p0 $0xFFFFFFFF  }
0xb3: {  	s25 =	simm.s32 $0x1B8E;
	s24 =	sld [smem:$0x3FFE];
	[sflag:s4] =	ssyncadd.remote.s32 @!p0 $0x1  }
0xb4: {  	s26 =	simm.s32 $execute0_lowered;
	[smem:$0x3FD2] =	sst s25  }
0xb5: {  	s5 =	sshll.u32 s26, $0x1;
	_ =	strace $0x80000054;
	[dreg:$0x1] =	wrdreg $0xFFFFFFFF  }
0xb6: {  	s28 =	simm.s32 $_size_execute0_lowered;
	s3 =	sadd.s32 s3, s5;
	[dreg:$0x0] =	wrdreg $0x0  }
0xb7: {  	s5 =	sshll.u32 s28, $0x1;
	[dreg:$0x2] =	wrdreg s3  }
0xb8: {  	[dreg:$0x3] =	wrdreg s5  }
0xb9: {  	[dreg:$0x4] =	wrdreg $0xC0  }
0xba: {  	_ =	task [dreg:s22], $0x5FFFF  }
0xbb: {  	[dreg:$0x1] =	wrdreg $0xFFFFFFFF  }
0xbc: {  	[dreg:$0x0] =	wrdreg $0x60  }
0xbd: {  	[dreg:$0x2] =	wrdreg s24  }
0xbe: {  	[dreg:$0x3] =	wrdreg $0xA  }
0xbf: {  	_ =	task.clear_ibuf [dreg:s22], $0x4FFFF;
	_ =	strace $0x90000054  }
0xc0: {  	s29 =	simm.s32 $0xA;
	_ =	strace $0x80000056  }
0xc1: {  	_ =	swait.ge [sflag:s29], $0x1  }
0xc2: {  	[sflag:s29] =	ssyncadd.s32 $0xFFFFFFFF  }
0xc3: {  	_ =	strace $0x90000056  }
0xc4: {  	_ =	sfence  }
0xc5: {  	s30 =	sld [smem:$0x0];
	_ =	sdelay $0x2  }
0xc6: {  	s31 =	sshll.u32 s1, $0xD;
	s1 =	sshrl.u32 s1, $0x2  }
0xc7: {  	s4 =	sand.u32 $0x4000, s31;
	s1 =	sadd.s32 s1, s30  }
0xc8: {  	s0 =	sor.u32 s4, s0;
	s1 =	sshll.u32 s1, $0x11  }
0xc9: {  	s0 =	sor.u32 s1, s0  }
0xca: {  	s0 =	sadd.s32 $0x8F2B, s0  }
0xcb: {  	[sflag:s0] =	ssyncadd.remote.s32 $0x1  }
0xcc: {  	_ =	sfence.sel $0xFFFF  }
0xcd: {  	[dreg:$0x0] =	wrdreg $0xFFFFFFFF;
	(pc) =	sbr.abs _section_cstart, $3  }
0xce: {  	[dreg:$0x1] =	wrdreg $0xFFFFFFFF  }
0xcf: {  	_ =	task.clear_ibuf [dreg:s22], $0x2FFFF;
	_ =	strace $0x9FFFFFFF  }
0xd0: {  	(tm) =	ssettm $0x7FFFFFFF  }
0xd1: {  	_ =	shalt  }
tec
execute0_lowered:
.L_overlay_start_1:
0x0: {  	(tag) =	ssettag $0x1  }
0x1: {  	s4 =	rddreg [dreg:$0x0]  }
0x2: {  	s0 =	rddreg [dreg:$0x1]  }
0x3: {  	s3 =	srdreg.scid;
	s1 =	stileid.u32  }
0x4: {  	s2 =	simm.s32 $0x0;
	s11 =	simm.s32 $0x1900;
	s12 =	simm.s32 $0x0  }
0x5: {  	s5 =	sand.u32 $0x1, s3;
	s29 =	sshll.u32 s1, $0x1;
	s7 =	sshrl.u32 s1, $0x2  }
0x6: {  	v0 =	vlaneseq.u32;
	[smem:$0x7FF] =	sst s2;
	s6 =	sor.u32 s5, s29;
	s9 =	smul.u32 $0x28C800, s7  }
0x7: {  	s3 =	sadd.s32 $0x3400, s4;
	v1 =	vmul.u32 $0x8, v0;
	_ =	strace $0x80000055;
	s8 =	smul.u32 $0x140, s6  }
0x8: {  	s7 =	sshll.u32 s7, $0xA;
	s5 =	ssub.s32 $0x2, s5;
	s6 =	sshll.u32 s6, $0x7  }
0x9: {  	s31 =	sshrl.u32 s5, $0x1;
	v4 =	vor.u32 $0x1, v1;
	v5 =	vor.u32 $0x2, v1;
	s6 =	sand.u32 $0x380, s6;
	s10 =	sadd.s32 $0x140, s8  }
.Ltmp0:
0xa: {  	v6 =	vor.u32 $0x3, v1;
	v7 =	vor.u32 $0x4, v1;
	v8 =	vor.u32 $0x5, v1;
	s9 =	sor.u32 s9, s6;
	s6 =	sor.u32 s7, s6;
	(pc) =	sbr.rel .LBB2_1-.Ltmp0, $4  }
0xb: {  	v9 =	vor.u32 $0x6, v1;
	v10 =	vor.u32 $0x7, v1;
	v11 =	vadd.s32 $0x8, v1;
	s30 =	sshrl.u32 s9, $0x3;
	s6 =	sshrl.u32 s6, $0x3;
	s9 =	simm.s32 $0x400  }
0xc: {  	v12 =	vadd.s32 $0x9, v1;
	v13 =	vadd.s32 $0xA, v1;
	v3 =	vmov s10;
	s10 =	simm.s32 $0x800;
	s7 =	sadd.s32 s30, s4;
	s6 =	sadd.s32 s6, s4  }
0xd: {  	v14 =	vadd.s32 $0xB, v1;
	v15 =	vadd.s32 $0xC, v1;
	v2 =	vmov s8;
	s8 =	ssub.s32 s5, s31;
	s4 =	sadd.s32 $0xA5EA00, s7;
	s5 =	sadd.s32 $0xBA4E00, s6  }
0xe: {  	v16 =	vadd.s32 $0xD, v1;
	v17 =	vadd.s32 $0xE, v1;
	v18 =	vadd.s32 $0xF, v1;
	s6 =	smax.u32 s8, $0x1;
	s7 =	simm.s32 $0x1;
	s8 =	simm.s32 $0x80  }
.LBB2_11:
0xf: {  	s17 =	simm.s32 $0x800  }
.LBB2_16:
0x10: {  	_ =	sdelay $0x2  }
0x11: {  	s16 =	sand.u32 $0xFFFFFFF0, s19;
	[tilespmem:s17+$0x0] =	vst @p0 v19  }
0x12: {  	v19 =	vld [tilespmem:s16+$0x1000];
	_ =	sdelay $0x2  }
0x13: {  	s16 =	sadd.s32 @p0 $0x10, s17  }
0x14: {  	s15 =	smov.u32 @p0 s16  }
0x15: {  	[tilespmem:s15+$0x0] =	vst v19  }
.LBB2_17:
0x16: {  	s13 =	sadd.s32 s13, s14;
	s12 =	sadd.s32 $0x1, s12  }
0x17: {  	v19 =	vmov s13;
	p0 =	sne.s32 s12, s6  }
.Ltmp1:
0x18: {  	[tilespmem:$0x1900] =	vst v19;
	(pc) =	sbr.rel @!p0 .LBB2_18-.Ltmp1, $4  }
0x19: {  	[hbm4b:s5+s2] =	stream.linear.scatter [tilespmem:s11], [sflag:$0x1], $0x10, $0x38;
	[tilespmem:$0x1980] =	vst v63  }
0x1a: {  	_ =	swait.ge [sflag:s7], $0x10  }
0x1b: {  	[sflag:s7] =	ssyncset.done $0x0  }
0x1c: {  	[sflag:s7] =	ssyncadd.s32 $0xFFFFFFF0  }
.LBB2_1:
.Ltmp2:
0x1d: {  	(pc) =	sbr.rel .LBB2_2-.Ltmp2, $3  }
0x1e: {  	_ =	sdelay $0x1  }
0x1f: {  	s15 =	simm.s32 $0x0  }
0x20: {  	s14 =	simm.s32 $0x0;
	s13 =	simm.s32 $0x0;
	s16 =	simm.s32 $0x0  }
.LBB2_7:
0x21: {  	[tilespmem:s17+$0x0] =	vst v19  }
.LBB2_8:
0x22: {  	s16 =	sadd.s32 $0x1, s16  }
0x23: {  	p1 =	sne.s32 s16, $0xA2  }
.Ltmp3:
0x24: {  	_ = 	snop;
	(pc) =	sbr.rel @!p1 .LBB2_9-.Ltmp3, $4  }
0x25: {  	_ = 	snop  }
0x26: {  	p0 =	sgt.s32 s13, $0x7FF;
	s17 =	simm.s32 $0x1  }
0x27: {  	s18 =	sadd.s32 $0xFFFFF800, s13;
	s17 =	simm.s32 @!p0 $0x0  }
0x28: {  	s15 =	sadd.s32 $0x800, s15;
	s13 =	smov.u32 @p0 s18;
	s14 =	sadd.s32 s17, s14  }
.LBB2_2:
0x29: {  	s17 =	sshll.u32 s16, $0x8  }
0x2a: {  	s18 =	simm.s32 $0x0;
	s17 =	sadd.s32 s3, s17  }
0x2b: {  	[tilespmem:s18], [sflag:$0x1] =	stream.linear.gather [hbm4b:s17+s18], $0x800, $0x38;
	[tilespmem:$0x1980] =	vst v63  }
0x2c: {  	_ =	swait.ge [sflag:s7], $0x800  }
0x2d: {  	[sflag:s7] =	ssyncset.done $0x0  }
0x2e: {  	s31 =	simm.s32 $0x0;
	[sflag:s7] =	ssyncadd.s32 $0xFFFFF800  }
0x2f: {  	v19 =	vld [tilespmem:s31+$0x0];
	_ =	sdelay $0x4  }
0x30: {  	vm0 =	vge.s32 v19, v2;
	vm1 =	vlt.s32 v19, v3  }
0x31: {  	vm0 =	vmand vm0, vm1  }
0x32: {  	v19 =	vmpcnt.ones.xlane vm0;
	_ =	sdelay $0x1  }
0x33: {  	(v2sf) =	vpush v19, $0x0;
	_ =	sdelay $0x4  }
0x34: {  	v20 =	vor.u32 s15, v0  }
0x35: {  	s19 =	simm.s32 $0x10;
	s18 =	simm.s32 $0x80;
	s17 =	smov.u32 s15;
	[tilespmem:s13+$0x800] =	vst.msk vm0, v20  }
.LBB2_3:
0x36: {  	p0 =	sne.s32 s18, $0x1FC0;
	v19 =	vld [tilespmem:s19+$0x0];
	_ =	sdelay $0x4  }
0x37: {  	vm0 =	vge.s32 v19, v2;
	vm1 =	vlt.s32 v19, v3  }
0x38: {  	vm0 =	vmand vm0, vm1  }
0x39: {  	v19 =	vmpcnt.ones.xlane vm0  }
0x3a: {  	s17 =	sadd.s32 $0x10, s17;
	s19 =	spop (v2sf)  }
0x3b: {  	v20 =	vor.u32 s17, v0;
	(v2sf) =	vpush v19, $0x0;
	s13 =	sadd.s32 s13, s19  }
0x3c: {  	[tilespmem:s13+$0x800] =	vst.msk vm0, v20  }
.Ltmp4:
0x3d: {  	(pc) =	sbr.rel @p0 .LBB2_3-.Ltmp4, $2  }
0x3e: {  	_ =	sdelay $0x2  }
0x3f: {  	s19 =	sshra.s32 s18, $0x2;
	s18 =	sadd.s32 $0x40, s18  }
0x40: {  	v19 =	vld [tilespmem:s19+$0x0];
	_ =	sdelay $0x4  }
0x41: {  	vm0 =	vge.s32 v19, v2;
	vm1 =	vlt.s32 v19, v3  }
0x42: {  	vm0 =	vmand vm0, vm1  }
0x43: {  	v19 =	vmpcnt.ones.xlane vm0;
	_ =	sdelay $0x1  }
0x44: {  	(v2sf) =	vpush v19, $0x0;
	_ =	sdelay $0xd  }
0x45: {  	s18 =	spop (v2sf)  }
0x46: {  	s18 =	sadd.s32 s13, s18;
	s31 =	spop (v2sf)  }
0x47: {  	s13 =	sadd.s32 s18, s31  }
0x48: {  	s17 =	sadd.s32 $0x10, s17;
	p0 =	slt.s32 s13, $0x800  }
0x49: {  	v19 =	vor.u32 s17, v0;
	s19 =	sshll.u32 @!p0 s14, $0xB  }
0x4a: {  	[tilespmem:s18+$0x800] =	vst.msk vm0, v19;
	s18 =	simm.s32 @!p0 $0x80;
	s19 =	sand.u32 @!p0 $0x1FFFF800, s19  }
0x4b: {  	s20 =	simm.s32 @!p0 $0x400;
	s17 =	simm.s32 @!p0 $0x800;
	s19 =	sadd.s32 @!p0 s19, s4  }
0x4c: {  	[hbm4b:s19+s18] =	stream.strided.scatter @!p0 [tilespmem:s17], [sflag:$0x1], $0x800, s20, s18, $0x38;
	[tilespmem:$0x1980] =	vst v63  }
0x4d: {  	s18 =	sadd.s32 @!p0 $0xFFFFF80F, s13  }
0x4e: {  	s18 =	sshrl.u32 @!p0 s18, $0x4  }
0x4f: {  	p1 =	seq.s32 @!p0 s18, $0x0  }
0x50: {  	p1 =	por p0, p1  }
.Ltmp5:
0x51: {  	_ = 	snop;
	(pc) =	sbr.rel @p1 .LBB2_8-.Ltmp5, $4  }
0x52: {  	s19 =	simm.s32 @!p0 $0x1  }
0x53: {  	_ =	swait.ge @!p0 [sflag:s19], $0x800  }
0x54: {  	[sflag:s19] =	ssyncset.done @!p0 $0x0  }
0x55: {  	[sflag:s19] =	ssyncadd.s32 @!p0 $0xFFFFF800;
	s19 =	simm.s32 @!p0 $0x0  }
0x56: {  	s20 =	sand.u32 $0xFFFFFFF0, s19;
	p0 =	sne.s32 s18, $0x1  }
.Ltmp6:
0x57: {  	v19 =	vld [tilespmem:s20+$0x1000];
	(pc) =	sbr.rel @!p0 .LBB2_7-.Ltmp6, $2  }
0x58: {  	_ =	sdelay $0x2  }
0x59: {  	s18 =	sadd.s32 $0xFFFFFFFF, s18;
	s19 =	sadd.s32 $0x10, s19  }
.LBB2_6:
0x5a: {  	s20 =	sand.u32 $0xFFFFFFF0, s19;
	p0 =	sne.s32 s18, $0x1;
	s18 =	sadd.s32 $0xFFFFFFFF, s18;
	[tilespmem:s17+$0x0] =	vst v19  }
.Ltmp7:
0x5b: {  	v19 =	vld [tilespmem:s20+$0x1000];
	(pc) =	sbr.rel @p0 .LBB2_6-.Ltmp7, $2  }
0x5c: {  	_ =	sdelay $0x2  }
0x5d: {  	s19 =	sadd.s32 $0x10, s19;
	s17 =	sadd.s32 $0x10, s17  }
.Ltmp8:
0x5e: {  	_ = 	snop;
	(pc) =	sbr.rel .LBB2_7-.Ltmp8, $1  }
0x5f: {  	_ =	sdelay $0x3  }
.LBB2_9:
0x60: {  	[tilespmem:s13+$0x800] =	vst v1  }
0x61: {  	[tilespmem:s13+$0x810] =	vst v4  }
0x62: {  	[tilespmem:s13+$0x820] =	vst v5  }
0x63: {  	[tilespmem:s13+$0x830] =	vst v6  }
0x64: {  	[tilespmem:s13+$0x840] =	vst v7  }
0x65: {  	[tilespmem:s13+$0x850] =	vst v8  }
0x66: {  	[tilespmem:s13+$0x860] =	vst v9  }
0x67: {  	[tilespmem:s13+$0x870] =	vst v10  }
0x68: {  	[tilespmem:s13+$0x880] =	vst v11  }
0x69: {  	[tilespmem:s13+$0x890] =	vst v12  }
0x6a: {  	[tilespmem:s13+$0x8A0] =	vst v13  }
0x6b: {  	[tilespmem:s13+$0x8B0] =	vst v14  }
0x6c: {  	[tilespmem:s13+$0x8C0] =	vst v15  }
0x6d: {  	[tilespmem:s13+$0x8D0] =	vst v16  }
0x6e: {  	[tilespmem:s13+$0x8E0] =	vst v17;
	s15 =	sadd.s32 $0xFF, s13  }
0x6f: {  	[tilespmem:s13+$0x8F0] =	vst v18;
	s13 =	sand.u32 $0xFFFFFF00, s15  }
0x70: {  	s15 =	sadd.s32 $0xFFFFF80F, s13  }
0x71: {  	p0 =	sgt.s32 s15, $0x0  }
0x72: {  	s15 =	simm.s32 @!p0 $0x0  }
0x73: {  	s14 =	sshll.u32 s14, $0xB;
	s15 =	sshrl.u32 s15, $0x4  }
0x74: {  	s16 =	sand.u32 $0x1FFFF800, s14;
	p0 =	seq.s32 s15, $0x0  }
.Ltmp9:
0x75: {  	s31 =	sadd.s32 s16, s4;
	(pc) =	sbr.rel @p0 .LBB2_17-.Ltmp9, $4  }
0x76: {  	[hbm4b:s31+s8] =	stream.strided.scatter [tilespmem:s10], [sflag:$0x1], $0x800, s9, s8, $0x38;
	[tilespmem:$0x1980] =	vst v63  }
0x77: {  	_ =	swait.ge [sflag:s7], $0x800  }
0x78: {  	[sflag:s7] =	ssyncset.done $0x0  }
0x79: {  	[sflag:s7] =	ssyncadd.s32 $0xFFFFF800  }
0x7a: {  	s16 =	sshll.u32 s15, $0x4  }
0x7b: {  	p1 =	sne.s32 s16, $0x10  }
.Ltmp10:
0x7c: {  	_ = 	snop;
	(pc) =	sbr.rel @!p1 .LBB2_11-.Ltmp10, $3  }
0x7d: {  	_ =	sdelay $0x1  }
0x7e: {  	s19 =	simm.s32 $0x0  }
0x7f: {  	s15 =	simm.s32 $0x800;
	s18 =	simm.s32 $0x10;
	p0 =	por $0x0, $0x0  }
0x80: {  	p1 =	sne.s32 s16, $0x20  }
.Ltmp11:
0x81: {  	_ = 	snop;
	(pc) =	sbr.rel @!p1 .LBB2_13-.Ltmp11, $4  }
0x82: {  	_ = 	snop  }
0x83: {  	s17 =	sand.u32 $0xFFFFFFF0, s19  }
0x84: {  	v19 =	vld [tilespmem:s17+$0x1000]  }
0x85: {  	s19 =	simm.s32 $0x20;
	p0 =	por $0x1, $0x1;
	s17 =	simm.s32 $0x800  }
.LBB2_14:
0x86: {  	s20 =	sand.u32 $0xFFFFFFF0, s18;
	s18 =	smov.u32 s19;
	s19 =	sadd.s32 $0x10, s19  }
0x87: {  	p1 =	sne.s32 s16, s19  }
.Ltmp12:
0x88: {  	_ = 	snop;
	(pc) =	sbr.rel @p1 .LBB2_14-.Ltmp12, $3  }
0x89: {  	_ =	sdelay $0x1  }
0x8a: {  	[tilespmem:s17+$0x0] =	vst v19;
	s17 =	sadd.s32 $0x10, s17  }
0x8b: {  	v19 =	vld [tilespmem:s20+$0x1000]  }
.Ltmp13:
0x8c: {  	(pc) =	sbr.rel .LBB2_16-.Ltmp13, $2  }
0x8d: {  	_ =	sdelay $0x2  }
0x8e: {  	s19 =	smov.u32 s18  }
.LBB2_13:
.Ltmp14:
0x8f: {  	(pc) =	sbr.rel .LBB2_16-.Ltmp14, $2  }
0x90: {  	_ =	sdelay $0x2  }
0x91: {  	s19 =	simm.s32 $0x10;
	s17 =	simm.s32 $0x800  }
.LBB2_18:
0x92: {  	_ =	sfence.sel $0x180000  }
0x93: {  	[bflag:$0x0] =	sbarrier.arrive $0xFFFF  }
0x94: {  	p0 =	sne.s32 s1, $0x0;
	_ =	strace $0x90000055  }
0x95: {  	s0 =	sadd.s32 @!p0 $0x100000, s0;
	[bflag:$0x2] =	sbarrier.arrive $0xFFFF  }
0x96: {  	[sflag:s0] =	ssyncadd.tile.s32 @!p0 $0x1;
	_ =	shalt  }
.Lfunc_end2:
_tile_overlayer_lowered:
.L_overlay_start_2:
0x97: {  	(tag) =	ssettag $0x2  }
0x98: {  	s0 =	rddreg [dreg:$0x0];
	s2 =	stileid.u32  }
0x99: {  	s1 =	rddreg [dreg:$0x1];
	p0 =	sne.s32 s2, $0x0  }
0x9a: {  	s3 =	rddreg [dreg:$0x2];
	[bflag:$0x3] =	sbarrier.arrive $0xFFFF;
	s2 =	simm.s32 @!p0 $0x1C01  }
0x9b: {  	[timem:s3], [sflag:s2] =	dma.local @!p0 [hbm:s0], s1  }
0x9c: {  	s0 =	simm.s32 @!p0 $0x1  }
0x9d: {  	_ =	swait.ge @!p0 [sflag:s0], s1  }
0x9e: {  	s1 =	ssub.s32 @!p0 $0x0, s1;
	[sflag:s0] =	ssyncset.done @!p0 $0x0  }
0x9f: {  	[sflag:s0] =	ssyncadd.s32 @!p0 s1  }
0xa0: {  	[bflag:$0x3] =	sbarrier.arrive $0xFFFF  }
0xa1: {  	_ =	shalt  }

// kernel: kernel.14.cloned.1.call-start
scs
__scs_entry_jumppad:
0x0: {  	(pc) =	sbr.rel $0x88, $3  }
0x1: {  	(tag) =	ssettag $0x0;
	lr =	simm.s32 $0x1  }
0x2: {  	[smem:$0x3F93] =	sst lr;
	_ =	strace $0xD0000000  }
0x3: {  	_ = 	snop  }
0x4: {  	_ = 	snop  }
0x5: {  	_ = 	snop  }
0x6: {  	_ = 	snop  }
0x7: {  	_ = 	snop  }
__scs_overlays_trampoline_lowered:
0x8: {  	[smem:$0x3FA2] =	sst s0  }
0x9: {  	[smem:$0x3FA3] =	sst s1  }
0xa: {  	[smem:$0x3FA4] =	sst s2  }
0xb: {  	[smem:$0x3FA5] =	sst s3  }
0xc: {  	[smem:$0x3FA6] =	sst s4  }
0xd: {  	[smem:$0x3FA7] =	sst s5  }
0xe: {  	[smem:$0x3FA8] =	sst s6  }
0xf: {  	[smem:$0x3FA9] =	sst s7  }
0x10: {  	[smem:$0x3FAA] =	sst s8  }
0x11: {  	[smem:$0x3FAB] =	sst s9;
	s0 =	simm.s32 @!p0 $0x0  }
0x12: {  	s1 =	sld [smem:$0x3F91];
	s0 =	simm.s32 @p0 $0x1  }
0x13: {  	[smem:$0x3FAC] =	sst s0;
	s0 =	simm.s32 @!p1 $0x0  }
0x14: {  	s2 =	sld [smem:$0x3F90];
	s0 =	simm.s32 @p1 $0x1  }
0x15: {  	[smem:$0x3FAD] =	sst s0;
	s0 =	simm.s32 @!p2 $0x0  }
0x16: {  	s3 =	sld [smem:$0x3FDB];
	s0 =	simm.s32 @p2 $0x1  }
0x17: {  	s4 =	simm.s32 $0x1BF5;
	[smem:$0x3FAF] =	sst s0  }
0x18: {  	s0 =	sld [smem:$0x3F92];
	_ =	swait.ge [sflag:s4], $0x0  }
0x19: {  	s7 =	sld [smem:$0x3F93]  }
0x1a: {  	s8 =	sadd.s32 $0xFFFFE003, lr  }
0x1b: {  	s9 =	sadd.s32 $0xFFFFFEF7, lr;
	s5 =	simm.s32 $0xFFFFFFFF;
	p2 =	slt.u32 s8, $0xFFFFF086  }
0x1c: {  	p1 =	slt.u32 s9, $0xF7A;
	s5 =	simm.s32 @!p2 $0x0  }
0x1d: {  	s5 =	simm.s32 @p1 $0x1;
	p0 =	seq.s32 s7, s2  }
0x1e: {  	s7 =	smul.u32 @!p0 $0xF7A, s2;
	p2 =	seq.s32 @!p0 s5, $0x0  }
0x1f: {  	s9 =	smul.u32 $0xF7A, s1;
	s8 =	simm.s32 @!p0 $0x1BF5;
	p2 =	por !p2, p0  }
0x20: {  	[sflag:s8] =	ssyncset.s32 @!p0 $0xFFFFF086;
	s6 =	sadd.s32 @!p0 s3, s7;
	s7 =	simm.s32 @!p0 $0x108  }
0x21: {  	s3 =	sadd.s32 s3, s9;
	s6 =	sadd.s32 @!p0 $0x88, s6;
	s7 =	simm.s32 @p2 $0x1082  }
0x22: {  	[simem:s7], [sflag:s8] =	dma.local @!p0 [hbm:s6], $0xF7A  }
0x23: {  	s9 =	sor.u32 $0xD0000000, s2;
	s6 =	simm.s32 $0x108;
	_ =	swait.ge @!p0 [sflag:s8], $0x0  }
0x24: {  	s3 =	sadd.s32 $0x88, s3;
	s6 =	simm.s32 @!p1 $0x1082;
	[sflag:s4] =	ssyncset.s32 $0xFFFFF086  }
0x25: {  	[simem:s6], [sflag:s4] =	dma.local [hbm:s3], $0xF7A  }
0x26: {  	[smem:$0x3F93] =	sst s1;
	(tag) =	ssettag s2;
	_ =	strace s9  }
0x27: {  	s1 =	sld [smem:$0x3FA3]  }
0x28: {  	s2 =	sld [smem:$0x3FA4]  }
0x29: {  	s4 =	sld [smem:$0x3FA6]  }
0x2a: {  	p0 =	seq.s32 s5, $0x0;
	s5 =	sld [smem:$0x3FA7]  }
0x2b: {  	s6 =	sld [smem:$0x3FA8]  }
0x2c: {  	s7 =	sld [smem:$0x3FA9]  }
0x2d: {  	s3 =	simm.s32 $0x108;
	s8 =	sld [smem:$0x3FAA]  }
0x2e: {  	s3 =	simm.s32 @!p0 $0x1082;
	s9 =	sld [smem:$0x3FAB]  }
0x2f: {  	lr =	sadd.s32 s0, s3;
	s0 =	sld [smem:$0x3FA2]  }
0x30: {  	s3 =	sld [smem:$0x3FA5]  }
0x31: {  	[smem:$0x3FAE] =	sst s10  }
0x32: {  	s10 =	sld [smem:$0x3FAC];
	_ =	sdelay $0x3  }
0x33: {  	p0 =	seq.s32 s10, $0x1;
	s10 =	sld [smem:$0x3FAE];
	_ =	sdelay $0x3  }
0x34: {  	[smem:$0x3FAE] =	sst s10  }
0x35: {  	s10 =	sld [smem:$0x3FAD];
	_ =	sdelay $0x3  }
0x36: {  	p1 =	seq.s32 s10, $0x1;
	s10 =	sld [smem:$0x3FAE];
	_ =	sdelay $0x3  }
0x37: {  	[smem:$0x3FAE] =	sst s10  }
0x38: {  	s10 =	sld [smem:$0x3FAF]  }
0x39: {  	_ = 	snop;
	(pc) =	sbr.ind lr, $3  }
0x3a: {  	_ = 	snop  }
0x3b: {  	_ = 	snop  }
0x3c: {  	p2 =	seq.s32 s10, $0x1;
	s10 =	sld [smem:$0x3FAE]  }
0x3d: {  	_ =	shalt  }
0x3e: {  	_ =	shalt  }
0x3f: {  	_ =	shalt  }
0x40: {  	_ =	shalt  }
0x41: {  	_ =	shalt  }
0x42: {  	_ =	shalt  }
0x43: {  	_ =	shalt  }
0x44: {  	_ =	shalt  }
0x45: {  	_ =	shalt  }
0x46: {  	_ =	shalt  }
0x47: {  	_ =	shalt  }
0x48: {  	_ =	shalt  }
0x49: {  	_ =	shalt  }
0x4a: {  	_ =	shalt  }
0x4b: {  	_ =	shalt  }
0x4c: {  	_ =	shalt  }
0x4d: {  	_ =	shalt  }
0x4e: {  	_ =	shalt  }
0x4f: {  	_ =	shalt  }
0x50: {  	_ =	shalt  }
0x51: {  	_ =	shalt  }
0x52: {  	_ =	shalt  }
0x53: {  	_ =	shalt  }
0x54: {  	_ =	shalt  }
0x55: {  	_ =	shalt  }
0x56: {  	_ =	shalt  }
0x57: {  	_ =	shalt  }
0x58: {  	_ =	shalt  }
0x59: {  	_ =	shalt  }
0x5a: {  	_ =	shalt  }
0x5b: {  	_ =	shalt  }
0x5c: {  	_ =	shalt  }
0x5d: {  	_ =	shalt  }
0x5e: {  	_ =	shalt  }
0x5f: {  	_ =	shalt  }
0x60: {  	_ =	shalt  }
0x61: {  	_ =	shalt  }
0x62: {  	_ =	shalt  }
0x63: {  	_ =	shalt  }
0x64: {  	_ =	shalt  }
0x65: {  	_ =	shalt  }
0x66: {  	_ =	shalt  }
0x67: {  	_ =	shalt  }
0x68: {  	_ =	shalt  }
0x69: {  	_ =	shalt  }
0x6a: {  	_ =	shalt  }
0x6b: {  	_ =	shalt  }
0x6c: {  	_ =	shalt  }
0x6d: {  	_ =	shalt  }
0x6e: {  	_ =	shalt  }
0x6f: {  	_ =	shalt  }
0x70: {  	_ =	shalt  }
0x71: {  	_ =	shalt  }
0x72: {  	_ =	shalt  }
0x73: {  	_ =	shalt  }
0x74: {  	_ =	shalt  }
0x75: {  	_ =	shalt  }
0x76: {  	_ =	shalt  }
0x77: {  	_ =	shalt  }
0x78: {  	_ =	shalt  }
0x79: {  	_ =	shalt  }
0x7a: {  	_ =	shalt  }
0x7b: {  	_ =	shalt  }
0x7c: {  	_ =	shalt  }
0x7d: {  	_ =	shalt  }
0x7e: {  	_ =	shalt  }
0x7f: {  	_ =	shalt  }
0x80: {  	_ =	shalt  }
0x81: {  	_ =	shalt  }
0x82: {  	_ =	shalt  }
0x83: {  	_ =	shalt  }
0x84: {  	_ =	shalt  }
0x85: {  	_ =	shalt  }
0x86: {  	_ =	shalt  }
0x87: {  	_ =	shalt  }
.Lfunc_end0:
.L_simem_size_0:
called_computation.2_lowered:
.L_overlay_start_0:
0x88: {  	s2 =	sld [smem:$0x3FD9]  }
0x89: {  	s3 =	sld [smem:$0x3FFE];
	_ =	sdelay $0x1  }
0x8a: {  	s1 =	srdreg.scid  }
0x8b: {  	s0 =	sand.u32 $0x1, s1  }
0x8c: {  	s16 =	sshll.u32 s0, $0xA;
	s2 =	sadd.s32 s3, s2  }
0x8d: {  	s2 =	sadd.s32 s2, s16  }
0x8e: {  	[smem:$0x3FBA] =	sst s2  }
0x8f: {  	_ = 	snop  }
0x90: {  	(tm) =	ssettm $0x1  }
0x91: {  	s17 =	sld [smem:$0x3FFB];
	_ =	sdelay $0x3  }
0x92: {  	_ =	strace s17  }
0x93: {  	s2 =	sld [smem:$0x3FFC];
	_ =	sdelay $0x3  }
0x94: {  	_ =	strace s2  }
0x95: {  	s2 =	sld [smem:$0x3FFD];
	_ =	sdelay $0x3  }
0x96: {  	_ =	strace s2  }
0x97: {  	_ =	strace $0x8FFFFFFF  }
0x98: {  	s18 =	sld [smem:$0x3FDB];
	_ =	sdelay $0x1  }
0x99: {  	s19 =	simm.s32 $_scs_section_size  }
0x9a: {  	s4 =	simm.s32 $_size__tile_overlayer_lowered;
	s5 =	simm.s32 $_tile_overlayer_lowered  }
0x9b: {  	s22 =	simm.s32 $0x1BFF;
	s21 =	sshll.u32 s5, $0x1;
	s2 =	sadd.s32 s19, s18  }
0x9c: {  	s6 =	simm.s32 $0x0;
	s20 =	sshll.u32 s4, $0x1;
	s4 =	sadd.s32 s21, s2  }
0x9d: {  	[timem:s6], [sflag:s22] =	dma.local [hbm:s4], s20  }
0x9e: {  	_ =	swait.ge [sflag:s22], s20  }
0x9f: {  	s3 =	ssub.s32 $0x0, s20;
	[sflag:s22] =	ssyncset.done $0x0  }
0xa0: {  	[sflag:s22] =	ssyncadd.s32 s3;
	_ =	sdelay $0x1  }
0xa1: {  	s23 =	simm.s32 $0x1B8B  }
0xa2: {  	_ =	swait.ge [sflag:s23], $0x1  }
0xa3: {  	[sflag:s23] =	ssyncset.done $0x0  }
0xa4: {  	s25 =	simm.s32 $0x1B8E;
	s24 =	sld [smem:$0x3FFE];
	[sflag:s23] =	ssyncadd.s32 $0xFFFFFFFF  }
0xa5: {  	s26 =	simm.s32 $execute0_lowered;
	[smem:$0x3FD2] =	sst s25  }
0xa6: {  	s4 =	sshll.u32 s26, $0x1;
	_ =	strace $0x80000057;
	[dreg:$0x1] =	wrdreg $0xFFFFFFFF  }
0xa7: {  	s28 =	simm.s32 $_size_execute0_lowered;
	s2 =	sadd.s32 s2, s4;
	[dreg:$0x0] =	wrdreg $0x0  }
0xa8: {  	s4 =	sshll.u32 s28, $0x1;
	[dreg:$0x2] =	wrdreg s2  }
0xa9: {  	[dreg:$0x3] =	wrdreg s4  }
0xaa: {  	[dreg:$0x4] =	wrdreg $0xC0  }
0xab: {  	_ =	task [dreg:s6], $0x5FFFF  }
0xac: {  	[dreg:$0x1] =	wrdreg $0xFFFFFFFF  }
0xad: {  	[dreg:$0x0] =	wrdreg $0x60  }
0xae: {  	[dreg:$0x2] =	wrdreg s24  }
0xaf: {  	[dreg:$0x3] =	wrdreg $0x9  }
0xb0: {  	_ =	task.clear_ibuf [dreg:s6], $0x4FFFF;
	_ =	strace $0x90000057  }
0xb1: {  	s29 =	simm.s32 $0x9;
	_ =	strace $0x80000059  }
0xb2: {  	_ =	swait.ge [sflag:s29], $0x1  }
0xb3: {  	[sflag:s29] =	ssyncadd.s32 $0xFFFFFFFF  }
0xb4: {  	_ =	strace $0x90000059  }
0xb5: {  	_ =	sfence  }
0xb6: {  	s30 =	sld [smem:$0x0];
	_ =	sdelay $0x2  }
0xb7: {  	s31 =	sshll.u32 s1, $0xD;
	s1 =	sshrl.u32 s1, $0x2  }
0xb8: {  	s3 =	sand.u32 $0x4000, s31;
	s1 =	sadd.s32 s1, s30  }
0xb9: {  	s0 =	sor.u32 s3, s0;
	s1 =	sshll.u32 s1, $0x11  }
0xba: {  	s0 =	sor.u32 s1, s0  }
0xbb: {  	s0 =	sadd.s32 $0x8F2B, s0  }
0xbc: {  	[sflag:s0] =	ssyncadd.remote.s32 $0x1  }
0xbd: {  	_ =	sfence.sel $0xFFFF  }
0xbe: {  	[dreg:$0x0] =	wrdreg $0xFFFFFFFF;
	(pc) =	sbr.abs _section_cstart, $3  }
0xbf: {  	[dreg:$0x1] =	wrdreg $0xFFFFFFFF  }
0xc0: {  	_ =	task.clear_ibuf [dreg:s6], $0x2FFFF;
	_ =	strace $0x9FFFFFFF  }
0xc1: {  	(tm) =	ssettm $0x7FFFFFFF  }
tec
execute0_lowered:
.L_overlay_start_1:
0x0: {  	(tag) =	ssettag $0x1  }
0x1: {  	s1 =	srdreg.scid  }
0x2: {  	s0 =	stileid.u32;
	s6 =	rddreg [dreg:$0x0];
	s2 =	simm.s32 $0x0  }
0x3: {  	s12 =	simm.s32 $0x80;
	s13 =	simm.s32 $0x400;
	s14 =	simm.s32 $0xA800  }
0x4: {  	s15 =	simm.s32 $0x100;
	s16 =	simm.s32 $0xAB80;
	s19 =	simm.s32 $0x0  }
0x5: {  	s4 =	sand.u32 $0x1, s1;
	s3 =	sshrl.u32 s0, $0x2;
	s1 =	rddreg [dreg:$0x1]  }
0x6: {  	s31 =	sshll.u32 s0, $0x1;
	[smem:$0x7FF] =	sst s2;
	s8 =	smul.u32 $0x28C800, s3  }
0x7: {  	s5 =	sor.u32 s4, s31;
	s3 =	sshll.u32 s3, $0xA;
	_ =	strace $0x80000058  }
0x8: {  	s10 =	ssub.s32 $0x2, s4;
	s4 =	sadd.s32 $0xBA5000, s6;
	s9 =	smul.u32 $0x1400, s5  }
0x9: {  	s7 =	sshll.u32 s5, $0x7;
	s11 =	sshrl.u32 s10, $0x1;
	s17 =	smul.u32 $0x140, s5  }
0xa: {  	s7 =	sand.u32 $0x380, s7;
	s10 =	ssub.s32 s10, s11;
	s11 =	simm.s32 $0x1  }
0xb: {  	s8 =	sor.u32 s8, s7;
	s7 =	sor.u32 s3, s7;
	s3 =	sadd.s32 $0x3400, s6  }
.Ltmp0:
0xc: {  	s9 =	sadd.s32 s9, s6;
	s7 =	sshrl.u32 s7, $0x3;
	(pc) =	sbr.rel .LBB2_1-.Ltmp0, $4  }
0xd: {  	s18 =	sadd.s32 $0x140, s17;
	s8 =	sshrl.u32 s8, $0x3;
	s7 =	sadd.s32 s7, s6  }
0xe: {  	v0 =	vmov s17;
	s17 =	simm.s32 $0xA900;
	s8 =	sadd.s32 s8, s6;
	s5 =	sadd.s32 $0xBA4E00, s7  }
0xf: {  	v1 =	vmov s18;
	s18 =	simm.s32 $0x2;
	s6 =	sadd.s32 $0xA5EA00, s8;
	s7 =	sadd.s32 $0xD600, s9  }
0x10: {  	v2 =	vimm.f32 $-Inf;
	s8 =	smax.u32 s10, $0x1;
	s9 =	simm.s32 $0x12B80;
	s10 =	simm.s32 $0x3  }
.LBB2_10:
0x11: {  	s19 =	sadd.s32 $0x1, s19  }
0x12: {  	p0 =	sne.s32 s19, s8  }
.Ltmp1:
0x13: {  	_ = 	snop;
	(pc) =	sbr.rel @!p0 .LBB2_11-.Ltmp1, $4  }
0x14: {  	[hbm4b:s7+s2] =	stream.linear.scatter [tilespmem:s2], [sflag:$0x3], $0xA000, $0x38;
	[tilespmem:$0x12C00] =	vst v63  }
0x15: {  	_ =	swait.ge [sflag:s10], $0xA000  }
0x16: {  	[sflag:s10] =	ssyncset.done $0x0  }
0x17: {  	[sflag:s10] =	ssyncadd.s32 $0xFFFF6000  }
.LBB2_1:
0x18: {  	s20 =	simm.s32 $0x70;
	s21 =	simm.s32 $0x3C0  }
.LBB2_2:
0x19: {  	p0 =	sne.s32 s21, $0x29FC0;
	[tilespmem:s20+$0x0] =	vst v2  }
0x1a: {  	[tilespmem:s20+$0xFFFFFF90] =	vst v2  }
0x1b: {  	[tilespmem:s20+$0xFFFFFFA0] =	vst v2  }
.Ltmp2:
0x1c: {  	[tilespmem:s20+$0xFFFFFFB0] =	vst v2;
	(pc) =	sbr.rel @p0 .LBB2_2-.Ltmp2, $4  }
0x1d: {  	[tilespmem:s20+$0xFFFFFFC0] =	vst v2  }
0x1e: {  	[tilespmem:s20+$0xFFFFFFD0] =	vst v2  }
0x1f: {  	[tilespmem:s20+$0xFFFFFFE0] =	vst v2  }
0x20: {  	[tilespmem:s20+$0xFFFFFFF0] =	vst v2;
	s20 =	sshra.s32 s21, $0x2;
	s21 =	sadd.s32 $0x200, s21  }
0x21: {  	[tilespmem:s20+$0x0] =	vst v2  }
0x22: {  	[tilespmem:s20+$0xFFFFFF90] =	vst v2  }
0x23: {  	[tilespmem:s20+$0xFFFFFFA0] =	vst v2  }
0x24: {  	[tilespmem:s20+$0xFFFFFFB0] =	vst v2  }
0x25: {  	[tilespmem:s20+$0xFFFFFFC0] =	vst v2  }
0x26: {  	[tilespmem:s20+$0xFFFFFFD0] =	vst v2  }
0x27: {  	[tilespmem:s20+$0xFFFFFFE0] =	vst v2  }
0x28: {  	[tilespmem:s20+$0xFFFFFFF0] =	vst v2  }
0x29: {  	[tilespmem:s9], [sflag:$0x3] =	stream.linear.gather [hbm4b:s5+s2], $0x10, $0x38;
	[tilespmem:$0x12C00] =	vst v63  }
0x2a: {  	_ =	swait.ge [sflag:s10], $0x10  }
0x2b: {  	[sflag:s10] =	ssyncset.done $0x0  }
0x2c: {  	[sflag:s10] =	ssyncadd.s32 $0xFFFFFFF0  }
0x2d: {  	v3 =	vld [tilespmem:$0x12B80];
	_ =	sdelay $0x4  }
0x2e: {  	(v2sf) =	vpush v3, $0x0;
	_ =	sdelay $0xe  }
0x2f: {  	s30 =	spop (v2sf)  }
0x30: {  	s21 =	sand.u32 $0xFF, s30  }
0x31: {  	s31 =	sshra.s32 s30, $0x1F;
	p1 =	slt.s32 s30, $0x1;
	p0 =	sne.s32 s21, $0x0  }
0x32: {  	s21 =	sshrl.u32 s31, $0x18;
	p0 =	por !p1, !p0  }
0x33: {  	s20 =	sadd.s32 s21, s30;
	s21 =	simm.s32 $0x1;
	p0 =	por !p0, !p0  }
0x34: {  	s20 =	sshra.s32 s20, $0x8;
	s21 =	simm.s32 @!p0 $0x0  }
0x35: {  	s20 =	ssub.s32 s20, s21  }
0x36: {  	p0 =	slt.s32 s20, $0x1  }
.Ltmp3:
0x37: {  	_ = 	snop;
	(pc) =	sbr.rel @p0 .LBB2_10-.Ltmp3, $1  }
0x38: {  	_ =	sdelay $0x3  }
0x39: {  	s21 =	simm.s32 $0x0  }
.LBB2_5:
0x3a: {  	s22 =	sshll.u32 s21, $0x8  }
0x3b: {  	s22 =	sand.u32 $0x1FFFFF00, s22  }
0x3c: {  	s22 =	sadd.s32 s22, s6  }
0x3d: {  	[tilespmem:s14], [sflag:$0x3] =	stream.strided.gather [hbm4b:s22+s12], $0x100, s13, s12, $0x38;
	[tilespmem:$0x12C00] =	vst v63  }
0x3e: {  	_ =	swait.ge [sflag:s10], $0x100  }
0x3f: {  	[sflag:s10] =	ssyncset.done $0x0  }
0x40: {  	[sflag:s10] =	ssyncadd.s32 $0xFFFFFF00  }
0x41: {  	[tilespmem:s16], [sflag:$0x1] =	stream.indirect.gather [hbm4b:s4+s15], $0x80, s14, s15, $0xb8;
	[tilespmem:$0x12C00] =	vst v63  }
0x42: {  	_ = 	snop  }
0x43: {  	[tilespmem:s17], [sflag:$0x2] =	stream.indirect.gather [hbm4b:s3+s15], $0x1, s14, s15, $0xb8;
	[tilespmem:$0x12C00] =	vst v63  }
0x44: {  	_ =	swait.ge [sflag:s18], $0x100  }
0x45: {  	[sflag:s18] =	ssyncset.done $0x0  }
0x46: {  	s22 =	simm.s32 $0x0;
	[sflag:s18] =	ssyncadd.s32 $0xFFFFFF00  }
0x47: {  	s23 =	simm.s32 $0x40;
	v3 =	vld [tilespmem:s22+$0xA900]  }
.LBB2_6:
0x48: {  	_ =	sdelay $0x1  }
0x49: {  	p0 =	sne.s32 s23, $0x3C0  }
.Ltmp4:
0x4a: {  	_ = 	snop;
	(pc) =	sbr.rel @p0 .LBB2_6-.Ltmp4, $4  }
0x4b: {  	vm0 =	vge.s32 v3, v0;
	vm1 =	vlt.s32 v3, v1  }
0x4c: {  	v4 =	vsub.s32 v3, v0;
	vm0 =	vmand vm0, vm1  }
0x4d: {  	s24 =	sshra.s32 s23, $0x2;
	v4 =	vnsel vm0, $0x140, v4  }
0x4e: {  	s23 =	sadd.s32 $0x40, s23;
	v3 =	vld [tilespmem:s24+$0xA900];
	[tilespmem:s22+$0xAA00] =	vst v4;
	s22 =	smov.u32 s24  }
0x4f: {  	_ =	sdelay $0x3  }
0x50: {  	vm0 =	vge.s32 v3, v0;
	vm1 =	vlt.s32 v3, v1  }
0x51: {  	v3 =	vsub.s32 v3, v0;
	vm0 =	vmand vm0, vm1  }
0x52: {  	v3 =	vnsel vm0, $0x140, v3  }
0x53: {  	[tilespmem:s22+$0xAA00] =	vst v3  }
0x54: {  	_ =	swait.ge [sflag:s11], $0x8000  }
0x55: {  	[sflag:s11] =	ssyncset.done $0x0  }
0x56: {  	s31 =	simm.s32 $0x0;
	[sflag:s11] =	ssyncadd.s32 $0xFFFF8000  }
0x57: {  	v3 =	vld [tilespmem:s31+$0xAA00];
	_ =	sdelay $0x4  }
0x58: {  	(v2sf) =	vpush v3, $0x0;
	_ =	sdelay $0xe  }
0x59: {  	s23 =	spop (v2sf)  }
0x5a: {  	s22 =	simm.s32 $0xABC0;
	s23 =	sshll.u32 s23, $0x9  }
0x5b: {  	v3 =	vld [tilespmem:s22+$0xFFFFFFC0];
	s23 =	sshra.s32 s23, $0x2  }
0x5c: {  	v4 =	vld [tilespmem:s23+$0x0];
	_ =	sdelay $0x4  }
0x5d: {  	v3 =	vmax.f32 v4, v3  }
0x5e: {  	[tilespmem:s23+$0x0] =	vst v3;
	v3 =	vld [tilespmem:s23+$0x10]  }
0x5f: {  	v4 =	vld [tilespmem:s22+$0xFFFFFFD0];
	_ =	sdelay $0x4  }
0x60: {  	v3 =	vmax.f32 v3, v4  }
0x61: {  	[tilespmem:s23+$0x10] =	vst v3;
	v3 =	vld [tilespmem:s23+$0x20]  }
0x62: {  	v4 =	vld [tilespmem:s22+$0xFFFFFFE0];
	_ =	sdelay $0x4  }
0x63: {  	v3 =	vmax.f32 v3, v4  }
0x64: {  	[tilespmem:s23+$0x20] =	vst v3;
	v3 =	vld [tilespmem:s23+$0x30]  }
0x65: {  	v4 =	vld [tilespmem:s22+$0xFFFFFFF0];
	_ =	sdelay $0x4  }
0x66: {  	v3 =	vmax.f32 v3, v4  }
0x67: {  	[tilespmem:s23+$0x30] =	vst v3;
	v3 =	vld [tilespmem:s23+$0x40]  }
0x68: {  	v4 =	vld [tilespmem:s22+$0x0];
	_ =	sdelay $0x4  }
0x69: {  	v3 =	vmax.f32 v3, v4  }
0x6a: {  	[tilespmem:s23+$0x40] =	vst v3;
	v3 =	vld [tilespmem:s23+$0x50]  }
0x6b: {  	v4 =	vld [tilespmem:s22+$0x10];
	_ =	sdelay $0x4  }
0x6c: {  	v3 =	vmax.f32 v3, v4  }
0x6d: {  	[tilespmem:s23+$0x50] =	vst v3;
	v3 =	vld [tilespmem:s23+$0x60]  }
0x6e: {  	v4 =	vld [tilespmem:s22+$0x20];
	_ =	sdelay $0x4  }
0x6f: {  	v3 =	vmax.f32 v3, v4  }
0x70: {  	[tilespmem:s23+$0x60] =	vst v3;
	v3 =	vld [tilespmem:s23+$0x70]  }
0x71: {  	v4 =	vld [tilespmem:s22+$0x30];
	_ =	sdelay $0x4  }
0x72: {  	s24 =	simm.s32 $0x4;
	s26 =	simm.s32 $0x8;
	v3 =	vmax.f32 v3, v4  }
.LBB2_8:
0x73: {  	s28 =	sshra.s32 s24, $0x2  }
0x74: {  	[tilespmem:s23+$0x70] =	vst v3;
	s22 =	sadd.s32 $0x80, s22;
	s24 =	smov.u32 s26;
	s25 =	sadd.s32 $0x4, s26  }
0x75: {  	p0 =	sne.s32 s26, $0x3FC;
	v3 =	vld [tilespmem:s28+$0xAA00];
	_ =	sdelay $0x4  }
0x76: {  	(v2sf) =	vpush v3, $0x0;
	_ =	sdelay $0xe  }
0x77: {  	s23 =	spop (v2sf)  }
0x78: {  	s23 =	sshll.u32 s23, $0x9  }
0x79: {  	s23 =	sshra.s32 s23, $0x2;
	v3 =	vld [tilespmem:s22+$0xFFFFFFC0]  }
0x7a: {  	v4 =	vld [tilespmem:s23+$0x0];
	_ =	sdelay $0x4  }
0x7b: {  	v3 =	vmax.f32 v4, v3  }
0x7c: {  	[tilespmem:s23+$0x0] =	vst v3;
	v3 =	vld [tilespmem:s23+$0x10]  }
0x7d: {  	v4 =	vld [tilespmem:s22+$0xFFFFFFD0];
	_ =	sdelay $0x4  }
0x7e: {  	v3 =	vmax.f32 v3, v4  }
0x7f: {  	[tilespmem:s23+$0x10] =	vst v3;
	v3 =	vld [tilespmem:s23+$0x20]  }
0x80: {  	v4 =	vld [tilespmem:s22+$0xFFFFFFE0];
	_ =	sdelay $0x4  }
0x81: {  	v3 =	vmax.f32 v3, v4  }
0x82: {  	[tilespmem:s23+$0x20] =	vst v3;
	v3 =	vld [tilespmem:s23+$0x30]  }
0x83: {  	v4 =	vld [tilespmem:s22+$0xFFFFFFF0];
	_ =	sdelay $0x4  }
0x84: {  	v3 =	vmax.f32 v3, v4  }
0x85: {  	[tilespmem:s23+$0x30] =	vst v3;
	v3 =	vld [tilespmem:s23+$0x40]  }
0x86: {  	v4 =	vld [tilespmem:s22+$0x0];
	_ =	sdelay $0x4  }
0x87: {  	v3 =	vmax.f32 v3, v4  }
0x88: {  	[tilespmem:s23+$0x40] =	vst v3;
	v3 =	vld [tilespmem:s23+$0x50]  }
0x89: {  	v4 =	vld [tilespmem:s22+$0x10];
	_ =	sdelay $0x4  }
0x8a: {  	v3 =	vmax.f32 v3, v4  }
0x8b: {  	[tilespmem:s23+$0x50] =	vst v3;
	v3 =	vld [tilespmem:s23+$0x60]  }
0x8c: {  	v4 =	vld [tilespmem:s22+$0x20];
	_ =	sdelay $0x4  }
0x8d: {  	v3 =	vmax.f32 v3, v4  }
0x8e: {  	[tilespmem:s23+$0x60] =	vst v3;
	v3 =	vld [tilespmem:s23+$0x70]  }
0x8f: {  	v4 =	vld [tilespmem:s22+$0x30]  }
.Ltmp5:
0x90: {  	(pc) =	sbr.rel @p0 .LBB2_8-.Ltmp5, $2  }
0x91: {  	_ =	sdelay $0x2  }
0x92: {  	s26 =	smov.u32 s25;
	v3 =	vmax.f32 v3, v4  }
0x93: {  	s24 =	sshra.s32 s24, $0x2;
	[tilespmem:s23+$0x70] =	vst v3  }
0x94: {  	v3 =	vld [tilespmem:s24+$0xAA00];
	_ =	sdelay $0x4  }
0x95: {  	(v2sf) =	vpush v3, $0x0;
	_ =	sdelay $0xe  }
0x96: {  	s31 =	spop (v2sf)  }
0x97: {  	s22 =	sadd.s32 $0x80, s22;
	s23 =	sshll.u32 s31, $0x9  }
0x98: {  	v3 =	vld [tilespmem:s22+$0xFFFFFFC0];
	s23 =	sshra.s32 s23, $0x2  }
0x99: {  	v4 =	vld [tilespmem:s23+$0x0];
	_ =	sdelay $0x4  }
0x9a: {  	v3 =	vmax.f32 v4, v3  }
0x9b: {  	[tilespmem:s23+$0x0] =	vst v3;
	v3 =	vld [tilespmem:s23+$0x10]  }
0x9c: {  	v57 =	vld [tilespmem:s22+$0xFFFFFFD0];
	_ =	sdelay $0x4  }
0x9d: {  	v3 =	vmax.f32 v3, v57  }
0x9e: {  	[tilespmem:s23+$0x10] =	vst v3;
	v3 =	vld [tilespmem:s23+$0x20]  }
0x9f: {  	v58 =	vld [tilespmem:s22+$0xFFFFFFE0];
	_ =	sdelay $0x4  }
0xa0: {  	v3 =	vmax.f32 v3, v58  }
0xa1: {  	[tilespmem:s23+$0x20] =	vst v3;
	v3 =	vld [tilespmem:s23+$0x30]  }
0xa2: {  	v59 =	vld [tilespmem:s22+$0xFFFFFFF0];
	_ =	sdelay $0x4  }
0xa3: {  	v3 =	vmax.f32 v3, v59  }
0xa4: {  	[tilespmem:s23+$0x30] =	vst v3;
	v3 =	vld [tilespmem:s23+$0x40]  }
0xa5: {  	v60 =	vld [tilespmem:s22+$0x0];
	_ =	sdelay $0x4  }
0xa6: {  	v3 =	vmax.f32 v3, v60  }
0xa7: {  	[tilespmem:s23+$0x40] =	vst v3;
	v3 =	vld [tilespmem:s23+$0x50]  }
0xa8: {  	v61 =	vld [tilespmem:s22+$0x10];
	_ =	sdelay $0x4  }
0xa9: {  	v3 =	vmax.f32 v3, v61  }
0xaa: {  	[tilespmem:s23+$0x50] =	vst v3;
	v3 =	vld [tilespmem:s23+$0x60]  }
0xab: {  	v62 =	vld [tilespmem:s22+$0x20];
	_ =	sdelay $0x4  }
0xac: {  	v3 =	vmax.f32 v3, v62  }
0xad: {  	[tilespmem:s23+$0x60] =	vst v3;
	v3 =	vld [tilespmem:s23+$0x70]  }
0xae: {  	s21 =	sadd.s32 $0x1, s21;
	v63 =	vld [tilespmem:s22+$0x30]  }
0xaf: {  	p0 =	sne.s32 s21, s20  }
.Ltmp6:
0xb0: {  	_ = 	snop;
	(pc) =	sbr.rel @p0 .LBB2_5-.Ltmp6, $4  }
.Ltmp7:
0xb1: {  	_ = 	snop;
	(pc) =	sbr.rel @!p0 .LBB2_10-.Ltmp7, $4  }
0xb2: {  	_ = 	snop  }
0xb3: {  	v3 =	vmax.f32 v3, v63  }
0xb4: {  	[tilespmem:s23+$0x70] =	vst v3  }
0xb5: {  	_ = 	snop  }
.LBB2_11:
0xb6: {  	_ =	sfence.sel $0x180000  }
0xb7: {  	[bflag:$0x0] =	sbarrier.arrive $0xFFFF  }
0xb8: {  	p0 =	sne.s32 s0, $0x0;
	_ =	strace $0x90000058  }
0xb9: {  	s0 =	sadd.s32 @!p0 $0x100000, s1;
	[bflag:$0x2] =	sbarrier.arrive $0xFFFF  }
0xba: {  	[sflag:s0] =	ssyncadd.tile.s32 @!p0 $0x1;
	_ =	shalt  }
.Lfunc_end2:
_tile_overlayer_lowered:
.L_overlay_start_2:
0xbb: {  	(tag) =	ssettag $0x2  }
0xbc: {  	s0 =	rddreg [dreg:$0x0];
	s2 =	stileid.u32  }
0xbd: {  	s1 =	rddreg [dreg:$0x1];
	p0 =	sne.s32 s2, $0x0  }
0xbe: {  	s3 =	rddreg [dreg:$0x2];
	[bflag:$0x3] =	sbarrier.arrive $0xFFFF;
	s2 =	simm.s32 @!p0 $0x1C03  }
0xbf: {  	[timem:s3], [sflag:s2] =	dma.local @!p0 [hbm:s0], s1  }
0xc0: {  	s0 =	simm.s32 @!p0 $0x3  }
0xc1: {  	_ =	swait.ge @!p0 [sflag:s0], s1  }
0xc2: {  	s1 =	ssub.s32 @!p0 $0x0, s1;
	[sflag:s0] =	ssyncset.done @!p0 $0x0  }
0xc3: {  	[sflag:s0] =	ssyncadd.s32 @!p0 s1  }
0xc4: {  	[bflag:$0x3] =	sbarrier.arrive $0xFFFF  }
0xc5: {  	_ =	shalt  }

// kernel: kernel.8.cloned.1.call-start
scs
__scs_entry_jumppad:
0x0: {  	(pc) =	sbr.rel $0x88, $3  }
0x1: {  	(tag) =	ssettag $0x0;
	lr =	simm.s32 $0x1  }
0x2: {  	[smem:$0x3F93] =	sst lr;
	_ =	strace $0xD0000000  }
0x3: {  	_ = 	snop  }
0x4: {  	_ = 	snop  }
0x5: {  	_ = 	snop  }
0x6: {  	_ = 	snop  }
0x7: {  	_ = 	snop  }
__scs_overlays_trampoline_lowered:
0x8: {  	[smem:$0x3FA2] =	sst s0  }
0x9: {  	[smem:$0x3FA3] =	sst s1  }
0xa: {  	[smem:$0x3FA4] =	sst s2  }
0xb: {  	[smem:$0x3FA5] =	sst s3  }
0xc: {  	[smem:$0x3FA6] =	sst s4  }
0xd: {  	[smem:$0x3FA7] =	sst s5  }
0xe: {  	[smem:$0x3FA8] =	sst s6  }
0xf: {  	[smem:$0x3FA9] =	sst s7  }
0x10: {  	[smem:$0x3FAA] =	sst s8  }
0x11: {  	[smem:$0x3FAB] =	sst s9;
	s0 =	simm.s32 @!p0 $0x0  }
0x12: {  	s1 =	sld [smem:$0x3F91];
	s0 =	simm.s32 @p0 $0x1  }
0x13: {  	[smem:$0x3FAC] =	sst s0;
	s0 =	simm.s32 @!p1 $0x0  }
0x14: {  	s2 =	sld [smem:$0x3F90];
	s0 =	simm.s32 @p1 $0x1  }
0x15: {  	[smem:$0x3FAD] =	sst s0;
	s0 =	simm.s32 @!p2 $0x0  }
0x16: {  	s3 =	sld [smem:$0x3FDB];
	s0 =	simm.s32 @p2 $0x1  }
0x17: {  	s4 =	simm.s32 $0x1BF5;
	[smem:$0x3FAF] =	sst s0  }
0x18: {  	s0 =	sld [smem:$0x3F92];
	_ =	swait.ge [sflag:s4], $0x0  }
0x19: {  	s7 =	sld [smem:$0x3F93]  }
0x1a: {  	s8 =	sadd.s32 $0xFFFFE003, lr  }
0x1b: {  	s9 =	sadd.s32 $0xFFFFFEF7, lr;
	s5 =	simm.s32 $0xFFFFFFFF;
	p2 =	slt.u32 s8, $0xFFFFF086  }
0x1c: {  	p1 =	slt.u32 s9, $0xF7A;
	s5 =	simm.s32 @!p2 $0x0  }
0x1d: {  	s5 =	simm.s32 @p1 $0x1;
	p0 =	seq.s32 s7, s2  }
0x1e: {  	s7 =	smul.u32 @!p0 $0xF7A, s2;
	p2 =	seq.s32 @!p0 s5, $0x0  }
0x1f: {  	s9 =	smul.u32 $0xF7A, s1;
	s8 =	simm.s32 @!p0 $0x1BF5;
	p2 =	por !p2, p0  }
0x20: {  	[sflag:s8] =	ssyncset.s32 @!p0 $0xFFFFF086;
	s6 =	sadd.s32 @!p0 s3, s7;
	s7 =	simm.s32 @!p0 $0x108  }
0x21: {  	s3 =	sadd.s32 s3, s9;
	s6 =	sadd.s32 @!p0 $0x88, s6;
	s7 =	simm.s32 @p2 $0x1082  }
0x22: {  	[simem:s7], [sflag:s8] =	dma.local @!p0 [hbm:s6], $0xF7A  }
0x23: {  	s9 =	sor.u32 $0xD0000000, s2;
	s6 =	simm.s32 $0x108;
	_ =	swait.ge @!p0 [sflag:s8], $0x0  }
0x24: {  	s3 =	sadd.s32 $0x88, s3;
	s6 =	simm.s32 @!p1 $0x1082;
	[sflag:s4] =	ssyncset.s32 $0xFFFFF086  }
0x25: {  	[simem:s6], [sflag:s4] =	dma.local [hbm:s3], $0xF7A  }
0x26: {  	[smem:$0x3F93] =	sst s1;
	(tag) =	ssettag s2;
	_ =	strace s9  }
0x27: {  	s1 =	sld [smem:$0x3FA3]  }
0x28: {  	s2 =	sld [smem:$0x3FA4]  }
0x29: {  	s4 =	sld [smem:$0x3FA6]  }
0x2a: {  	p0 =	seq.s32 s5, $0x0;
	s5 =	sld [smem:$0x3FA7]  }
0x2b: {  	s6 =	sld [smem:$0x3FA8]  }
0x2c: {  	s7 =	sld [smem:$0x3FA9]  }
0x2d: {  	s3 =	simm.s32 $0x108;
	s8 =	sld [smem:$0x3FAA]  }
0x2e: {  	s3 =	simm.s32 @!p0 $0x1082;
	s9 =	sld [smem:$0x3FAB]  }
0x2f: {  	lr =	sadd.s32 s0, s3;
	s0 =	sld [smem:$0x3FA2]  }
0x30: {  	s3 =	sld [smem:$0x3FA5]  }
0x31: {  	[smem:$0x3FAE] =	sst s10  }
0x32: {  	s10 =	sld [smem:$0x3FAC];
	_ =	sdelay $0x3  }
0x33: {  	p0 =	seq.s32 s10, $0x1;
	s10 =	sld [smem:$0x3FAE];
	_ =	sdelay $0x3  }
0x34: {  	[smem:$0x3FAE] =	sst s10  }
0x35: {  	s10 =	sld [smem:$0x3FAD];
	_ =	sdelay $0x3  }
0x36: {  	p1 =	seq.s32 s10, $0x1;
	s10 =	sld [smem:$0x3FAE];
	_ =	sdelay $0x3  }
0x37: {  	[smem:$0x3FAE] =	sst s10  }
0x38: {  	s10 =	sld [smem:$0x3FAF]  }
0x39: {  	_ = 	snop;
	(pc) =	sbr.ind lr, $3  }
0x3a: {  	_ = 	snop  }
0x3b: {  	_ = 	snop  }
0x3c: {  	p2 =	seq.s32 s10, $0x1;
	s10 =	sld [smem:$0x3FAE]  }
0x3d: {  	_ =	shalt  }
0x3e: {  	_ =	shalt  }
0x3f: {  	_ =	shalt  }
0x40: {  	_ =	shalt  }
0x41: {  	_ =	shalt  }
0x42: {  	_ =	shalt  }
0x43: {  	_ =	shalt  }
0x44: {  	_ =	shalt  }
0x45: {  	_ =	shalt  }
0x46: {  	_ =	shalt  }
0x47: {  	_ =	shalt  }
0x48: {  	_ =	shalt  }
0x49: {  	_ =	shalt  }
0x4a: {  	_ =	shalt  }
0x4b: {  	_ =	shalt  }
0x4c: {  	_ =	shalt  }
0x4d: {  	_ =	shalt  }
0x4e: {  	_ =	shalt  }
0x4f: {  	_ =	shalt  }
0x50: {  	_ =	shalt  }
0x51: {  	_ =	shalt  }
0x52: {  	_ =	shalt  }
0x53: {  	_ =	shalt  }
0x54: {  	_ =	shalt  }
0x55: {  	_ =	shalt  }
0x56: {  	_ =	shalt  }
0x57: {  	_ =	shalt  }
0x58: {  	_ =	shalt  }
0x59: {  	_ =	shalt  }
0x5a: {  	_ =	shalt  }
0x5b: {  	_ =	shalt  }
0x5c: {  	_ =	shalt  }
0x5d: {  	_ =	shalt  }
0x5e: {  	_ =	shalt  }
0x5f: {  	_ =	shalt  }
0x60: {  	_ =	shalt  }
0x61: {  	_ =	shalt  }
0x62: {  	_ =	shalt  }
0x63: {  	_ =	shalt  }
0x64: {  	_ =	shalt  }
0x65: {  	_ =	shalt  }
0x66: {  	_ =	shalt  }
0x67: {  	_ =	shalt  }
0x68: {  	_ =	shalt  }
0x69: {  	_ =	shalt  }
0x6a: {  	_ =	shalt  }
0x6b: {  	_ =	shalt  }
0x6c: {  	_ =	shalt  }
0x6d: {  	_ =	shalt  }
0x6e: {  	_ =	shalt  }
0x6f: {  	_ =	shalt  }
0x70: {  	_ =	shalt  }
0x71: {  	_ =	shalt  }
0x72: {  	_ =	shalt  }
0x73: {  	_ =	shalt  }
0x74: {  	_ =	shalt  }
0x75: {  	_ =	shalt  }
0x76: {  	_ =	shalt  }
0x77: {  	_ =	shalt  }
0x78: {  	_ =	shalt  }
0x79: {  	_ =	shalt  }
0x7a: {  	_ =	shalt  }
0x7b: {  	_ =	shalt  }
0x7c: {  	_ =	shalt  }
0x7d: {  	_ =	shalt  }
0x7e: {  	_ =	shalt  }
0x7f: {  	_ =	shalt  }
0x80: {  	_ =	shalt  }
0x81: {  	_ =	shalt  }
0x82: {  	_ =	shalt  }
0x83: {  	_ =	shalt  }
0x84: {  	_ =	shalt  }
0x85: {  	_ =	shalt  }
0x86: {  	_ =	shalt  }
0x87: {  	_ =	shalt  }
.Lfunc_end0:
.L_simem_size_0:
called_computation_lowered:
.L_overlay_start_0:
0x88: {  	s2 =	sld [smem:$0x3FD9]  }
0x89: {  	s3 =	sld [smem:$0x3FFE];
	_ =	sdelay $0x1  }
0x8a: {  	s1 =	srdreg.scid  }
0x8b: {  	s0 =	sand.u32 $0x1, s1  }
0x8c: {  	s17 =	sshll.u32 s0, $0xA;
	s2 =	sadd.s32 s3, s2  }
0x8d: {  	s2 =	sadd.s32 s2, s17  }
0x8e: {  	[smem:$0x3FBA] =	sst s2  }
0x8f: {  	_ = 	snop  }
0x90: {  	s2 =	sld [smem:$0x3FD0];
	(tm) =	ssettm $0x1  }
0x91: {  	s18 =	sld [smem:$0x3FFB];
	_ =	sdelay $0x3  }
0x92: {  	_ =	strace s18  }
0x93: {  	s3 =	sld [smem:$0x3FFC];
	_ =	sdelay $0x3  }
0x94: {  	_ =	strace s3  }
0x95: {  	s3 =	sld [smem:$0x3FFD];
	_ =	sdelay $0x3  }
0x96: {  	_ =	strace s3  }
0x97: {  	_ =	strace $0x8FFFFFFF  }
0x98: {  	s19 =	sld [smem:$0x3FDB];
	_ =	sdelay $0x1  }
0x99: {  	s4 =	simm.s32 $_scs_section_size  }
0x9a: {  	s5 =	simm.s32 $_size__tile_overlayer_lowered;
	s6 =	simm.s32 $_tile_overlayer_lowered  }
0x9b: {  	s22 =	simm.s32 $0x1BFF;
	s21 =	sshll.u32 s6, $0x1;
	s3 =	sadd.s32 s4, s19  }
0x9c: {  	s7 =	simm.s32 $0x0;
	s20 =	sshll.u32 s5, $0x1;
	s5 =	sadd.s32 s21, s3  }
0x9d: {  	[timem:s7], [sflag:s22] =	dma.local [hbm:s5], s20  }
0x9e: {  	_ =	swait.ge [sflag:s22], s20  }
0x9f: {  	s4 =	ssub.s32 $0x0, s20;
	[sflag:s22] =	ssyncset.done $0x0  }
0xa0: {  	[sflag:s22] =	ssyncadd.s32 s4;
	_ =	sdelay $0x1  }
0xa1: {  	s23 =	simm.s32 $0x1B8B  }
0xa2: {  	_ =	swait.ge [sflag:s23], $0x1  }
0xa3: {  	[sflag:s23] =	ssyncset.done $0x0  }
0xa4: {  	s25 =	simm.s32 $0x1B8E;
	s24 =	sld [smem:$0x3FFE];
	[sflag:s23] =	ssyncadd.s32 $0xFFFFFFFF  }
0xa5: {  	s26 =	simm.s32 $execute0_lowered;
	[smem:$0x3FD2] =	sst s25  }
0xa6: {  	s5 =	sshll.u32 s26, $0x1;
	_ =	strace $0x80000046;
	[dreg:$0x1] =	wrdreg $0xFFFFFFFF  }
0xa7: {  	s28 =	simm.s32 $_size_execute0_lowered;
	s3 =	sadd.s32 s3, s5;
	[dreg:$0x0] =	wrdreg $0x0  }
0xa8: {  	s5 =	sshll.u32 s28, $0x1;
	[dreg:$0x2] =	wrdreg s3  }
0xa9: {  	[dreg:$0x3] =	wrdreg s5  }
0xaa: {  	[dreg:$0x4] =	wrdreg $0xC0  }
0xab: {  	_ =	task [dreg:s7], $0x5FFFF  }
0xac: {  	[dreg:$0x1] =	wrdreg $0xFFFFFFFF  }
0xad: {  	[dreg:$0x0] =	wrdreg $0x60  }
0xae: {  	[dreg:$0x2] =	wrdreg s2  }
0xaf: {  	[dreg:$0x3] =	wrdreg s24  }
0xb0: {  	[dreg:$0x4] =	wrdreg $0x9  }
0xb1: {  	_ =	task.clear_ibuf [dreg:s7], $0x5FFFF;
	_ =	strace $0x90000046  }
0xb2: {  	s29 =	simm.s32 $0x9;
	_ =	strace $0x80000053  }
0xb3: {  	_ =	swait.ge [sflag:s29], $0x1  }
0xb4: {  	[sflag:s29] =	ssyncadd.s32 $0xFFFFFFFF  }
0xb5: {  	_ =	strace $0x90000053  }
0xb6: {  	_ =	sfence  }
0xb7: {  	s30 =	sld [smem:$0x0];
	_ =	sdelay $0x2  }
0xb8: {  	s31 =	sshll.u32 s1, $0xD;
	s1 =	sshrl.u32 s1, $0x2  }
0xb9: {  	s3 =	sand.u32 $0x4000, s31;
	s1 =	sadd.s32 s1, s30  }
0xba: {  	s0 =	sor.u32 s3, s0;
	s1 =	sshll.u32 s1, $0x11  }
0xbb: {  	s0 =	sor.u32 s1, s0  }
0xbc: {  	s0 =	sadd.s32 $0x8F2B, s0  }
0xbd: {  	[sflag:s0] =	ssyncadd.remote.s32 $0x1  }
0xbe: {  	_ =	sfence.sel $0xFFFF  }
0xbf: {  	[dreg:$0x0] =	wrdreg $0xFFFFFFFF;
	(pc) =	sbr.abs _section_cstart, $3  }
0xc0: {  	[dreg:$0x1] =	wrdreg $0xFFFFFFFF  }
0xc1: {  	_ =	task.clear_ibuf [dreg:s7], $0x2FFFF;
	_ =	strace $0x9FFFFFFF  }
0xc2: {  	(tm) =	ssettm $0x7FFFFFFF  }
0xc3: {  	_ =	shalt  }
tec
execute0_lowered:
.L_overlay_start_1:
0x0: {  	(tag) =	ssettag $0x1  }
0x1: {  	s1 =	rddreg [dreg:$0x0]  }
0x2: {  	s0 =	rddreg [dreg:$0x1];
	s2 =	simm.s32 $0x0;
	s3 =	srdreg.scid  }
0x3: {  	s7 =	stileid.u32;
	s14 =	simm.s32 $0x80;
	s15 =	simm.s32 $0x9  }
0x4: {  	s16 =	simm.s32 $0xA;
	s17 =	simm.s32 $0x0;
	s3 =	sand.u32 $0x1, s3  }
0x5: {  	[smem:$0x7FF] =	sst s2;
	s4 =	sadd.s32 $0x17800, s0;
	s6 =	sshll.u32 s3, $0x4  }
0x6: {  	s5 =	sadd.s32 $0x3400, s0;
	s8 =	sadd.s32 $0x54EA00, s0;
	s9 =	sor.u32 s7, s6  }
0x7: {  	_ =	strace $0x80000047;
	s3 =	ssub.s32 $0x2, s3;
	s11 =	smul.u32 $0x510, s9  }
0x8: {  	s6 =	sadd.s32 $0xD600, s0;
	s10 =	sshrl.u32 s3, $0x1;
	s7 =	sadd.s32 $0x3EA00, s0  }
0x9: {  	s30 =	ssub.s32 s3, s10;
	s9 =	smul.u32 $0x51, s9;
	s31 =	sadd.s32 s5, s11  }
0xa: {  	s12 =	smax.u32 s30, $0x1;
	s11 =	sadd.s32 s6, s11;
	[dreg:$0x3] =	wrdreg s31  }
.LBB2_1:
0xb: {  	_ =	strace $0x80000048;
	s31 =	simm.s32 $0x100  }
0xc: {  	s28 =	simm.s32 $0x1;
	s19 =	simm.s32 $0x51;
	s29 =	simm.s32 $0x0  }
0xd: {  	s18 =	simm.s32 $0x0;
	s20 =	simm.s32 $0x0;
	s0 =	rddreg [dreg:$0x3]  }
0xe: {  	[tilespmem:s2], [sflag:$0x1] =	stream.linear.gather [hbm4b:s0+s2], $0x80, $0x200038;
	[tilespmem:$0x10200] =	vst v63  }
0xf: {  	s25 =	simm.s32 $0x0;
	s21 =	simm.s32 $0x0;
	s22 =	simm.s32 $0x0  }
0x10: {  	[tilespmem:s31], [sflag:$0x3] =	stream.linear.gather [hbm4b:s11+s2], $0x80, $0x200038;
	[tilespmem:$0x10200] =	vst v63  }
0x11: {  	s23 =	simm.s32 $0x1;
	s24 =	simm.s32 $0x0;
	_ =	strace $0x90000048  }
.LBB2_2:
0x12: {  	s26 =	sadd.s32 $0x1, s29  }
0x13: {  	p0 =	seq.s32 s26, $0x51  }
0x14: {  	s26 =	simm.s32 @p0 $0x0;
	p0 =	seq.s32 s19, $0x1  }
0x15: {  	p1 =	seq.s32 @!p0 s29, s26  }
0x16: {  	p2 =	por p1, p0  }
0x17: {  	s0 =	sadd.s32 @!p2 s9, s26  }
0x18: {  	s3 =	sand.u32 @!p2 $0x1, s28;
	s0 =	sshll.u32 @!p2 s0, $0x4  }
0x19: {  	_ =	strace @!p2 $0x80000049;
	s31 =	simm.s32 @!p2 $0x0;
	s0 =	sand.u32 @!p2 $0x1FFFFFF0, s0  }
0x1a: {  	s13 =	sshll.u32 @!p2 s3, $0x7;
	s3 =	sadd.s32 @!p2 $0x1, s3;
	s30 =	sadd.s32 @!p2 s5, s0  }
0x1b: {  	[tilespmem:s13], [sflag:s3] =	stream.linear.gather @!p2 [hbm4b:s30+s31], $0x80, $0x200038;
	[tilespmem:$0x10200] =	vst v63  }
0x1c: {  	s3 =	sand.u32 @!p2 $0x1, s23  }
0x1d: {  	s0 =	sadd.s32 @!p2 s6, s0;
	_ =	strace @!p2 $0x90000049;
	s13 =	sshll.u32 @!p2 s3, $0x7  }
0x1e: {  	s3 =	sadd.s32 @!p2 $0x3, s3;
	_ =	strace @!p2 $0x8000004A;
	s13 =	sor.u32 @!p2 $0x100, s13  }
0x1f: {  	[tilespmem:s13], [sflag:s3] =	stream.linear.gather @!p2 [hbm4b:s0+s31], $0x80, $0x200038;
	[tilespmem:$0x10200] =	vst v63  }
0x20: {  	s30 =	sand.u32 $0x1, s24;
	_ =	strace @!p2 $0x9000004A  }
0x21: {  	s0 =	sadd.s32 $0x1, s30;
	_ =	strace $0x8000004B  }
0x22: {  	_ =	swait.ge [sflag:s0], $0x80  }
0x23: {  	[sflag:s0] =	ssyncset.done $0x0  }
0x24: {  	[sflag:s0] =	ssyncadd.s32 $0xFFFFFF80  }
0x25: {  	s31 =	sand.u32 $0x1, s22;
	_ =	strace $0x9000004B  }
0x26: {  	s0 =	sadd.s32 $0x3, s31;
	_ =	strace $0x8000004C  }
0x27: {  	_ =	swait.ge [sflag:s0], $0x80  }
0x28: {  	s10 =	sshll.u32 s24, $0x7;
	[sflag:s0] =	ssyncset.done $0x0  }
0x29: {  	s30 =	sand.u32 $0x80, s10;
	s31 =	sand.u32 $0x1, s21;
	[sflag:s0] =	ssyncadd.s32 $0xFFFFFF80  }
0x2a: {  	s10 =	sshll.u32 s22, $0x7;
	s3 =	sshll.u32 s31, $0xE;
	_ =	strace $0x9000004C  }
0x2b: {  	s3 =	sor.u32 $0x200, s3;
	s0 =	sand.u32 $0x1, s20;
	_ =	strace $0x8000004D  }
0x2c: {  	[tilespmem:s3], [sflag:$0x9] =	stream.indirect.gather [hbm4b:s1+s14], $0x80, s30, s14, $0x2000b8;
	[tilespmem:$0x10200] =	vst v63  }
0x2d: {  	s10 =	sand.u32 $0x80, s10;
	s30 =	sshll.u32 s0, $0xE  }
0x2e: {  	s10 =	sor.u32 $0x100, s10;
	s13 =	sor.u32 $0x8200, s30  }
0x2f: {  	[tilespmem:s13], [sflag:$0xA] =	stream.indirect.gather [hbm4b:s4+s14], $0x80, s10, s14, $0x2000b8;
	[tilespmem:$0x10200] =	vst v63  }
0x30: {  	_ =	swait.ge [sflag:s15], $0x4000  }
0x31: {  	[sflag:s15] =	ssyncset.done $0x0  }
0x32: {  	[sflag:s15] =	ssyncadd.s32 $0xFFFFC000  }
0x33: {  	p3 =	por p0, !p1;
	_ =	swait.ge [sflag:s16], $0x4000  }
0x34: {  	s10 =	sadd.s32 @p3 s9, s29;
	[sflag:s16] =	ssyncset.done $0x0  }
0x35: {  	s10 =	sshll.u32 @p3 s10, $0xB;
	[sflag:s16] =	ssyncadd.s32 $0xFFFFC000  }
0x36: {  	s30 =	simm.s32 $0x0;
	s10 =	sand.u32 @p3 $0x1FFFF800, s10;
	_ =	strace $0x9000004D  }
0x37: {  	s29 =	sadd.s32 @p3 $0x5, s31;
	s30 =	sadd.s32 @p3 s7, s10;
	_ =	strace @p3 $0x8000004E  }
0x38: {  	[hbm4b:s30+s2] =	stream.linear.scatter @p3 [tilespmem:s3], [sflag:s29], $0x4000, $0x200038;
	[tilespmem:$0x10200] =	vst v63  }
0x39: {  	p1 =	por !p1, p0;
	s21 =	sadd.s32 @p3 $0x1, s21;
	_ =	strace @p3 $0x9000004E  }
0x3a: {  	s0 =	sadd.s32 @p3 $0x7, s0;
	s3 =	sadd.s32 @p3 s8, s10;
	_ =	strace @p3 $0x8000004F  }
0x3b: {  	[hbm4b:s3+s2] =	stream.linear.scatter @p3 [tilespmem:s13], [sflag:s0], $0x4000, $0x200038;
	[tilespmem:$0x10200] =	vst v63  }
0x3c: {  	s30 =	simm.s32 @p3 $0x1;
	_ =	strace @p3 $0x9000004F;
	p3 =	seq.s32 s19, $0x51  }
0x3d: {  	s29 =	smov.u32 s26;
	s20 =	sadd.s32 s20, s30;
	s0 =	sand.u32 @!p3 $0x1, s25  }
0x3e: {  	s24 =	sadd.s32 s24, s30;
	_ =	strace @!p3 $0x80000050;
	s0 =	sadd.s32 @!p3 $0x5, s0  }
0x3f: {  	s3 =	sadd.s32 @!p2 $0x1, s28;
	s13 =	smov.u32 s28;
	_ =	swait.ge @!p3 [sflag:s0], $0x4000  }
0x40: {  	s13 =	smov.u32 @p1 s3;
	s19 =	sadd.s32 $0xFFFFFFFF, s19;
	[sflag:s0] =	ssyncset.done @!p3 $0x0  }
0x41: {  	s10 =	sand.u32 @!p3 $0x1, s18;
	[sflag:s0] =	ssyncadd.s32 @!p3 $0xFFFFC000;
	s0 =	simm.s32 $0x0  }
0x42: {  	s13 =	smov.u32 @p0 s28;
	s3 =	simm.s32 @!p3 $0x1;
	s0 =	simm.s32 @p1 $0x1  }
0x43: {  	_ =	strace @!p3 $0x90000050;
	s0 =	simm.s32 @p0 $0x0;
	p0 =	sne.s32 s19, $0x0  }
.Ltmp0:
0x44: {  	s10 =	sadd.s32 @!p3 $0x7, s10;
	_ =	strace @!p3 $0x80000051;
	(pc) =	sbr.rel @p0 .LBB2_2-.Ltmp0, $4  }
0x45: {  	s22 =	sadd.s32 s22, s30;
	s3 =	simm.s32 @p3 $0x0;
	_ =	swait.ge @!p3 [sflag:s10], $0x4000  }
0x46: {  	s23 =	sadd.s32 s23, s0;
	s0 =	sadd.s32 @!p3 $0x1, s25;
	[sflag:s10] =	ssyncset.done @!p3 $0x0  }
0x47: {  	s28 =	smov.u32 s13;
	s0 =	smov.u32 @p3 s25;
	[sflag:s10] =	ssyncadd.s32 @!p3 $0xFFFFC000  }
0x48: {  	s18 =	sadd.s32 s18, s3;
	s25 =	smov.u32 s0;
	_ =	strace @!p3 $0x90000051  }
0x49: {  	s0 =	sand.u32 $0x1, s0  }
0x4a: {  	_ =	strace $0x80000052;
	s0 =	sadd.s32 $0x5, s0  }
0x4b: {  	s17 =	sadd.s32 $0x1, s17;
	_ =	swait.ge [sflag:s0], $0x4000  }
0x4c: {  	s3 =	sand.u32 $0x1, s18;
	p0 =	sne.s32 s17, s12;
	[sflag:s0] =	ssyncset.done $0x0  }
.Ltmp1:
0x4d: {  	s31 =	sadd.s32 $0x7, s3;
	[sflag:s0] =	ssyncadd.s32 $0xFFFFC000;
	(pc) =	sbr.rel @p0 .LBB2_1-.Ltmp1, $4  }
0x4e: {  	_ =	swait.ge [sflag:s31], $0x4000  }
0x4f: {  	[sflag:s31] =	ssyncset.done $0x0  }
0x50: {  	[sflag:s31] =	ssyncadd.s32 $0xFFFFC000  }
0x51: {  	_ =	strace $0x90000052  }
0x52: {  	_ =	sfence.sel $0x180000  }
0x53: {  	[bflag:$0x0] =	sbarrier.arrive $0xFFFF  }
0x54: {  	_ =	strace $0x90000047  }
0x55: {  	s0 =	stileid.u32;
	[bflag:$0x2] =	sbarrier.arrive $0xFFFF  }
0x56: {  	p0 =	sne.s32 s0, $0x0;
	s0 =	rddreg [dreg:$0x2]  }
0x57: {  	s0 =	sadd.s32 @!p0 $0x100000, s0  }
0x58: {  	[sflag:s0] =	ssyncadd.tile.s32 @!p0 $0x1;
	_ =	shalt  }
.Lfunc_end2:
_tile_overlayer_lowered:
.L_overlay_start_2:
0x59: {  	(tag) =	ssettag $0x2  }
0x5a: {  	s0 =	rddreg [dreg:$0x0];
	s2 =	stileid.u32  }
0x5b: {  	s1 =	rddreg [dreg:$0x1];
	p0 =	sne.s32 s2, $0x0  }
0x5c: {  	s3 =	rddreg [dreg:$0x2];
	[bflag:$0x3] =	sbarrier.arrive $0xFFFF;
	s2 =	simm.s32 @!p0 $0x1C01  }
0x5d: {  	[timem:s3], [sflag:s2] =	dma.local @!p0 [hbm:s0], s1  }
0x5e: {  	s0 =	simm.s32 @!p0 $0x1  }
0x5f: {  	_ =	swait.ge @!p0 [sflag:s0], s1  }
0x60: {  	s1 =	ssub.s32 @!p0 $0x0, s1;
	[sflag:s0] =	ssyncset.done @!p0 $0x0  }
0x61: {  	[sflag:s0] =	ssyncadd.s32 @!p0 s1  }
0x62: {  	[bflag:$0x3] =	sbarrier.arrive $0xFFFF  }
0x63: {  	_ =	shalt  }

</sc_bundles>
